<compile_context>
chip_gen: v7x
topology: tpu7x:2x2x1
jax: 0.10.2.dev20260603
libtpu: 0.0.44.dev20260713+nightly
codegen_flags: <defaults>
</compile_context>

<pallas_src>
import jax
import jax.numpy as jnp
from jax import lax
from jax.experimental import pallas as pl
from jax.experimental.pallas import tpu as pltpu
from jax.experimental.pallas import tpu_sc as plsc

N = 2048
D = 1024
DR = 256
E = 8
F = 2048
O = 1024
B = 128
NB = N // B
T = NB + E - 1
WL = 128
XH = D // 2
DW = XH + WL

NC, NS = 2, 16
NW = NC * NS
CHUNK = N // NW


def _router_body(x_ref, wr1_ref, br1_ref, wr2_ref, br2_ref,
                 pos_ref, meta_ref, xw_ref):
    x = x_ref[...]
    h = jnp.maximum(x @ wr1_ref[...] + br1_ref[...], 0.0)
    logits = h @ wr2_ref[...] + br2_ref[...]
    m = jnp.max(logits, axis=1, keepdims=True)
    p = jnp.exp(logits - m)
    prob = p / jnp.sum(p, axis=1, keepdims=True)
    lane = lax.broadcasted_iota(jnp.int32, (N, E), 1)
    m1 = jnp.max(prob, axis=1, keepdims=True)
    i1 = jnp.min(jnp.where(prob == m1, lane, E), axis=1, keepdims=True)
    probx = jnp.where(lane == i1, -1.0, prob)
    m2 = jnp.max(probx, axis=1, keepdims=True)
    i2 = jnp.min(jnp.where(probx == m2, lane, E), axis=1, keepdims=True)
    t = jnp.exp(m2 - m1)
    nw1 = 1.0 / (1.0 + t)
    nw2 = t / (1.0 + t)
    estar = jnp.maximum(i1, i2)
    w = jnp.where(i1 > i2, nw1, nw2)

    onehot = (lane == estar).astype(jnp.float32)
    s = onehot
    k = 1
    while k < N:
        s = s + jnp.concatenate(
            [jnp.zeros((k, E), jnp.float32), s[:-k]], axis=0)
        k *= 2
    rank = s - onehot
    counts = jnp.sum(onehot, axis=0, keepdims=True)
    offs_list = [jnp.zeros((1, 1), jnp.float32)]
    run = jnp.zeros((1, 1), jnp.float32)
    for e in range(E - 1):
        run = run + counts[0:1, e:e + 1]
        offs_list.append(run)
    offs = jnp.concatenate(offs_list, axis=1)
    pos = jnp.sum(onehot * (offs + rank), axis=1)
    pos_ref[...] = pos.astype(jnp.int32).reshape(16, 128)

    ua = lax.bitcast_convert_type(x[:, :XH], jnp.uint32)
    ub = lax.bitcast_convert_type(x[:, XH:], jnp.uint32)
    packed_x = (ub & jnp.uint32(0xFFFF0000)) | (ua >> 16)
    wseg = lax.bitcast_convert_type(jnp.broadcast_to(w, (N, WL)), jnp.uint32)
    xw_ref[...] = jnp.concatenate([packed_x, wseg], axis=1)

    offs_i = offs.astype(jnp.int32)
    cnts_i = counts.astype(jnp.int32)
    kio = lax.broadcasted_iota(jnp.int32, (1, 128), 1)
    kb = kio // E
    ke = kio % E
    o_k = jnp.zeros((1, 128), jnp.int32)
    c_k = jnp.zeros((1, 128), jnp.int32)
    for e in range(E):
        oe = offs_i[0:1, e:e + 1]
        ce = cnts_i[0:1, e:e + 1]
        sel = ke == e
        o_k = jnp.where(sel, oe, o_k)
        c_k = jnp.where(sel, ce, c_k)
    lo = kb * B
    hi = lo + B
    M = (c_k > 0) & (o_k < hi) & ((o_k + c_k) > lo)
    Mf = M.astype(jnp.float32)
    tri = (lax.broadcasted_iota(jnp.int32, (128, 128), 0)
           <= lax.broadcasted_iota(jnp.int32, (128, 128), 1)).astype(jnp.float32)
    cs = lax.dot(Mf, tri, precision=lax.Precision.HIGHEST).astype(jnp.int32)
    total = jnp.max(cs)
    srow = lax.broadcasted_iota(jnp.int32, (128, 128), 0)
    A = (cs == (srow + 1)) & M
    kio_col = lax.broadcasted_iota(jnp.int32, (128, 128), 1)
    j = jnp.sum(jnp.where(A, kio_col, 0), axis=1, keepdims=True)
    jlast = jnp.max(jnp.where((cs == total) & M, kio, 0))
    svec = lax.broadcasted_iota(jnp.int32, (128, 1), 0)
    j = jnp.where(svec < total, j, jlast)
    bid = (j // E).reshape(1, 128)
    eid = (j % E).reshape(1, 128)
    row = lax.broadcasted_iota(jnp.int32, (8, 128), 0)
    pad = jnp.zeros((1, 128 - E), jnp.int32)
    offs_p = jnp.concatenate([offs_i, pad], axis=1)
    ends_p = jnp.concatenate([offs_i + cnts_i, pad], axis=1)
    meta = jnp.where(row == 0, jnp.broadcast_to(bid, (8, 128)), 0)
    meta = jnp.where(row == 1, jnp.broadcast_to(eid, (8, 128)), meta)
    meta = jnp.where(row == 2, jnp.broadcast_to(offs_p, (8, 128)), meta)
    meta = jnp.where(row == 3, jnp.broadcast_to(ends_p, (8, 128)), meta)
    meta_ref[...] = meta


def _router(x, Wr1, br1, Wr2, br2):
    return pl.pallas_call(
        _router_body,
        out_shape=(
            jax.ShapeDtypeStruct((16, 128), jnp.int32),
            jax.ShapeDtypeStruct((8, 128), jnp.int32),
            jax.ShapeDtypeStruct((N, DW), jnp.uint32),
        ),
    )(x, Wr1, br1.reshape(1, DR), Wr2, br2.reshape(1, E))


def _dispatch_body(pos_hbm, xw_hbm, xws_hbm, idx_v, rows_v, sem):
    wid = lax.axis_index("s") * NC + lax.axis_index("c")
    base = wid * CHUNK
    pltpu.sync_copy(pos_hbm.at[pl.ds(base, CHUNK)], idx_v)
    pltpu.sync_copy(xw_hbm.at[pl.ds(base, CHUNK)], rows_v)
    pltpu.async_copy(rows_v, xws_hbm.at[idx_v], sem).wait()


_dispatch = pl.kernel(
    _dispatch_body,
    out_type=jax.ShapeDtypeStruct((N, DW), jnp.uint32),
    mesh=plsc.VectorSubcoreMesh(core_axis_name="c", subcore_axis_name="s"),
    scratch_types=[
        pltpu.VMEM((CHUNK,), jnp.int32),
        pltpu.VMEM((CHUNK, DW), jnp.uint32),
        pltpu.SemaphoreType.DMA,
    ],
)


def _mm_body(meta_ref, xs_ref, b1_ref, b2_ref, w1_hbm, w2_hbm, out_ref,
             w1_buf, w2_buf, sem1, sem2):
    def fetch(e, slot):
        pltpu.make_async_copy(w1_hbm.at[pl.ds(e, 1)], w1_buf.at[slot],
                              sem1.at[slot]).start()
        pltpu.make_async_copy(w2_hbm.at[pl.ds(e, 1)], w2_buf.at[slot],
                              sem2.at[slot]).start()

    def wait(e, slot):
        pltpu.make_async_copy(w1_hbm.at[pl.ds(e, 1)], w1_buf.at[slot],
                              sem1.at[slot]).wait()
        pltpu.make_async_copy(w2_hbm.at[pl.ds(e, 1)], w2_buf.at[slot],
                              sem2.at[slot]).wait()

    fetch(0, 0)
    for e in range(E):
        if e + 1 < E:
            fetch(e + 1, (e + 1) % 2)
        wait(e, e % 2)
        w1e = w1_buf[e % 2, 0].astype(jnp.bfloat16)
        w2e = w2_buf[e % 2, 0].astype(jnp.bfloat16)
        b1e = b1_ref[e]
        b2e = b2_ref[e]
        start = meta_ref[256 + e]
        end = meta_ref[384 + e]
        b_lo = lax.div(start, B)
        b_hi = jnp.where(end > start, lax.div(end - 1, B) + 1, b_lo)

        def blk(b, _):
            xw = xs_ref[pl.ds(b * B, B), :]
            px = xw[:, :XH]
            xa = lax.bitcast_convert_type(px << 16, jnp.float32)
            xb = lax.bitcast_convert_type(px & jnp.uint32(0xFFFF0000),
                                          jnp.float32)
            xbk = jnp.concatenate([xa, xb], axis=1).astype(jnp.bfloat16)
            wcol = lax.bitcast_convert_type(xw[:, XH:XH + 1], jnp.float32)
            h = jnp.maximum(
                jnp.dot(xbk, w1e, preferred_element_type=jnp.float32) + b1e,
                0.0)
            o = jnp.dot(h.astype(jnp.bfloat16), w2e,
                        preferred_element_type=jnp.float32) + b2e
            o = o * wcol
            rows = b * B + lax.broadcasted_iota(jnp.int32, (B, 1), 0)
            owned = (rows >= start) & (rows < end)
            out_ref[pl.ds(b * B, B), :] = jnp.where(
                owned, o, out_ref[pl.ds(b * B, B), :])
            return 0

        lax.fori_loop(b_lo, b_hi, blk, 0)


def _grouped_mm(meta_flat, xws, W1, b1, W2, b2):
    return pl.pallas_call(
        _mm_body,
        in_specs=[
            pl.BlockSpec(memory_space=pltpu.SMEM),
            pl.BlockSpec((N, DW), lambda: (0, 0),
                         pipeline_mode=pl.Buffered(buffer_count=1)),
            pl.BlockSpec((E, 1, F), lambda: (0, 0, 0),
                         pipeline_mode=pl.Buffered(buffer_count=1)),
            pl.BlockSpec((E, 1, O), lambda: (0, 0, 0),
                         pipeline_mode=pl.Buffered(buffer_count=1)),
            pl.BlockSpec(memory_space=pl.ANY),
            pl.BlockSpec(memory_space=pl.ANY),
        ],
        out_specs=pl.BlockSpec((N, O), lambda: (0, 0),
                               pipeline_mode=pl.Buffered(buffer_count=1)),
        out_shape=jax.ShapeDtypeStruct((N, O), jnp.float32),
        compiler_params=pltpu.CompilerParams(vmem_limit_bytes=100 * 1024 * 1024),
        scratch_shapes=[
            pltpu.VMEM((2, 1, D, F), jnp.float32),
            pltpu.VMEM((2, 1, F, O), jnp.float32),
            pltpu.SemaphoreType.DMA((2,)),
            pltpu.SemaphoreType.DMA((2,)),
        ],
    )(meta_flat, xws, b1.reshape(E, 1, F), b2.reshape(E, 1, O), W1, W2)


def _combine_body(pos_hbm, outs_hbm, out_hbm, idx_v, rows_v, sem):
    wid = lax.axis_index("s") * NC + lax.axis_index("c")
    base = wid * CHUNK
    pltpu.sync_copy(pos_hbm.at[pl.ds(base, CHUNK)], idx_v)
    pltpu.async_copy(outs_hbm.at[idx_v], rows_v, sem).wait()
    pltpu.sync_copy(rows_v, out_hbm.at[pl.ds(base, CHUNK)])


_combine = pl.kernel(
    _combine_body,
    out_type=jax.ShapeDtypeStruct((N, O), jnp.float32),
    mesh=plsc.VectorSubcoreMesh(core_axis_name="c", subcore_axis_name="s"),
    scratch_types=[
        pltpu.VMEM((CHUNK,), jnp.int32),
        pltpu.VMEM((CHUNK, O), jnp.float32),
        pltpu.SemaphoreType.DMA,
    ],
)


@jax.jit
def kernel(x, Wr1, br1, Wr2, br2, W1, b1, W2, b2):
    pos2d, meta, xw = _router(x, Wr1, br1, Wr2, br2)
    pos = pos2d.reshape(-1)
    xws = _dispatch(pos, xw)
    outs = _grouped_mm(meta.reshape(-1), xws, W1, b1, W2, b2)
    return _combine(pos, outs)

# --- scband reference (transcript-rebuilt; emitter-appended) ---
"""Pipeline reference for scband-mo-ewrapper-60138132078669 (READ-ONLY COPY).

The authoritative reference and input builder live on the scoring server;
editing this copy changes nothing except your own understanding.
"""

import jax, jax.numpy as jnp
import numpy as np

N_TOKENS = 2048
D_MODEL = 1024
D_ROUTER = 256
N_EXPERTS = 8
TOP_K = 2
D_FF = 2048
D_OUT = 1024


def setup_inputs(seed: int = 0) -> dict:
    key = jax.random.key(seed)
    ks = jax.random.split(key, 10)
    x = jax.random.normal(ks[0], (N_TOKENS, D_MODEL), dtype=jnp.float32)
    # router: defined_model (Linear + ReLU) followed by SimpleRouterWithGLU linear
    Wr1 = jax.random.normal(ks[1], (D_MODEL, D_ROUTER), dtype=jnp.float32) * (1.0 / np.sqrt(D_MODEL))
    br1 = jnp.zeros((D_ROUTER,), dtype=jnp.float32)
    Wr2 = jax.random.normal(ks[2], (D_ROUTER, N_EXPERTS), dtype=jnp.float32) * (1.0 / np.sqrt(D_ROUTER))
    br2 = jnp.zeros((N_EXPERTS,), dtype=jnp.float32)
    # experts: per-expert 2-layer MLP (Linear -> ReLU -> Linear)
    W1 = jax.random.normal(ks[3], (N_EXPERTS, D_MODEL, D_FF), dtype=jnp.float32) * (1.0 / np.sqrt(D_MODEL))
    b1 = jnp.zeros((N_EXPERTS, D_FF), dtype=jnp.float32)
    W2 = jax.random.normal(ks[4], (N_EXPERTS, D_FF, D_OUT), dtype=jnp.float32) * (1.0 / np.sqrt(D_FF))
    b2 = jnp.zeros((N_EXPERTS, D_OUT), dtype=jnp.float32)
    return {"x": x, "Wr1": Wr1, "br1": br1, "Wr2": Wr2, "br2": br2,
            "W1": W1, "b1": b1, "W2": W2, "b2": b2}


def reference(x, Wr1, br1, Wr2, br2, W1, b1, W2, b2):
    # RouterWithDefinedModelAndGLU: defined_model (Linear+ReLU), then Linear + softmax
    h = jax.nn.relu(x @ Wr1 + br1)
    logits = h @ Wr2 + br2
    l = jax.nn.softmax(logits, axis=1)
    # topk over experts, then renormalizing softmax over selected weights
    ws, ib = jax.lax.top_k(l, TOP_K)
    nws = jax.nn.softmax(ws, axis=1)
    n_experts = W1.shape[0]
    output = jnp.zeros((x.shape[0], W2.shape[2]), dtype=x.dtype)
    # Faithful to torch loop: experts processed in order; tokens routed to a
    # later expert OVERWRITE earlier expert outputs (output[filter] = ...).
    for e in range(n_experts):
        match = (ib == e)
        mask = match.any(axis=1)
        # each ib row has distinct expert ids, so at most one match per row
        w = jnp.sum(nws * match.astype(nws.dtype), axis=1)
        hidden = jax.nn.relu(x @ W1[e] + b1[e])
        out_e = (hidden @ W2[e] + b2[e]) * w[:, None]
        output = jnp.where(mask[:, None], out_e, output)
    return output

if __name__ == "__main__":
    import jax
    _d = setup_inputs()
    print(jax.jit(kernel)(*tuple(_d.values())))

</pallas_src>

<mosaic_0001>
#map = affine_map<(d0, d1) -> (0)>
#map1 = affine_map<(d0, d1) -> (0, 0)>
module attributes {stable_mosaic.version = 14 : i64} {
  func.func @_combine_body(%arg0: i32, %arg1: i32, %arg2: memref<2048xi32, #tpu.memory_space<hbm>>, %arg3: memref<2048x1024xf32, #tpu.memory_space<hbm>>, %arg4: memref<2048x1024xf32, #tpu.memory_space<hbm>>, %arg5: memref<64xi32, #tpu.memory_space<vmem>>, %arg6: memref<64x1024xf32, #tpu.memory_space<vmem>>, %arg7: memref<!tpu.dma_semaphore, #tpu.memory_space<semaphore_mem>>) attributes {dimension_semantics = [#tpu.dimension_semantics<core_parallel>, #tpu.dimension_semantics<subcore_parallel>], iteration_bounds = array<i64: 2, 16>, scalar_prefetch = 0 : i64, scratch_operands = 3 : i64, tpu.core_type = #tpu.core_type<sc_vector_subcore>, window_params = [{transform_indices = #map}, {transform_indices = #map1}, {transform_indices = #map1}]} {
    %mul3A = arith.constant 2 : i32
    %mul3A_0 = arith.muli %arg1, %mul3A : i32
    %add3A = arith.addi %mul3A_0, %arg0 : i32
    %mul3A_1 = arith.constant 64 : i32
    %mul3A_2 = arith.muli %add3A, %mul3A_1 : i32
    "tpu.region"() ({
      %run_scoped3A = tpu.sem_alloc : memref<!tpu.dma_semaphore, #tpu.memory_space<semaphore_mem>>
      %dma_start3A_7 = tpu.memref_slice %arg2[%mul3A_2] : memref<2048xi32, #tpu.memory_space<hbm>> -> memref<64xi32, #tpu.memory_space<hbm>>
      %dma_start3A_8 = tpu.memref_slice %arg2[%mul3A_2] : memref<2048xi32, #tpu.memory_space<hbm>> -> memref<64xi32, #tpu.memory_space<hbm>>
      tpu.enqueue_dma source(%dma_start3A_8 : memref<64xi32, #tpu.memory_space<hbm>>) target(%arg5 : memref<64xi32, #tpu.memory_space<vmem>>) target_semaphore(%run_scoped3A : memref<!tpu.dma_semaphore, #tpu.memory_space<semaphore_mem>>)
      %dma_wait3A_9 = tpu.memref_slice %arg2[%mul3A_2] : memref<2048xi32, #tpu.memory_space<hbm>> -> memref<64xi32, #tpu.memory_space<hbm>>
      %dma_wait3A_10 = tpu.memref_slice %arg2[%mul3A_2] : memref<2048xi32, #tpu.memory_space<hbm>> -> memref<64xi32, #tpu.memory_space<hbm>>
      tpu.wait_dma2 semaphore(%run_scoped3A : memref<!tpu.dma_semaphore, #tpu.memory_space<semaphore_mem>>) src(%dma_wait3A_10 : memref<64xi32, #tpu.memory_space<hbm>>) dst(%arg5 : memref<64xi32, #tpu.memory_space<vmem>>)
      tpu.yield
    }) : () -> ()
    %dma_start3A = arith.constant 0 : i32
    %dma_start3A_3 = arith.constant 0 : i32
    %dma_start3A_4 = tpu.memref_slice %arg3[%dma_start3A, %dma_start3A_3] : memref<2048x1024xf32, #tpu.memory_space<hbm>> -> memref<2048x1024xf32, #tpu.memory_space<hbm>>
    tpu.enqueue_indirect_dma source(%dma_start3A_4 : memref<2048x1024xf32, #tpu.memory_space<hbm>>) target(%arg6 : memref<64x1024xf32, #tpu.memory_space<vmem>>) offsets(%arg5 : memref<64xi32, #tpu.memory_space<vmem>>) semaphore(%arg7 : memref<!tpu.dma_semaphore, #tpu.memory_space<semaphore_mem>>)
    %dma_wait3A = arith.constant 0 : i32
    %dma_wait3A_5 = arith.constant 0 : i32
    %dma_wait3A_6 = tpu.memref_slice %arg3[%dma_wait3A, %dma_wait3A_5] : memref<2048x1024xf32, #tpu.memory_space<hbm>> -> memref<2048x1024xf32, #tpu.memory_space<hbm>>
    tpu.wait_indirect_dma semaphore(%arg7 : memref<!tpu.dma_semaphore, #tpu.memory_space<semaphore_mem>>) src(%dma_wait3A_6 : memref<2048x1024xf32, #tpu.memory_space<hbm>>) dst(%arg6 : memref<64x1024xf32, #tpu.memory_space<vmem>>)
    "tpu.region"() ({
      %run_scoped3A = tpu.sem_alloc : memref<!tpu.dma_semaphore, #tpu.memory_space<semaphore_mem>>
      %dma_start3A_7 = arith.constant 0 : i32
      %dma_start3A_8 = tpu.memref_slice %arg4[%mul3A_2, %dma_start3A_7] : memref<2048x1024xf32, #tpu.memory_space<hbm>> -> memref<64x1024xf32, #tpu.memory_space<hbm>>
      %dma_start3A_9 = arith.constant 0 : i32
      %dma_start3A_10 = tpu.memref_slice %arg4[%mul3A_2, %dma_start3A_9] : memref<2048x1024xf32, #tpu.memory_space<hbm>> -> memref<64x1024xf32, #tpu.memory_space<hbm>>
      tpu.enqueue_dma source(%arg6 : memref<64x1024xf32, #tpu.memory_space<vmem>>) target(%dma_start3A_10 : memref<64x1024xf32, #tpu.memory_space<hbm>>) target_semaphore(%run_scoped3A : memref<!tpu.dma_semaphore, #tpu.memory_space<semaphore_mem>>)
      %dma_wait3A_11 = arith.constant 0 : i32
      %dma_wait3A_12 = tpu.memref_slice %arg4[%mul3A_2, %dma_wait3A_11] : memref<2048x1024xf32, #tpu.memory_space<hbm>> -> memref<64x1024xf32, #tpu.memory_space<hbm>>
      %dma_wait3A_13 = arith.constant 0 : i32
      %dma_wait3A_14 = tpu.memref_slice %arg4[%mul3A_2, %dma_wait3A_13] : memref<2048x1024xf32, #tpu.memory_space<hbm>> -> memref<64x1024xf32, #tpu.memory_space<hbm>>
      tpu.wait_dma2 semaphore(%run_scoped3A : memref<!tpu.dma_semaphore, #tpu.memory_space<semaphore_mem>>) src(%arg6 : memref<64x1024xf32, #tpu.memory_space<vmem>>) dst(%dma_wait3A_14 : memref<64x1024xf32, #tpu.memory_space<hbm>>)
      tpu.yield
    }) : () -> ()
    return
  }
}

#map = affine_map<(d0, d1) -> (0)>
#map1 = affine_map<(d0, d1) -> (0, 0)>
module attributes {stable_mosaic.version = 14 : i64} {
  func.func @_dispatch_body(%arg0: i32, %arg1: i32, %arg2: memref<2048xi32, #tpu.memory_space<hbm>>, %arg3: memref<2048x640xi32, #tpu.memory_space<hbm>>, %arg4: memref<2048x640xi32, #tpu.memory_space<hbm>>, %arg5: memref<64xi32, #tpu.memory_space<vmem>>, %arg6: memref<64x640xi32, #tpu.memory_space<vmem>>, %arg7: memref<!tpu.dma_semaphore, #tpu.memory_space<semaphore_mem>>) attributes {dimension_semantics = [#tpu.dimension_semantics<core_parallel>, #tpu.dimension_semantics<subcore_parallel>], iteration_bounds = array<i64: 2, 16>, scalar_prefetch = 0 : i64, scratch_operands = 3 : i64, tpu.core_type = #tpu.core_type<sc_vector_subcore>, window_params = [{transform_indices = #map}, {transform_indices = #map1}, {transform_indices = #map1}]} {
    %mul3A = arith.constant 2 : i32
    %mul3A_0 = arith.muli %arg1, %mul3A : i32
    %add3A = arith.addi %mul3A_0, %arg0 : i32
    %mul3A_1 = arith.constant 64 : i32
    %mul3A_2 = arith.muli %add3A, %mul3A_1 : i32
    "tpu.region"() ({
      %run_scoped3A = tpu.sem_alloc : memref<!tpu.dma_semaphore, #tpu.memory_space<semaphore_mem>>
      %dma_start3A_7 = tpu.memref_slice %arg2[%mul3A_2] : memref<2048xi32, #tpu.memory_space<hbm>> -> memref<64xi32, #tpu.memory_space<hbm>>
      %dma_start3A_8 = tpu.memref_slice %arg2[%mul3A_2] : memref<2048xi32, #tpu.memory_space<hbm>> -> memref<64xi32, #tpu.memory_space<hbm>>
      tpu.enqueue_dma source(%dma_start3A_8 : memref<64xi32, #tpu.memory_space<hbm>>) target(%arg5 : memref<64xi32, #tpu.memory_space<vmem>>) target_semaphore(%run_scoped3A : memref<!tpu.dma_semaphore, #tpu.memory_space<semaphore_mem>>)
      %dma_wait3A_9 = tpu.memref_slice %arg2[%mul3A_2] : memref<2048xi32, #tpu.memory_space<hbm>> -> memref<64xi32, #tpu.memory_space<hbm>>
      %dma_wait3A_10 = tpu.memref_slice %arg2[%mul3A_2] : memref<2048xi32, #tpu.memory_space<hbm>> -> memref<64xi32, #tpu.memory_space<hbm>>
      tpu.wait_dma2 semaphore(%run_scoped3A : memref<!tpu.dma_semaphore, #tpu.memory_space<semaphore_mem>>) src(%dma_wait3A_10 : memref<64xi32, #tpu.memory_space<hbm>>) dst(%arg5 : memref<64xi32, #tpu.memory_space<vmem>>)
      tpu.yield
    }) : () -> ()
    "tpu.region"() ({
      %run_scoped3A = tpu.sem_alloc : memref<!tpu.dma_semaphore, #tpu.memory_space<semaphore_mem>>
      %dma_start3A_7 = arith.constant 0 : i32
      %dma_start3A_8 = tpu.memref_slice %arg3[%mul3A_2, %dma_start3A_7] : memref<2048x640xi32, #tpu.memory_space<hbm>> -> memref<64x640xi32, #tpu.memory_space<hbm>>
      %dma_start3A_9 = arith.constant 0 : i32
      %dma_start3A_10 = tpu.memref_slice %arg3[%mul3A_2, %dma_start3A_9] : memref<2048x640xi32, #tpu.memory_space<hbm>> -> memref<64x640xi32, #tpu.memory_space<hbm>>
      tpu.enqueue_dma source(%dma_start3A_10 : memref<64x640xi32, #tpu.memory_space<hbm>>) target(%arg6 : memref<64x640xi32, #tpu.memory_space<vmem>>) target_semaphore(%run_scoped3A : memref<!tpu.dma_semaphore, #tpu.memory_space<semaphore_mem>>)
      %dma_wait3A_11 = arith.constant 0 : i32
      %dma_wait3A_12 = tpu.memref_slice %arg3[%mul3A_2, %dma_wait3A_11] : memref<2048x640xi32, #tpu.memory_space<hbm>> -> memref<64x640xi32, #tpu.memory_space<hbm>>
      %dma_wait3A_13 = arith.constant 0 : i32
      %dma_wait3A_14 = tpu.memref_slice %arg3[%mul3A_2, %dma_wait3A_13] : memref<2048x640xi32, #tpu.memory_space<hbm>> -> memref<64x640xi32, #tpu.memory_space<hbm>>
      tpu.wait_dma2 semaphore(%run_scoped3A : memref<!tpu.dma_semaphore, #tpu.memory_space<semaphore_mem>>) src(%dma_wait3A_14 : memref<64x640xi32, #tpu.memory_space<hbm>>) dst(%arg6 : memref<64x640xi32, #tpu.memory_space<vmem>>)
      tpu.yield
    }) : () -> ()
    %dma_start3A = arith.constant 0 : i32
    %dma_start3A_3 = arith.constant 0 : i32
    %dma_start3A_4 = tpu.memref_slice %arg4[%dma_start3A, %dma_start3A_3] : memref<2048x640xi32, #tpu.memory_space<hbm>> -> memref<2048x640xi32, #tpu.memory_space<hbm>>
    tpu.enqueue_indirect_dma source(%arg6 : memref<64x640xi32, #tpu.memory_space<vmem>>) target(%dma_start3A_4 : memref<2048x640xi32, #tpu.memory_space<hbm>>) offsets(%arg5 : memref<64xi32, #tpu.memory_space<vmem>>) semaphore(%arg7 : memref<!tpu.dma_semaphore, #tpu.memory_space<semaphore_mem>>)
    %dma_wait3A = arith.constant 0 : i32
    %dma_wait3A_5 = arith.constant 0 : i32
    %dma_wait3A_6 = tpu.memref_slice %arg4[%dma_wait3A, %dma_wait3A_5] : memref<2048x640xi32, #tpu.memory_space<hbm>> -> memref<2048x640xi32, #tpu.memory_space<hbm>>
    tpu.wait_indirect_dma semaphore(%arg7 : memref<!tpu.dma_semaphore, #tpu.memory_space<semaphore_mem>>) src(%arg6 : memref<64x640xi32, #tpu.memory_space<vmem>>) dst(%dma_wait3A_6 : memref<2048x640xi32, #tpu.memory_space<hbm>>)
    return
  }
}

module attributes {stable_mosaic.version = 14 : i64} {
  func.func @_router_body(%arg0: memref<2048x1024xf32, #tpu.memory_space<vmem>>, %arg1: memref<1024x256xf32, #tpu.memory_space<vmem>>, %arg2: memref<1x256xf32, #tpu.memory_space<vmem>>, %arg3: memref<256x8xf32, #tpu.memory_space<vmem>>, %arg4: memref<1x8xf32, #tpu.memory_space<vmem>>, %arg5: memref<16x128xi32, #tpu.memory_space<vmem>>, %arg6: memref<8x128xi32, #tpu.memory_space<vmem>>, %arg7: memref<2048x640xi32, #tpu.memory_space<vmem>>) attributes {dimension_semantics = [], scalar_prefetch = 0 : i64, scratch_operands = 0 : i64, tpu.core_type = #tpu.core_type<tc>} {
    %get3A = arith.constant 0 : index
    %get3A_0 = arith.constant 0 : index
    %get3A_1 = vector.load %arg0[%get3A, %get3A_0] : memref<2048x1024xf32, #tpu.memory_space<vmem>>, vector<2048x1024xf32>
    %get3A_2 = arith.constant 0 : index
    %get3A_3 = arith.constant 0 : index
    %get3A_4 = vector.load %arg1[%get3A_2, %get3A_3] : memref<1024x256xf32, #tpu.memory_space<vmem>>, vector<1024x256xf32>
    %dot_general3A = arith.constant dense<0.000000e+00> : vector<2048x256xf32>
    %dot_general3A_5 = tpu.matmul %get3A_1, %get3A_4, %dot_general3A {dimension_numbers = #tpu.dot_dimension_numbers<[1], [0], [0], [1], [0, 0, 1, 1], [], []>, transpose_lhs_hint = false} : vector<2048x1024xf32>, vector<1024x256xf32>, vector<2048x256xf32> -> vector<2048x256xf32>
    %get3A_6 = arith.constant 0 : index
    %get3A_7 = arith.constant 0 : index
    %get3A_8 = vector.load %arg2[%get3A_6, %get3A_7] : memref<1x256xf32, #tpu.memory_space<vmem>>, vector<1x256xf32>
    %add3A = vector.broadcast %get3A_8 : vector<1x256xf32> to vector<2048x256xf32>
    %add3A_9 = arith.addf %dot_general3A_5, %add3A : vector<2048x256xf32>
    %max3A = arith.constant 0.000000e+00 : f32
    %max3A_10 = vector.broadcast %max3A : f32 to vector<2048x256xf32>
    %max3A_11 = arith.maximumf %add3A_9, %max3A_10 : vector<2048x256xf32>
    %get3A_12 = arith.constant 0 : index
    %get3A_13 = arith.constant 0 : index
    %get3A_14 = vector.load %arg3[%get3A_12, %get3A_13] : memref<256x8xf32, #tpu.memory_space<vmem>>, vector<256x8xf32>
    %dot_general3A_15 = arith.constant dense<0.000000e+00> : vector<2048x8xf32>
    %dot_general3A_16 = tpu.matmul %max3A_11, %get3A_14, %dot_general3A_15 {dimension_numbers = #tpu.dot_dimension_numbers<[1], [0], [0], [1], [0, 0, 1, 1], [], []>, transpose_lhs_hint = false} : vector<2048x256xf32>, vector<256x8xf32>, vector<2048x8xf32> -> vector<2048x8xf32>
    %get3A_17 = arith.constant 0 : index
    %get3A_18 = arith.constant 0 : index
    %get3A_19 = vector.load %arg4[%get3A_17, %get3A_18] : memref<1x8xf32, #tpu.memory_space<vmem>>, vector<1x8xf32>
    %add3A_20 = vector.broadcast %get3A_19 : vector<1x8xf32> to vector<2048x8xf32>
    %add3A_21 = arith.addf %dot_general3A_16, %add3A_20 : vector<2048x8xf32>
    %reduce_max3A = arith.constant dense<0xFF800000> : vector<2048xf32>
    %reduce_max3A_22 = vector.multi_reduction <maximumf>, %add3A_21, %reduce_max3A [1] : vector<2048x8xf32> to vector<2048xf32>
    %broadcast_in_dim3A = vector.shape_cast %reduce_max3A_22 : vector<2048xf32> to vector<2048x1xf32>
    %sub3A = vector.broadcast %broadcast_in_dim3A : vector<2048x1xf32> to vector<2048x8xf32>
    %sub3A_23 = arith.subf %add3A_21, %sub3A : vector<2048x8xf32>
    %exp3A = math.exp %sub3A_23 : vector<2048x8xf32>
    %reduce_sum3A = arith.constant dense<0.000000e+00> : vector<2048xf32>
    %reduce_sum3A_24 = vector.multi_reduction <add>, %exp3A, %reduce_sum3A [1] : vector<2048x8xf32> to vector<2048xf32>
    %broadcast_in_dim3A_25 = vector.shape_cast %reduce_sum3A_24 : vector<2048xf32> to vector<2048x1xf32>
    %div3A = vector.broadcast %broadcast_in_dim3A_25 : vector<2048x1xf32> to vector<2048x8xf32>
    %div3A_26 = arith.divf %exp3A, %div3A : vector<2048x8xf32>
    %iota3A = tpu.iota {dimensions = array<i32: 1>} : vector<2048x8xi32>
    %reduce_max3A_27 = arith.constant dense<0xFF800000> : vector<2048xf32>
    %reduce_max3A_28 = vector.multi_reduction <maximumf>, %div3A_26, %reduce_max3A_27 [1] : vector<2048x8xf32> to vector<2048xf32>
    %broadcast_in_dim3A_29 = vector.shape_cast %reduce_max3A_28 : vector<2048xf32> to vector<2048x1xf32>
    %eq3A = vector.broadcast %broadcast_in_dim3A_29 : vector<2048x1xf32> to vector<2048x8xf32>
    %eq3A_30 = arith.cmpf oeq, %div3A_26, %eq3A : vector<2048x8xf32>
    %jit3A = arith.constant 8 : i32
    %broadcast_in_dim3A_31 = vector.broadcast %jit3A : i32 to vector<2048x8xi32>
    %select_n3A = arith.select %eq3A_30, %iota3A, %broadcast_in_dim3A_31 : vector<2048x8xi1>, vector<2048x8xi32>
    %reduce_min3A = arith.constant dense<2147483647> : vector<2048xi32>
    %reduce_min3A_32 = vector.multi_reduction <minsi>, %select_n3A, %reduce_min3A [1] : vector<2048x8xi32> to vector<2048xi32>
    %broadcast_in_dim3A_33 = vector.shape_cast %reduce_min3A_32 : vector<2048xi32> to vector<2048x1xi32>
    %eq3A_34 = vector.broadcast %broadcast_in_dim3A_33 : vector<2048x1xi32> to vector<2048x8xi32>
    %eq3A_35 = arith.cmpi eq, %iota3A, %eq3A_34 : vector<2048x8xi32>
    %jit3A_36 = arith.constant -1.000000e+00 : f32
    %broadcast_in_dim3A_37 = vector.broadcast %jit3A_36 : f32 to vector<2048x8xf32>
    %select_n3A_38 = arith.select %eq3A_35, %broadcast_in_dim3A_37, %div3A_26 : vector<2048x8xi1>, vector<2048x8xf32>
    %reduce_max3A_39 = arith.constant dense<0xFF800000> : vector<2048xf32>
    %reduce_max3A_40 = vector.multi_reduction <maximumf>, %select_n3A_38, %reduce_max3A_39 [1] : vector<2048x8xf32> to vector<2048xf32>
    %broadcast_in_dim3A_41 = vector.shape_cast %reduce_max3A_40 : vector<2048xf32> to vector<2048x1xf32>
    %eq3A_42 = vector.broadcast %broadcast_in_dim3A_41 : vector<2048x1xf32> to vector<2048x8xf32>
    %eq3A_43 = arith.cmpf oeq, %select_n3A_38, %eq3A_42 : vector<2048x8xf32>
    %jit3A_44 = arith.constant 8 : i32
    %broadcast_in_dim3A_45 = vector.broadcast %jit3A_44 : i32 to vector<2048x8xi32>
    %select_n3A_46 = arith.select %eq3A_43, %iota3A, %broadcast_in_dim3A_45 : vector<2048x8xi1>, vector<2048x8xi32>
    %reduce_min3A_47 = arith.constant dense<2147483647> : vector<2048xi32>
    %reduce_min3A_48 = vector.multi_reduction <minsi>, %select_n3A_46, %reduce_min3A_47 [1] : vector<2048x8xi32> to vector<2048xi32>
    %broadcast_in_dim3A_49 = vector.shape_cast %reduce_min3A_48 : vector<2048xi32> to vector<2048x1xi32>
    %sub3A_50 = arith.subf %broadcast_in_dim3A_41, %broadcast_in_dim3A_29 : vector<2048x1xf32>
    %exp3A_51 = math.exp %sub3A_50 : vector<2048x1xf32>
    %add3A_52 = arith.constant 1.000000e+00 : f32
    %add3A_53 = vector.broadcast %add3A_52 : f32 to vector<2048x1xf32>
    %add3A_54 = arith.addf %add3A_53, %exp3A_51 : vector<2048x1xf32>
    %div3A_55 = arith.constant 1.000000e+00 : f32
    %div3A_56 = vector.broadcast %div3A_55 : f32 to vector<2048x1xf32>
    %div3A_57 = arith.divf %div3A_56, %add3A_54 : vector<2048x1xf32>
    %add3A_58 = arith.constant 1.000000e+00 : f32
    %add3A_59 = vector.broadcast %add3A_58 : f32 to vector<2048x1xf32>
    %add3A_60 = arith.addf %add3A_59, %exp3A_51 : vector<2048x1xf32>
    %div3A_61 = arith.divf %exp3A_51, %add3A_60 : vector<2048x1xf32>
    %max3A_62 = arith.maxsi %broadcast_in_dim3A_33, %broadcast_in_dim3A_49 : vector<2048x1xi32>
    %gt3A = arith.cmpi sgt, %broadcast_in_dim3A_33, %broadcast_in_dim3A_49 : vector<2048x1xi32>
    %select_n3A_63 = arith.select %gt3A, %div3A_57, %div3A_61 : vector<2048x1xi1>, vector<2048x1xf32>
    %eq3A_64 = vector.broadcast %max3A_62 : vector<2048x1xi32> to vector<2048x8xi32>
    %eq3A_65 = arith.cmpi eq, %iota3A, %eq3A_64 : vector<2048x8xi32>
    %convert_element_type3A = arith.extui %eq3A_65 : vector<2048x8xi1> to vector<2048x8xi32>
    %convert_element_type3A_66 = arith.sitofp %convert_element_type3A : vector<2048x8xi32> to vector<2048x8xf32>
    %broadcast_in_dim3A_67 = arith.constant 0.000000e+00 : f32
    %broadcast_in_dim3A_68 = vector.broadcast %broadcast_in_dim3A_67 : f32 to vector<1x8xf32>
    %slice3A = vector.extract_strided_slice %convert_element_type3A_66 {offsets = [0, 0], sizes = [2047, 8], strides = [1, 1]} : vector<2048x8xf32> to vector<2047x8xf32>
    %concatenate3A = tpu.concatenate %broadcast_in_dim3A_68, %slice3A in 0 : vector<1x8xf32>, vector<2047x8xf32> -> vector<2048x8xf32>
    %add3A_69 = arith.addf %convert_element_type3A_66, %concatenate3A : vector<2048x8xf32>
    %broadcast_in_dim3A_70 = arith.constant 0.000000e+00 : f32
    %broadcast_in_dim3A_71 = vector.broadcast %broadcast_in_dim3A_70 : f32 to vector<2x8xf32>
    %slice3A_72 = vector.extract_strided_slice %add3A_69 {offsets = [0, 0], sizes = [2046, 8], strides = [1, 1]} : vector<2048x8xf32> to vector<2046x8xf32>
    %concatenate3A_73 = tpu.concatenate %broadcast_in_dim3A_71, %slice3A_72 in 0 : vector<2x8xf32>, vector<2046x8xf32> -> vector<2048x8xf32>
    %add3A_74 = arith.addf %add3A_69, %concatenate3A_73 : vector<2048x8xf32>
    %broadcast_in_dim3A_75 = arith.constant 0.000000e+00 : f32
    %broadcast_in_dim3A_76 = vector.broadcast %broadcast_in_dim3A_75 : f32 to vector<4x8xf32>
    %slice3A_77 = vector.extract_strided_slice %add3A_74 {offsets = [0, 0], sizes = [2044, 8], strides = [1, 1]} : vector<2048x8xf32> to vector<2044x8xf32>
    %concatenate3A_78 = tpu.concatenate %broadcast_in_dim3A_76, %slice3A_77 in 0 : vector<4x8xf32>, vector<2044x8xf32> -> vector<2048x8xf32>
    %add3A_79 = arith.addf %add3A_74, %concatenate3A_78 : vector<2048x8xf32>
    %broadcast_in_dim3A_80 = arith.constant 0.000000e+00 : f32
    %broadcast_in_dim3A_81 = vector.broadcast %broadcast_in_dim3A_80 : f32 to vector<8x8xf32>
    %slice3A_82 = vector.extract_strided_slice %add3A_79 {offsets = [0, 0], sizes = [2040, 8], strides = [1, 1]} : vector<2048x8xf32> to vector<2040x8xf32>
    %concatenate3A_83 = tpu.concatenate %broadcast_in_dim3A_81, %slice3A_82 in 0 : vector<8x8xf32>, vector<2040x8xf32> -> vector<2048x8xf32>
    %add3A_84 = arith.addf %add3A_79, %concatenate3A_83 : vector<2048x8xf32>
    %broadcast_in_dim3A_85 = arith.constant 0.000000e+00 : f32
    %broadcast_in_dim3A_86 = vector.broadcast %broadcast_in_dim3A_85 : f32 to vector<16x8xf32>
    %slice3A_87 = vector.extract_strided_slice %add3A_84 {offsets = [0, 0], sizes = [2032, 8], strides = [1, 1]} : vector<2048x8xf32> to vector<2032x8xf32>
    %concatenate3A_88 = tpu.concatenate %broadcast_in_dim3A_86, %slice3A_87 in 0 : vector<16x8xf32>, vector<2032x8xf32> -> vector<2048x8xf32>
    %add3A_89 = arith.addf %add3A_84, %concatenate3A_88 : vector<2048x8xf32>
    %broadcast_in_dim3A_90 = arith.constant 0.000000e+00 : f32
    %broadcast_in_dim3A_91 = vector.broadcast %broadcast_in_dim3A_90 : f32 to vector<32x8xf32>
    %slice3A_92 = vector.extract_strided_slice %add3A_89 {offsets = [0, 0], sizes = [2016, 8], strides = [1, 1]} : vector<2048x8xf32> to vector<2016x8xf32>
    %concatenate3A_93 = tpu.concatenate %broadcast_in_dim3A_91, %slice3A_92 in 0 : vector<32x8xf32>, vector<2016x8xf32> -> vector<2048x8xf32>
    %add3A_94 = arith.addf %add3A_89, %concatenate3A_93 : vector<2048x8xf32>
    %broadcast_in_dim3A_95 = arith.constant 0.000000e+00 : f32
    %broadcast_in_dim3A_96 = vector.broadcast %broadcast_in_dim3A_95 : f32 to vector<64x8xf32>
    %slice3A_97 = vector.extract_strided_slice %add3A_94 {offsets = [0, 0], sizes = [1984, 8], strides = [1, 1]} : vector<2048x8xf32> to vector<1984x8xf32>
    %concatenate3A_98 = tpu.concatenate %broadcast_in_dim3A_96, %slice3A_97 in 0 : vector<64x8xf32>, vector<1984x8xf32> -> vector<2048x8xf32>
    %add3A_99 = arith.addf %add3A_94, %concatenate3A_98 : vector<2048x8xf32>
    %broadcast_in_dim3A_100 = arith.constant 0.000000e+00 : f32
    %broadcast_in_dim3A_101 = vector.broadcast %broadcast_in_dim3A_100 : f32 to vector<128x8xf32>
    %slice3A_102 = vector.extract_strided_slice %add3A_99 {offsets = [0, 0], sizes = [1920, 8], strides = [1, 1]} : vector<2048x8xf32> to vector<1920x8xf32>
    %concatenate3A_103 = tpu.concatenate %broadcast_in_dim3A_101, %slice3A_102 in 0 : vector<128x8xf32>, vector<1920x8xf32> -> vector<2048x8xf32>
    %add3A_104 = arith.addf %add3A_99, %concatenate3A_103 : vector<2048x8xf32>
    %broadcast_in_dim3A_105 = arith.constant 0.000000e+00 : f32
    %broadcast_in_dim3A_106 = vector.broadcast %broadcast_in_dim3A_105 : f32 to vector<256x8xf32>
    %slice3A_107 = vector.extract_strided_slice %add3A_104 {offsets = [0, 0], sizes = [1792, 8], strides = [1, 1]} : vector<2048x8xf32> to vector<1792x8xf32>
    %concatenate3A_108 = tpu.concatenate %broadcast_in_dim3A_106, %slice3A_107 in 0 : vector<256x8xf32>, vector<1792x8xf32> -> vector<2048x8xf32>
    %add3A_109 = arith.addf %add3A_104, %concatenate3A_108 : vector<2048x8xf32>
    %broadcast_in_dim3A_110 = arith.constant 0.000000e+00 : f32
    %broadcast_in_dim3A_111 = vector.broadcast %broadcast_in_dim3A_110 : f32 to vector<512x8xf32>
    %slice3A_112 = vector.extract_strided_slice %add3A_109 {offsets = [0, 0], sizes = [1536, 8], strides = [1, 1]} : vector<2048x8xf32> to vector<1536x8xf32>
    %concatenate3A_113 = tpu.concatenate %broadcast_in_dim3A_111, %slice3A_112 in 0 : vector<512x8xf32>, vector<1536x8xf32> -> vector<2048x8xf32>
    %add3A_114 = arith.addf %add3A_109, %concatenate3A_113 : vector<2048x8xf32>
    %broadcast_in_dim3A_115 = arith.constant 0.000000e+00 : f32
    %broadcast_in_dim3A_116 = vector.broadcast %broadcast_in_dim3A_115 : f32 to vector<1024x8xf32>
    %slice3A_117 = vector.extract_strided_slice %add3A_114 {offsets = [0, 0], sizes = [1024, 8], strides = [1, 1]} : vector<2048x8xf32> to vector<1024x8xf32>
    %concatenate3A_118 = tpu.concatenate %broadcast_in_dim3A_116, %slice3A_117 in 0 : vector<1024x8xf32>, vector<1024x8xf32> -> vector<2048x8xf32>
    %add3A_119 = arith.addf %add3A_114, %concatenate3A_118 : vector<2048x8xf32>
    %sub3A_120 = arith.subf %add3A_119, %convert_element_type3A_66 : vector<2048x8xf32>
    %reduce_sum3A_121 = arith.constant dense<0.000000e+00> : vector<8xf32>
    %reduce_sum3A_122 = vector.multi_reduction <add>, %convert_element_type3A_66, %reduce_sum3A_121 [0] : vector<2048x8xf32> to vector<8xf32>
    %broadcast_in_dim3A_123 = vector.shape_cast %reduce_sum3A_122 : vector<8xf32> to vector<1x8xf32>
    %broadcast_in_dim3A_124 = arith.constant 0.000000e+00 : f32
    %broadcast_in_dim3A_125 = vector.broadcast %broadcast_in_dim3A_124 : f32 to vector<1x1xf32>
    %broadcast_in_dim3A_126 = arith.constant 0.000000e+00 : f32
    %broadcast_in_dim3A_127 = vector.broadcast %broadcast_in_dim3A_126 : f32 to vector<1x1xf32>
    %slice3A_128 = vector.extract_strided_slice %broadcast_in_dim3A_123 {offsets = [0, 0], sizes = [1, 1], strides = [1, 1]} : vector<1x8xf32> to vector<1x1xf32>
    %add3A_129 = arith.addf %broadcast_in_dim3A_127, %slice3A_128 : vector<1x1xf32>
    %slice3A_130 = vector.extract_strided_slice %broadcast_in_dim3A_123 {offsets = [0, 1], sizes = [1, 1], strides = [1, 1]} : vector<1x8xf32> to vector<1x1xf32>
    %add3A_131 = arith.addf %add3A_129, %slice3A_130 : vector<1x1xf32>
    %slice3A_132 = vector.extract_strided_slice %broadcast_in_dim3A_123 {offsets = [0, 2], sizes = [1, 1], strides = [1, 1]} : vector<1x8xf32> to vector<1x1xf32>
    %add3A_133 = arith.addf %add3A_131, %slice3A_132 : vector<1x1xf32>
    %slice3A_134 = vector.extract_strided_slice %broadcast_in_dim3A_123 {offsets = [0, 3], sizes = [1, 1], strides = [1, 1]} : vector<1x8xf32> to vector<1x1xf32>
    %add3A_135 = arith.addf %add3A_133, %slice3A_134 : vector<1x1xf32>
    %slice3A_136 = vector.extract_strided_slice %broadcast_in_dim3A_123 {offsets = [0, 4], sizes = [1, 1], strides = [1, 1]} : vector<1x8xf32> to vector<1x1xf32>
    %add3A_137 = arith.addf %add3A_135, %slice3A_136 : vector<1x1xf32>
    %slice3A_138 = vector.extract_strided_slice %broadcast_in_dim3A_123 {offsets = [0, 5], sizes = [1, 1], strides = [1, 1]} : vector<1x8xf32> to vector<1x1xf32>
    %add3A_139 = arith.addf %add3A_137, %slice3A_138 : vector<1x1xf32>
    %slice3A_140 = vector.extract_strided_slice %broadcast_in_dim3A_123 {offsets = [0, 6], sizes = [1, 1], strides = [1, 1]} : vector<1x8xf32> to vector<1x1xf32>
    %add3A_141 = arith.addf %add3A_139, %slice3A_140 : vector<1x1xf32>
    %concatenate3A_142 = tpu.concatenate %broadcast_in_dim3A_125, %add3A_129, %add3A_131, %add3A_133, %add3A_135, %add3A_137, %add3A_139, %add3A_141 in 1 : vector<1x1xf32>, vector<1x1xf32>, vector<1x1xf32>, vector<1x1xf32>, vector<1x1xf32>, vector<1x1xf32>, vector<1x1xf32>, vector<1x1xf32> -> vector<1x8xf32>
    %add3A_143 = vector.broadcast %concatenate3A_142 : vector<1x8xf32> to vector<2048x8xf32>
    %add3A_144 = arith.addf %add3A_143, %sub3A_120 : vector<2048x8xf32>
    %mul3A = arith.mulf %convert_element_type3A_66, %add3A_144 : vector<2048x8xf32>
    %reduce_sum3A_145 = arith.constant dense<0.000000e+00> : vector<2048xf32>
    %reduce_sum3A_146 = vector.multi_reduction <add>, %mul3A, %reduce_sum3A_145 [1] : vector<2048x8xf32> to vector<2048xf32>
    %convert_element_type3A_147 = arith.fptosi %reduce_sum3A_146 : vector<2048xf32> to vector<2048xi32>
    %reshape3A = vector.shape_cast %convert_element_type3A_147 : vector<2048xi32> to vector<16x128xi32>
    %swap3A = arith.constant 0 : index
    %swap3A_148 = arith.constant 0 : index
    %swap3A_149 = vector.load %arg5[%swap3A, %swap3A_148] : memref<16x128xi32, #tpu.memory_space<vmem>>, vector<16x128xi32>
    tpu.vector_store %arg5[%swap3A, %swap3A_148], %reshape3A {strides = array<i32>} : memref<16x128xi32, #tpu.memory_space<vmem>>, vector<16x128xi32>,
    %slice3A_150 = vector.extract_strided_slice %get3A_1 {offsets = [0, 0], sizes = [2048, 512], strides = [1, 1]} : vector<2048x1024xf32> to vector<2048x512xf32>
    %bitcast_convert_type3A = tpu.bitcast %slice3A_150 : vector<2048x512xf32> -> vector<2048x512xi32>
    %slice3A_151 = vector.extract_strided_slice %get3A_1 {offsets = [0, 512], sizes = [2048, 512], strides = [1, 1]} : vector<2048x1024xf32> to vector<2048x512xf32>
    %bitcast_convert_type3A_152 = tpu.bitcast %slice3A_151 : vector<2048x512xf32> -> vector<2048x512xi32>
    %and3A = arith.constant -65536 : i32
    %and3A_153 = vector.broadcast %and3A : i32 to vector<2048x512xi32>
    %and3A_154 = arith.andi %bitcast_convert_type3A_152, %and3A_153 : vector<2048x512xi32>
    %shift_right_logical3A = arith.constant 16 : i32
    %shift_right_logical3A_155 = vector.broadcast %shift_right_logical3A : i32 to vector<2048x512xi32>
    %shift_right_logical3A_156 = arith.shrui %bitcast_convert_type3A, %shift_right_logical3A_155 : vector<2048x512xi32>
    %or3A = arith.ori %and3A_154, %shift_right_logical3A_156 : vector<2048x512xi32>
    %broadcast_in_dim3A_157 = vector.shape_cast %select_n3A_63 : vector<2048x1xf32> to vector<2048x1xf32>
    %broadcast_in_dim3A_158 = vector.broadcast %broadcast_in_dim3A_157 : vector<2048x1xf32> to vector<2048x128xf32>
    %bitcast_convert_type3A_159 = tpu.bitcast %broadcast_in_dim3A_158 : vector<2048x128xf32> -> vector<2048x128xi32>
    %concatenate3A_160 = tpu.concatenate %or3A, %bitcast_convert_type3A_159 in 1 : vector<2048x512xi32>, vector<2048x128xi32> -> vector<2048x640xi32>
    %swap3A_161 = arith.constant 0 : index
    %swap3A_162 = arith.constant 0 : index
    %swap3A_163 = vector.load %arg7[%swap3A_161, %swap3A_162] : memref<2048x640xi32, #tpu.memory_space<vmem>>, vector<2048x640xi32>
    tpu.vector_store %arg7[%swap3A_161, %swap3A_162], %concatenate3A_160 {strides = array<i32>} : memref<2048x640xi32, #tpu.memory_space<vmem>>, vector<2048x640xi32>,
    %convert_element_type3A_164 = arith.fptosi %concatenate3A_142 : vector<1x8xf32> to vector<1x8xi32>
    %convert_element_type3A_165 = arith.fptosi %broadcast_in_dim3A_123 : vector<1x8xf32> to vector<1x8xi32>
    %iota3A_166 = tpu.iota {dimensions = array<i32: 1>} : vector<1x128xi32>
    %jit3A_167 = arith.constant 8 : i32
    %div3A_168 = vector.broadcast %jit3A_167 : i32 to vector<1x128xi32>
    %div3A_169 = arith.divsi %iota3A_166, %div3A_168 : vector<1x128xi32>
    %sign3A = arith.constant 0 : i32
    %sign3A_170 = vector.broadcast %sign3A : i32 to vector<1x128xi32>
    %sign3A_171 = arith.cmpi sgt, %iota3A_166, %sign3A_170 : vector<1x128xi32>
    %sign3A_172 = arith.extui %sign3A_171 : vector<1x128xi1> to vector<1x128xi32>
    %sign3A_173 = arith.constant 0 : i32
    %sign3A_174 = vector.broadcast %sign3A_173 : i32 to vector<1x128xi32>
    %sign3A_175 = arith.cmpi slt, %iota3A_166, %sign3A_174 : vector<1x128xi32>
    %sign3A_176 = arith.extui %sign3A_175 : vector<1x128xi1> to vector<1x128xi32>
    %sign3A_177 = arith.subi %sign3A_172, %sign3A_176 : vector<1x128xi32>
    %sign3A_178 = arith.constant 0 : i32
    %sign3A_179 = arith.cmpi sgt, %jit3A_167, %sign3A_178 : i32
    %sign3A_180 = arith.extui %sign3A_179 : i1 to i32
    %sign3A_181 = arith.constant 0 : i32
    %sign3A_182 = arith.cmpi slt, %jit3A_167, %sign3A_181 : i32
    %sign3A_183 = arith.extui %sign3A_182 : i1 to i32
    %sign3A_184 = arith.subi %sign3A_180, %sign3A_183 : i32
    %ne3A = vector.broadcast %sign3A_184 : i32 to vector<1x128xi32>
    %ne3A_185 = arith.cmpi ne, %sign3A_177, %ne3A : vector<1x128xi32>
    %rem3A = vector.broadcast %jit3A_167 : i32 to vector<1x128xi32>
    %rem3A_186 = arith.remsi %iota3A_166, %rem3A : vector<1x128xi32>
    %ne3A_187 = arith.constant 0 : i32
    %ne3A_188 = vector.broadcast %ne3A_187 : i32 to vector<1x128xi32>
    %ne3A_189 = arith.cmpi ne, %rem3A_186, %ne3A_188 : vector<1x128xi32>
    %and3A_190 = arith.andi %ne3A_185, %ne3A_189 : vector<1x128xi1>
    %sub3A_191 = arith.constant 1 : i32
    %sub3A_192 = vector.broadcast %sub3A_191 : i32 to vector<1x128xi32>
    %sub3A_193 = arith.subi %div3A_169, %sub3A_192 : vector<1x128xi32>
    %select_n3A_194 = arith.select %and3A_190, %sub3A_193, %div3A_169 : vector<1x128xi1>, vector<1x128xi32>
    %jit3A_195 = arith.constant 8 : i32
    %eq3A_196 = arith.constant 0 : i32
    %eq3A_197 = arith.cmpi eq, %jit3A_195, %eq3A_196 : i32
    %jit3A_198 = arith.constant 1 : i32
    %select_n3A_199 = arith.select %eq3A_197, %jit3A_198, %jit3A_195 : i32
    %rem3A_200 = vector.broadcast %select_n3A_199 : i32 to vector<1x128xi32>
    %rem3A_201 = arith.remsi %iota3A_166, %rem3A_200 : vector<1x128xi32>
    %ne3A_202 = arith.constant 0 : i32
    %ne3A_203 = vector.broadcast %ne3A_202 : i32 to vector<1x128xi32>
    %ne3A_204 = arith.cmpi ne, %rem3A_201, %ne3A_203 : vector<1x128xi32>
    %lt3A = arith.constant 0 : i32
    %lt3A_205 = vector.broadcast %lt3A : i32 to vector<1x128xi32>
    %lt3A_206 = arith.cmpi slt, %rem3A_201, %lt3A_205 : vector<1x128xi32>
    %lt3A_207 = arith.constant 0 : i32
    %lt3A_208 = arith.cmpi slt, %select_n3A_199, %lt3A_207 : i32
    %ne3A_209 = vector.broadcast %lt3A_208 : i1 to vector<1x128xi1>
    %ne3A_210 = vector.broadcast %ne3A_209 : vector<1x128xi1> to vector<1x128xi1>
    %ne3A_211 = arith.xori %lt3A_206, %ne3A_210 : vector<1x128xi1>
    %and3A_212 = arith.andi %ne3A_211, %ne3A_204 : vector<1x128xi1>
    %add3A_213 = vector.broadcast %select_n3A_199 : i32 to vector<1x128xi32>
    %add3A_214 = arith.addi %rem3A_201, %add3A_213 : vector<1x128xi32>
    %select_n3A_215 = arith.select %and3A_212, %add3A_214, %rem3A_201 : vector<1x128xi1>, vector<1x128xi32>
    %broadcast_in_dim3A_216 = arith.constant 0 : i32
    %broadcast_in_dim3A_217 = vector.broadcast %broadcast_in_dim3A_216 : i32 to vector<1x128xi32>
    %broadcast_in_dim3A_218 = arith.constant 0 : i32
    %broadcast_in_dim3A_219 = vector.broadcast %broadcast_in_dim3A_218 : i32 to vector<1x128xi32>
    %slice3A_220 = vector.extract_strided_slice %convert_element_type3A_164 {offsets = [0, 0], sizes = [1, 1], strides = [1, 1]} : vector<1x8xi32> to vector<1x1xi32>
    %slice3A_221 = vector.extract_strided_slice %convert_element_type3A_165 {offsets = [0, 0], sizes = [1, 1], strides = [1, 1]} : vector<1x8xi32> to vector<1x1xi32>
    %eq3A_222 = arith.constant 0 : i32
    %eq3A_223 = vector.broadcast %eq3A_222 : i32 to vector<1x128xi32>
    %eq3A_224 = arith.cmpi eq, %select_n3A_215, %eq3A_223 : vector<1x128xi32>
    %broadcast_in_dim3A_225 = vector.shape_cast %slice3A_220 : vector<1x1xi32> to vector<1x1xi32>
    %broadcast_in_dim3A_226 = vector.broadcast %broadcast_in_dim3A_225 : vector<1x1xi32> to vector<1x128xi32>
    %select_n3A_227 = arith.select %eq3A_224, %broadcast_in_dim3A_226, %broadcast_in_dim3A_217 : vector<1x128xi1>, vector<1x128xi32>
    %broadcast_in_dim3A_228 = vector.shape_cast %slice3A_221 : vector<1x1xi32> to vector<1x1xi32>
    %broadcast_in_dim3A_229 = vector.broadcast %broadcast_in_dim3A_228 : vector<1x1xi32> to vector<1x128xi32>
    %select_n3A_230 = arith.select %eq3A_224, %broadcast_in_dim3A_229, %broadcast_in_dim3A_219 : vector<1x128xi1>, vector<1x128xi32>
    %slice3A_231 = vector.extract_strided_slice %convert_element_type3A_164 {offsets = [0, 1], sizes = [1, 1], strides = [1, 1]} : vector<1x8xi32> to vector<1x1xi32>
    %slice3A_232 = vector.extract_strided_slice %convert_element_type3A_165 {offsets = [0, 1], sizes = [1, 1], strides = [1, 1]} : vector<1x8xi32> to vector<1x1xi32>
    %eq3A_233 = arith.constant 1 : i32
    %eq3A_234 = vector.broadcast %eq3A_233 : i32 to vector<1x128xi32>
    %eq3A_235 = arith.cmpi eq, %select_n3A_215, %eq3A_234 : vector<1x128xi32>
    %broadcast_in_dim3A_236 = vector.shape_cast %slice3A_231 : vector<1x1xi32> to vector<1x1xi32>
    %broadcast_in_dim3A_237 = vector.broadcast %broadcast_in_dim3A_236 : vector<1x1xi32> to vector<1x128xi32>
    %select_n3A_238 = arith.select %eq3A_235, %broadcast_in_dim3A_237, %select_n3A_227 : vector<1x128xi1>, vector<1x128xi32>
    %broadcast_in_dim3A_239 = vector.shape_cast %slice3A_232 : vector<1x1xi32> to vector<1x1xi32>
    %broadcast_in_dim3A_240 = vector.broadcast %broadcast_in_dim3A_239 : vector<1x1xi32> to vector<1x128xi32>
    %select_n3A_241 = arith.select %eq3A_235, %broadcast_in_dim3A_240, %select_n3A_230 : vector<1x128xi1>, vector<1x128xi32>
    %slice3A_242 = vector.extract_strided_slice %convert_element_type3A_164 {offsets = [0, 2], sizes = [1, 1], strides = [1, 1]} : vector<1x8xi32> to vector<1x1xi32>
    %slice3A_243 = vector.extract_strided_slice %convert_element_type3A_165 {offsets = [0, 2], sizes = [1, 1], strides = [1, 1]} : vector<1x8xi32> to vector<1x1xi32>
    %eq3A_244 = arith.constant 2 : i32
    %eq3A_245 = vector.broadcast %eq3A_244 : i32 to vector<1x128xi32>
    %eq3A_246 = arith.cmpi eq, %select_n3A_215, %eq3A_245 : vector<1x128xi32>
    %broadcast_in_dim3A_247 = vector.shape_cast %slice3A_242 : vector<1x1xi32> to vector<1x1xi32>
    %broadcast_in_dim3A_248 = vector.broadcast %broadcast_in_dim3A_247 : vector<1x1xi32> to vector<1x128xi32>
    %select_n3A_249 = arith.select %eq3A_246, %broadcast_in_dim3A_248, %select_n3A_238 : vector<1x128xi1>, vector<1x128xi32>
    %broadcast_in_dim3A_250 = vector.shape_cast %slice3A_243 : vector<1x1xi32> to vector<1x1xi32>
    %broadcast_in_dim3A_251 = vector.broadcast %broadcast_in_dim3A_250 : vector<1x1xi32> to vector<1x128xi32>
    %select_n3A_252 = arith.select %eq3A_246, %broadcast_in_dim3A_251, %select_n3A_241 : vector<1x128xi1>, vector<1x128xi32>
    %slice3A_253 = vector.extract_strided_slice %convert_element_type3A_164 {offsets = [0, 3], sizes = [1, 1], strides = [1, 1]} : vector<1x8xi32> to vector<1x1xi32>
    %slice3A_254 = vector.extract_strided_slice %convert_element_type3A_165 {offsets = [0, 3], sizes = [1, 1], strides = [1, 1]} : vector<1x8xi32> to vector<1x1xi32>
    %eq3A_255 = arith.constant 3 : i32
    %eq3A_256 = vector.broadcast %eq3A_255 : i32 to vector<1x128xi32>
    %eq3A_257 = arith.cmpi eq, %select_n3A_215, %eq3A_256 : vector<1x128xi32>
    %broadcast_in_dim3A_258 = vector.shape_cast %slice3A_253 : vector<1x1xi32> to vector<1x1xi32>
    %broadcast_in_dim3A_259 = vector.broadcast %broadcast_in_dim3A_258 : vector<1x1xi32> to vector<1x128xi32>
    %select_n3A_260 = arith.select %eq3A_257, %broadcast_in_dim3A_259, %select_n3A_249 : vector<1x128xi1>, vector<1x128xi32>
    %broadcast_in_dim3A_261 = vector.shape_cast %slice3A_254 : vector<1x1xi32> to vector<1x1xi32>
    %broadcast_in_dim3A_262 = vector.broadcast %broadcast_in_dim3A_261 : vector<1x1xi32> to vector<1x128xi32>
    %select_n3A_263 = arith.select %eq3A_257, %broadcast_in_dim3A_262, %select_n3A_252 : vector<1x128xi1>, vector<1x128xi32>
    %slice3A_264 = vector.extract_strided_slice %convert_element_type3A_164 {offsets = [0, 4], sizes = [1, 1], strides = [1, 1]} : vector<1x8xi32> to vector<1x1xi32>
    %slice3A_265 = vector.extract_strided_slice %convert_element_type3A_165 {offsets = [0, 4], sizes = [1, 1], strides = [1, 1]} : vector<1x8xi32> to vector<1x1xi32>
    %eq3A_266 = arith.constant 4 : i32
    %eq3A_267 = vector.broadcast %eq3A_266 : i32 to vector<1x128xi32>
    %eq3A_268 = arith.cmpi eq, %select_n3A_215, %eq3A_267 : vector<1x128xi32>
    %broadcast_in_dim3A_269 = vector.shape_cast %slice3A_264 : vector<1x1xi32> to vector<1x1xi32>
    %broadcast_in_dim3A_270 = vector.broadcast %broadcast_in_dim3A_269 : vector<1x1xi32> to vector<1x128xi32>
    %select_n3A_271 = arith.select %eq3A_268, %broadcast_in_dim3A_270, %select_n3A_260 : vector<1x128xi1>, vector<1x128xi32>
    %broadcast_in_dim3A_272 = vector.shape_cast %slice3A_265 : vector<1x1xi32> to vector<1x1xi32>
    %broadcast_in_dim3A_273 = vector.broadcast %broadcast_in_dim3A_272 : vector<1x1xi32> to vector<1x128xi32>
    %select_n3A_274 = arith.select %eq3A_268, %broadcast_in_dim3A_273, %select_n3A_263 : vector<1x128xi1>, vector<1x128xi32>
    %slice3A_275 = vector.extract_strided_slice %convert_element_type3A_164 {offsets = [0, 5], sizes = [1, 1], strides = [1, 1]} : vector<1x8xi32> to vector<1x1xi32>
    %slice3A_276 = vector.extract_strided_slice %convert_element_type3A_165 {offsets = [0, 5], sizes = [1, 1], strides = [1, 1]} : vector<1x8xi32> to vector<1x1xi32>
    %eq3A_277 = arith.constant 5 : i32
    %eq3A_278 = vector.broadcast %eq3A_277 : i32 to vector<1x128xi32>
    %eq3A_279 = arith.cmpi eq, %select_n3A_215, %eq3A_278 : vector<1x128xi32>
    %broadcast_in_dim3A_280 = vector.shape_cast %slice3A_275 : vector<1x1xi32> to vector<1x1xi32>
    %broadcast_in_dim3A_281 = vector.broadcast %broadcast_in_dim3A_280 : vector<1x1xi32> to vector<1x128xi32>
    %select_n3A_282 = arith.select %eq3A_279, %broadcast_in_dim3A_281, %select_n3A_271 : vector<1x128xi1>, vector<1x128xi32>
    %broadcast_in_dim3A_283 = vector.shape_cast %slice3A_276 : vector<1x1xi32> to vector<1x1xi32>
    %broadcast_in_dim3A_284 = vector.broadcast %broadcast_in_dim3A_283 : vector<1x1xi32> to vector<1x128xi32>
    %select_n3A_285 = arith.select %eq3A_279, %broadcast_in_dim3A_284, %select_n3A_274 : vector<1x128xi1>, vector<1x128xi32>
    %slice3A_286 = vector.extract_strided_slice %convert_element_type3A_164 {offsets = [0, 6], sizes = [1, 1], strides = [1, 1]} : vector<1x8xi32> to vector<1x1xi32>
    %slice3A_287 = vector.extract_strided_slice %convert_element_type3A_165 {offsets = [0, 6], sizes = [1, 1], strides = [1, 1]} : vector<1x8xi32> to vector<1x1xi32>
    %eq3A_288 = arith.constant 6 : i32
    %eq3A_289 = vector.broadcast %eq3A_288 : i32 to vector<1x128xi32>
    %eq3A_290 = arith.cmpi eq, %select_n3A_215, %eq3A_289 : vector<1x128xi32>
    %broadcast_in_dim3A_291 = vector.shape_cast %slice3A_286 : vector<1x1xi32> to vector<1x1xi32>
    %broadcast_in_dim3A_292 = vector.broadcast %broadcast_in_dim3A_291 : vector<1x1xi32> to vector<1x128xi32>
    %select_n3A_293 = arith.select %eq3A_290, %broadcast_in_dim3A_292, %select_n3A_282 : vector<1x128xi1>, vector<1x128xi32>
    %broadcast_in_dim3A_294 = vector.shape_cast %slice3A_287 : vector<1x1xi32> to vector<1x1xi32>
    %broadcast_in_dim3A_295 = vector.broadcast %broadcast_in_dim3A_294 : vector<1x1xi32> to vector<1x128xi32>
    %select_n3A_296 = arith.select %eq3A_290, %broadcast_in_dim3A_295, %select_n3A_285 : vector<1x128xi1>, vector<1x128xi32>
    %slice3A_297 = vector.extract_strided_slice %convert_element_type3A_164 {offsets = [0, 7], sizes = [1, 1], strides = [1, 1]} : vector<1x8xi32> to vector<1x1xi32>
    %slice3A_298 = vector.extract_strided_slice %convert_element_type3A_165 {offsets = [0, 7], sizes = [1, 1], strides = [1, 1]} : vector<1x8xi32> to vector<1x1xi32>
    %eq3A_299 = arith.constant 7 : i32
    %eq3A_300 = vector.broadcast %eq3A_299 : i32 to vector<1x128xi32>
    %eq3A_301 = arith.cmpi eq, %select_n3A_215, %eq3A_300 : vector<1x128xi32>
    %broadcast_in_dim3A_302 = vector.shape_cast %slice3A_297 : vector<1x1xi32> to vector<1x1xi32>
    %broadcast_in_dim3A_303 = vector.broadcast %broadcast_in_dim3A_302 : vector<1x1xi32> to vector<1x128xi32>
    %select_n3A_304 = arith.select %eq3A_301, %broadcast_in_dim3A_303, %select_n3A_293 : vector<1x128xi1>, vector<1x128xi32>
    %broadcast_in_dim3A_305 = vector.shape_cast %slice3A_298 : vector<1x1xi32> to vector<1x1xi32>
    %broadcast_in_dim3A_306 = vector.broadcast %broadcast_in_dim3A_305 : vector<1x1xi32> to vector<1x128xi32>
    %select_n3A_307 = arith.select %eq3A_301, %broadcast_in_dim3A_306, %select_n3A_296 : vector<1x128xi1>, vector<1x128xi32>
    %mul3A_308 = arith.constant 128 : i32
    %mul3A_309 = vector.broadcast %mul3A_308 : i32 to vector<1x128xi32>
    %mul3A_310 = arith.muli %select_n3A_194, %mul3A_309 : vector<1x128xi32>
    %add3A_311 = arith.constant 128 : i32
    %add3A_312 = vector.broadcast %add3A_311 : i32 to vector<1x128xi32>
    %add3A_313 = arith.addi %mul3A_310, %add3A_312 : vector<1x128xi32>
    %gt3A_314 = arith.constant 0 : i32
    %gt3A_315 = vector.broadcast %gt3A_314 : i32 to vector<1x128xi32>
    %gt3A_316 = arith.cmpi sgt, %select_n3A_307, %gt3A_315 : vector<1x128xi32>
    %lt3A_317 = arith.cmpi slt, %select_n3A_304, %add3A_313 : vector<1x128xi32>
    %and3A_318 = arith.andi %gt3A_316, %lt3A_317 : vector<1x128xi1>
    %add3A_319 = arith.addi %select_n3A_304, %select_n3A_307 : vector<1x128xi32>
    %gt3A_320 = arith.cmpi sgt, %add3A_319, %mul3A_310 : vector<1x128xi32>
    %and3A_321 = arith.andi %and3A_318, %gt3A_320 : vector<1x128xi1>
    %convert_element_type3A_322 = arith.extui %and3A_321 : vector<1x128xi1> to vector<1x128xi32>
    %convert_element_type3A_323 = arith.sitofp %convert_element_type3A_322 : vector<1x128xi32> to vector<1x128xf32>
    %iota3A_324 = tpu.iota {dimensions = array<i32: 0>} : vector<128x128xi32>
    %iota3A_325 = tpu.iota {dimensions = array<i32: 1>} : vector<128x128xi32>
    %le3A = arith.cmpi sle, %iota3A_324, %iota3A_325 : vector<128x128xi32>
    %convert_element_type3A_326 = arith.extui %le3A : vector<128x128xi1> to vector<128x128xi32>
    %convert_element_type3A_327 = arith.sitofp %convert_element_type3A_326 : vector<128x128xi32> to vector<128x128xf32>
    %dot_general3A_328 = arith.constant dense<0.000000e+00> : vector<1x128xf32>
    %dot_general3A_329 = tpu.matmul %convert_element_type3A_323, %convert_element_type3A_327, %dot_general3A_328 {dimension_numbers = #tpu.dot_dimension_numbers<[1], [0], [0], [1], [0, 0, 1, 1], [], []>, precision = #tpu.contract_precision<fp32>, transpose_lhs_hint = false} : vector<1x128xf32>, vector<128x128xf32>, vector<1x128xf32> -> vector<1x128xf32>
    %convert_element_type3A_330 = arith.fptosi %dot_general3A_329 : vector<1x128xf32> to vector<1x128xi32>
    %reduce_max3A_331 = vector.shape_cast %convert_element_type3A_330 : vector<1x128xi32> to vector<1x1x128xi32>
    %reduce_max3A_332 = arith.constant dense<-2147483648> : vector<1xi32>
    %reduce_max3A_333 = vector.multi_reduction <maxsi>, %reduce_max3A_331, %reduce_max3A_332 [1, 2] : vector<1x1x128xi32> to vector<1xi32>
    %reduce_max3A_334 = vector.shape_cast %reduce_max3A_333 : vector<1xi32> to vector<1x1x1xi32>
    %reduce_max3A_335 = vector.extract %reduce_max3A_334[0, 0, 0] : i32 from vector<1x1x1xi32>
    %iota3A_336 = tpu.iota {dimensions = array<i32: 0>} : vector<128x128xi32>
    %add3A_337 = arith.constant 1 : i32
    %add3A_338 = vector.broadcast %add3A_337 : i32 to vector<128x128xi32>
    %add3A_339 = arith.addi %iota3A_336, %add3A_338 : vector<128x128xi32>
    %eq3A_340 = vector.broadcast %convert_element_type3A_330 : vector<1x128xi32> to vector<128x128xi32>
    %eq3A_341 = arith.cmpi eq, %eq3A_340, %add3A_339 : vector<128x128xi32>
    %and3A_342 = vector.broadcast %and3A_321 : vector<1x128xi1> to vector<128x128xi1>
    %and3A_343 = arith.andi %eq3A_341, %and3A_342 : vector<128x128xi1>
    %iota3A_344 = tpu.iota {dimensions = array<i32: 1>} : vector<128x128xi32>
    %jit3A_345 = arith.constant 0 : i32
    %broadcast_in_dim3A_346 = vector.broadcast %jit3A_345 : i32 to vector<128x128xi32>
    %select_n3A_347 = arith.select %and3A_343, %iota3A_344, %broadcast_in_dim3A_346 : vector<128x128xi1>, vector<128x128xi32>
    %reduce_sum3A_348 = arith.constant dense<0> : vector<128xi32>
    %reduce_sum3A_349 = vector.multi_reduction <add>, %select_n3A_347, %reduce_sum3A_348 [1] : vector<128x128xi32> to vector<128xi32>
    %broadcast_in_dim3A_350 = vector.shape_cast %reduce_sum3A_349 : vector<128xi32> to vector<128x1xi32>
    %eq3A_351 = vector.broadcast %reduce_max3A_335 : i32 to vector<1x128xi32>
    %eq3A_352 = arith.cmpi eq, %convert_element_type3A_330, %eq3A_351 : vector<1x128xi32>
    %and3A_353 = arith.andi %eq3A_352, %and3A_321 : vector<1x128xi1>
    %jit3A_354 = arith.constant 0 : i32
    %broadcast_in_dim3A_355 = vector.broadcast %jit3A_354 : i32 to vector<1x128xi32>
    %select_n3A_356 = arith.select %and3A_353, %iota3A_166, %broadcast_in_dim3A_355 : vector<1x128xi1>, vector<1x128xi32>
    %reduce_max3A_357 = vector.shape_cast %select_n3A_356 : vector<1x128xi32> to vector<1x1x128xi32>
    %reduce_max3A_358 = arith.constant dense<-2147483648> : vector<1xi32>
    %reduce_max3A_359 = vector.multi_reduction <maxsi>, %reduce_max3A_357, %reduce_max3A_358 [1, 2] : vector<1x1x128xi32> to vector<1xi32>
    %reduce_max3A_360 = vector.shape_cast %reduce_max3A_359 : vector<1xi32> to vector<1x1x1xi32>
    %reduce_max3A_361 = vector.extract %reduce_max3A_360[0, 0, 0] : i32 from vector<1x1x1xi32>
    %iota3A_362 = tpu.iota {dimensions = array<i32: 0>} : vector<128x1xi32>
    %lt3A_363 = vector.broadcast %reduce_max3A_335 : i32 to vector<128x1xi32>
    %lt3A_364 = arith.cmpi slt, %iota3A_362, %lt3A_363 : vector<128x1xi32>
    %broadcast_in_dim3A_365 = vector.broadcast %reduce_max3A_361 : i32 to vector<128x1xi32>
    %select_n3A_366 = arith.select %lt3A_364, %broadcast_in_dim3A_350, %broadcast_in_dim3A_365 : vector<128x1xi1>, vector<128x1xi32>
    %jit3A_367 = arith.constant 8 : i32
    %div3A_368 = vector.broadcast %jit3A_367 : i32 to vector<128x1xi32>
    %div3A_369 = arith.divsi %select_n3A_366, %div3A_368 : vector<128x1xi32>
    %sign3A_370 = arith.constant 0 : i32
    %sign3A_371 = vector.broadcast %sign3A_370 : i32 to vector<128x1xi32>
    %sign3A_372 = arith.cmpi sgt, %select_n3A_366, %sign3A_371 : vector<128x1xi32>
    %sign3A_373 = arith.extui %sign3A_372 : vector<128x1xi1> to vector<128x1xi32>
    %sign3A_374 = arith.constant 0 : i32
    %sign3A_375 = vector.broadcast %sign3A_374 : i32 to vector<128x1xi32>
    %sign3A_376 = arith.cmpi slt, %select_n3A_366, %sign3A_375 : vector<128x1xi32>
    %sign3A_377 = arith.extui %sign3A_376 : vector<128x1xi1> to vector<128x1xi32>
    %sign3A_378 = arith.subi %sign3A_373, %sign3A_377 : vector<128x1xi32>
    %sign3A_379 = arith.constant 0 : i32
    %sign3A_380 = arith.cmpi sgt, %jit3A_367, %sign3A_379 : i32
    %sign3A_381 = arith.extui %sign3A_380 : i1 to i32
    %sign3A_382 = arith.constant 0 : i32
    %sign3A_383 = arith.cmpi slt, %jit3A_367, %sign3A_382 : i32
    %sign3A_384 = arith.extui %sign3A_383 : i1 to i32
    %sign3A_385 = arith.subi %sign3A_381, %sign3A_384 : i32
    %ne3A_386 = vector.broadcast %sign3A_385 : i32 to vector<128x1xi32>
    %ne3A_387 = arith.cmpi ne, %sign3A_378, %ne3A_386 : vector<128x1xi32>
    %rem3A_388 = vector.broadcast %jit3A_367 : i32 to vector<128x1xi32>
    %rem3A_389 = arith.remsi %select_n3A_366, %rem3A_388 : vector<128x1xi32>
    %ne3A_390 = arith.constant 0 : i32
    %ne3A_391 = vector.broadcast %ne3A_390 : i32 to vector<128x1xi32>
    %ne3A_392 = arith.cmpi ne, %rem3A_389, %ne3A_391 : vector<128x1xi32>
    %and3A_393 = arith.andi %ne3A_387, %ne3A_392 : vector<128x1xi1>
    %sub3A_394 = arith.constant 1 : i32
    %sub3A_395 = vector.broadcast %sub3A_394 : i32 to vector<128x1xi32>
    %sub3A_396 = arith.subi %div3A_369, %sub3A_395 : vector<128x1xi32>
    %select_n3A_397 = arith.select %and3A_393, %sub3A_396, %div3A_369 : vector<128x1xi1>, vector<128x1xi32>
    %reshape3A_398 = vector.shape_cast %select_n3A_397 : vector<128x1xi32> to vector<1x128xi32>
    %jit3A_399 = arith.constant 8 : i32
    %eq3A_400 = arith.constant 0 : i32
    %eq3A_401 = arith.cmpi eq, %jit3A_399, %eq3A_400 : i32
    %jit3A_402 = arith.constant 1 : i32
    %select_n3A_403 = arith.select %eq3A_401, %jit3A_402, %jit3A_399 : i32
    %rem3A_404 = vector.broadcast %select_n3A_403 : i32 to vector<128x1xi32>
    %rem3A_405 = arith.remsi %select_n3A_366, %rem3A_404 : vector<128x1xi32>
    %ne3A_406 = arith.constant 0 : i32
    %ne3A_407 = vector.broadcast %ne3A_406 : i32 to vector<128x1xi32>
    %ne3A_408 = arith.cmpi ne, %rem3A_405, %ne3A_407 : vector<128x1xi32>
    %lt3A_409 = arith.constant 0 : i32
    %lt3A_410 = vector.broadcast %lt3A_409 : i32 to vector<128x1xi32>
    %lt3A_411 = arith.cmpi slt, %rem3A_405, %lt3A_410 : vector<128x1xi32>
    %lt3A_412 = arith.constant 0 : i32
    %lt3A_413 = arith.cmpi slt, %select_n3A_403, %lt3A_412 : i32
    %ne3A_414 = vector.broadcast %lt3A_413 : i1 to vector<128x1xi1>
    %ne3A_415 = vector.broadcast %ne3A_414 : vector<128x1xi1> to vector<128x1xi1>
    %ne3A_416 = arith.xori %lt3A_411, %ne3A_415 : vector<128x1xi1>
    %and3A_417 = arith.andi %ne3A_416, %ne3A_408 : vector<128x1xi1>
    %add3A_418 = vector.broadcast %select_n3A_403 : i32 to vector<128x1xi32>
    %add3A_419 = arith.addi %rem3A_405, %add3A_418 : vector<128x1xi32>
    %select_n3A_420 = arith.select %and3A_417, %add3A_419, %rem3A_405 : vector<128x1xi1>, vector<128x1xi32>
    %reshape3A_421 = vector.shape_cast %select_n3A_420 : vector<128x1xi32> to vector<1x128xi32>
    %iota3A_422 = tpu.iota {dimensions = array<i32: 0>} : vector<8x128xi32>
    %broadcast_in_dim3A_423 = arith.constant 0 : i32
    %broadcast_in_dim3A_424 = vector.broadcast %broadcast_in_dim3A_423 : i32 to vector<1x120xi32>
    %concatenate3A_425 = tpu.concatenate %convert_element_type3A_164, %broadcast_in_dim3A_424 in 1 : vector<1x8xi32>, vector<1x120xi32> -> vector<1x128xi32>
    %add3A_426 = arith.addi %convert_element_type3A_164, %convert_element_type3A_165 : vector<1x8xi32>
    %concatenate3A_427 = tpu.concatenate %add3A_426, %broadcast_in_dim3A_424 in 1 : vector<1x8xi32>, vector<1x120xi32> -> vector<1x128xi32>
    %eq3A_428 = arith.constant 0 : i32
    %eq3A_429 = vector.broadcast %eq3A_428 : i32 to vector<8x128xi32>
    %eq3A_430 = arith.cmpi eq, %iota3A_422, %eq3A_429 : vector<8x128xi32>
    %broadcast_in_dim3A_431 = vector.shape_cast %reshape3A_398 : vector<1x128xi32> to vector<1x128xi32>
    %broadcast_in_dim3A_432 = vector.broadcast %broadcast_in_dim3A_431 : vector<1x128xi32> to vector<8x128xi32>
    %jit3A_433 = arith.constant 0 : i32
    %broadcast_in_dim3A_434 = vector.broadcast %jit3A_433 : i32 to vector<8x128xi32>
    %select_n3A_435 = arith.select %eq3A_430, %broadcast_in_dim3A_432, %broadcast_in_dim3A_434 : vector<8x128xi1>, vector<8x128xi32>
    %eq3A_436 = arith.constant 1 : i32
    %eq3A_437 = vector.broadcast %eq3A_436 : i32 to vector<8x128xi32>
    %eq3A_438 = arith.cmpi eq, %iota3A_422, %eq3A_437 : vector<8x128xi32>
    %broadcast_in_dim3A_439 = vector.shape_cast %reshape3A_421 : vector<1x128xi32> to vector<1x128xi32>
    %broadcast_in_dim3A_440 = vector.broadcast %broadcast_in_dim3A_439 : vector<1x128xi32> to vector<8x128xi32>
    %select_n3A_441 = arith.select %eq3A_438, %broadcast_in_dim3A_440, %select_n3A_435 : vector<8x128xi1>, vector<8x128xi32>
    %eq3A_442 = arith.constant 2 : i32
    %eq3A_443 = vector.broadcast %eq3A_442 : i32 to vector<8x128xi32>
    %eq3A_444 = arith.cmpi eq, %iota3A_422, %eq3A_443 : vector<8x128xi32>
    %broadcast_in_dim3A_445 = vector.shape_cast %concatenate3A_425 : vector<1x128xi32> to vector<1x128xi32>
    %broadcast_in_dim3A_446 = vector.broadcast %broadcast_in_dim3A_445 : vector<1x128xi32> to vector<8x128xi32>
    %select_n3A_447 = arith.select %eq3A_444, %broadcast_in_dim3A_446, %select_n3A_441 : vector<8x128xi1>, vector<8x128xi32>
    %eq3A_448 = arith.constant 3 : i32
    %eq3A_449 = vector.broadcast %eq3A_448 : i32 to vector<8x128xi32>
    %eq3A_450 = arith.cmpi eq, %iota3A_422, %eq3A_449 : vector<8x128xi32>
    %broadcast_in_dim3A_451 = vector.shape_cast %concatenate3A_427 : vector<1x128xi32> to vector<1x128xi32>
    %broadcast_in_dim3A_452 = vector.broadcast %broadcast_in_dim3A_451 : vector<1x128xi32> to vector<8x128xi32>
    %select_n3A_453 = arith.select %eq3A_450, %broadcast_in_dim3A_452, %select_n3A_447 : vector<8x128xi1>, vector<8x128xi32>
    %swap3A_454 = arith.constant 0 : index
    %swap3A_455 = arith.constant 0 : index
    %swap3A_456 = vector.load %arg6[%swap3A_454, %swap3A_455] : memref<8x128xi32, #tpu.memory_space<vmem>>, vector<8x128xi32>
    tpu.vector_store %arg6[%swap3A_454, %swap3A_455], %select_n3A_453 {strides = array<i32>} : memref<8x128xi32, #tpu.memory_space<vmem>>, vector<8x128xi32>,
    return
  }
}

module attributes {stable_mosaic.version = 14 : i64} {
  func.func @_mm_body(%arg0: memref<1024xi32, #tpu.memory_space<smem>>, %arg1: memref<2048x640xi32, #tpu.memory_space<vmem>>, %arg2: memref<8x1x2048xf32, #tpu.memory_space<vmem>>, %arg3: memref<8x1x1024xf32, #tpu.memory_space<vmem>>, %arg4: memref<8x1024x2048xf32, #tpu.memory_space<any>>, %arg5: memref<8x2048x1024xf32, #tpu.memory_space<any>>, %arg6: memref<2048x1024xf32, #tpu.memory_space<vmem>>, %arg7: memref<2x1x1024x2048xf32, #tpu.memory_space<vmem>>, %arg8: memref<2x1x2048x1024xf32, #tpu.memory_space<vmem>>, %arg9: memref<2x!tpu.dma_semaphore, #tpu.memory_space<semaphore_mem>>, %arg10: memref<2x!tpu.dma_semaphore, #tpu.memory_space<semaphore_mem>>) attributes {dimension_semantics = [], scalar_prefetch = 0 : i64, scratch_operands = 4 : i64, tpu.core_type = #tpu.core_type<tc>} {
    %dma_start3A = arith.constant 0 : i32
    %dma_start3A_0 = arith.constant 0 : i32
    %dma_start3A_1 = tpu.memref_slice %arg9[%dma_start3A_0] : memref<2x!tpu.dma_semaphore, #tpu.memory_space<semaphore_mem>> -> memref<1x!tpu.dma_semaphore, #tpu.memory_space<semaphore_mem>>
    %dma_start3A_2 = tpu.memref_squeeze %dma_start3A_1 : memref<1x!tpu.dma_semaphore, #tpu.memory_space<semaphore_mem>> -> memref<!tpu.dma_semaphore, #tpu.memory_space<semaphore_mem>>
    %dma_start3A_3 = arith.constant 0 : i32
    %dma_start3A_4 = arith.constant 0 : i32
    %dma_start3A_5 = arith.constant 0 : i32
    %dma_start3A_6 = tpu.memref_slice %arg7[%dma_start3A, %dma_start3A_3, %dma_start3A_4, %dma_start3A_5] : memref<2x1x1024x2048xf32, #tpu.memory_space<vmem>> -> memref<1x1x1024x2048xf32, #tpu.memory_space<vmem>>
    %dma_start3A_7 = tpu.memref_squeeze %dma_start3A_6 : memref<1x1x1024x2048xf32, #tpu.memory_space<vmem>> -> memref<1x1024x2048xf32, #tpu.memory_space<vmem>>
    %dma_start3A_8 = arith.constant 0 : i32
    %dma_start3A_9 = arith.constant 0 : i32
    %dma_start3A_10 = arith.constant 0 : i32
    %dma_start3A_11 = tpu.memref_slice %arg4[%dma_start3A_8, %dma_start3A_9, %dma_start3A_10] : memref<8x1024x2048xf32, #tpu.memory_space<any>> -> memref<1x1024x2048xf32, #tpu.memory_space<any>>
    tpu.enqueue_dma source(%dma_start3A_11 : memref<1x1024x2048xf32, #tpu.memory_space<any>>) target(%dma_start3A_7 : memref<1x1024x2048xf32, #tpu.memory_space<vmem>>) target_semaphore(%dma_start3A_2 : memref<!tpu.dma_semaphore, #tpu.memory_space<semaphore_mem>>)
    %dma_start3A_12 = arith.constant 0 : i32
    %dma_start3A_13 = arith.constant 0 : i32
    %dma_start3A_14 = tpu.memref_slice %arg10[%dma_start3A_13] : memref<2x!tpu.dma_semaphore, #tpu.memory_space<semaphore_mem>> -> memref<1x!tpu.dma_semaphore, #tpu.memory_space<semaphore_mem>>
    %dma_start3A_15 = tpu.memref_squeeze %dma_start3A_14 : memref<1x!tpu.dma_semaphore, #tpu.memory_space<semaphore_mem>> -> memref<!tpu.dma_semaphore, #tpu.memory_space<semaphore_mem>>
    %dma_start3A_16 = arith.constant 0 : i32
    %dma_start3A_17 = arith.constant 0 : i32
    %dma_start3A_18 = arith.constant 0 : i32
    %dma_start3A_19 = tpu.memref_slice %arg8[%dma_start3A_12, %dma_start3A_16, %dma_start3A_17, %dma_start3A_18] : memref<2x1x2048x1024xf32, #tpu.memory_space<vmem>> -> memref<1x1x2048x1024xf32, #tpu.memory_space<vmem>>
    %dma_start3A_20 = tpu.memref_squeeze %dma_start3A_19 : memref<1x1x2048x1024xf32, #tpu.memory_space<vmem>> -> memref<1x2048x1024xf32, #tpu.memory_space<vmem>>
    %dma_start3A_21 = arith.constant 0 : i32
    %dma_start3A_22 = arith.constant 0 : i32
    %dma_start3A_23 = arith.constant 0 : i32
    %dma_start3A_24 = tpu.memref_slice %arg5[%dma_start3A_21, %dma_start3A_22, %dma_start3A_23] : memref<8x2048x1024xf32, #tpu.memory_space<any>> -> memref<1x2048x1024xf32, #tpu.memory_space<any>>
    tpu.enqueue_dma source(%dma_start3A_24 : memref<1x2048x1024xf32, #tpu.memory_space<any>>) target(%dma_start3A_20 : memref<1x2048x1024xf32, #tpu.memory_space<vmem>>) target_semaphore(%dma_start3A_15 : memref<!tpu.dma_semaphore, #tpu.memory_space<semaphore_mem>>)
    %dma_start3A_25 = arith.constant 1 : i32
    %dma_start3A_26 = arith.constant 1 : i32
    %dma_start3A_27 = tpu.memref_slice %arg9[%dma_start3A_26] : memref<2x!tpu.dma_semaphore, #tpu.memory_space<semaphore_mem>> -> memref<1x!tpu.dma_semaphore, #tpu.memory_space<semaphore_mem>>
    %dma_start3A_28 = tpu.memref_squeeze %dma_start3A_27 : memref<1x!tpu.dma_semaphore, #tpu.memory_space<semaphore_mem>> -> memref<!tpu.dma_semaphore, #tpu.memory_space<semaphore_mem>>
    %dma_start3A_29 = arith.constant 0 : i32
    %dma_start3A_30 = arith.constant 0 : i32
    %dma_start3A_31 = arith.constant 0 : i32
    %dma_start3A_32 = tpu.memref_slice %arg7[%dma_start3A_25, %dma_start3A_29, %dma_start3A_30, %dma_start3A_31] : memref<2x1x1024x2048xf32, #tpu.memory_space<vmem>> -> memref<1x1x1024x2048xf32, #tpu.memory_space<vmem>>
    %dma_start3A_33 = tpu.memref_squeeze %dma_start3A_32 : memref<1x1x1024x2048xf32, #tpu.memory_space<vmem>> -> memref<1x1024x2048xf32, #tpu.memory_space<vmem>>
    %dma_start3A_34 = arith.constant 1 : i32
    %dma_start3A_35 = arith.constant 0 : i32
    %dma_start3A_36 = arith.constant 0 : i32
    %dma_start3A_37 = tpu.memref_slice %arg4[%dma_start3A_34, %dma_start3A_35, %dma_start3A_36] : memref<8x1024x2048xf32, #tpu.memory_space<any>> -> memref<1x1024x2048xf32, #tpu.memory_space<any>>
    tpu.enqueue_dma source(%dma_start3A_37 : memref<1x1024x2048xf32, #tpu.memory_space<any>>) target(%dma_start3A_33 : memref<1x1024x2048xf32, #tpu.memory_space<vmem>>) target_semaphore(%dma_start3A_28 : memref<!tpu.dma_semaphore, #tpu.memory_space<semaphore_mem>>)
    %dma_start3A_38 = arith.constant 1 : i32
    %dma_start3A_39 = arith.constant 1 : i32
    %dma_start3A_40 = tpu.memref_slice %arg10[%dma_start3A_39] : memref<2x!tpu.dma_semaphore, #tpu.memory_space<semaphore_mem>> -> memref<1x!tpu.dma_semaphore, #tpu.memory_space<semaphore_mem>>
    %dma_start3A_41 = tpu.memref_squeeze %dma_start3A_40 : memref<1x!tpu.dma_semaphore, #tpu.memory_space<semaphore_mem>> -> memref<!tpu.dma_semaphore, #tpu.memory_space<semaphore_mem>>
    %dma_start3A_42 = arith.constant 0 : i32
    %dma_start3A_43 = arith.constant 0 : i32
    %dma_start3A_44 = arith.constant 0 : i32
    %dma_start3A_45 = tpu.memref_slice %arg8[%dma_start3A_38, %dma_start3A_42, %dma_start3A_43, %dma_start3A_44] : memref<2x1x2048x1024xf32, #tpu.memory_space<vmem>> -> memref<1x1x2048x1024xf32, #tpu.memory_space<vmem>>
    %dma_start3A_46 = tpu.memref_squeeze %dma_start3A_45 : memref<1x1x2048x1024xf32, #tpu.memory_space<vmem>> -> memref<1x2048x1024xf32, #tpu.memory_space<vmem>>
    %dma_start3A_47 = arith.constant 1 : i32
    %dma_start3A_48 = arith.constant 0 : i32
    %dma_start3A_49 = arith.constant 0 : i32
    %dma_start3A_50 = tpu.memref_slice %arg5[%dma_start3A_47, %dma_start3A_48, %dma_start3A_49] : memref<8x2048x1024xf32, #tpu.memory_space<any>> -> memref<1x2048x1024xf32, #tpu.memory_space<any>>
    tpu.enqueue_dma source(%dma_start3A_50 : memref<1x2048x1024xf32, #tpu.memory_space<any>>) target(%dma_start3A_46 : memref<1x2048x1024xf32, #tpu.memory_space<vmem>>) target_semaphore(%dma_start3A_41 : memref<!tpu.dma_semaphore, #tpu.memory_space<semaphore_mem>>)
    %dma_wait3A = arith.constant 0 : i32
    %dma_wait3A_51 = arith.constant 0 : i32
    %dma_wait3A_52 = tpu.memref_slice %arg9[%dma_wait3A_51] : memref<2x!tpu.dma_semaphore, #tpu.memory_space<semaphore_mem>> -> memref<1x!tpu.dma_semaphore, #tpu.memory_space<semaphore_mem>>
    %dma_wait3A_53 = tpu.memref_squeeze %dma_wait3A_52 : memref<1x!tpu.dma_semaphore, #tpu.memory_space<semaphore_mem>> -> memref<!tpu.dma_semaphore, #tpu.memory_space<semaphore_mem>>
    %dma_wait3A_54 = arith.constant 0 : i32
    %dma_wait3A_55 = arith.constant 0 : i32
    %dma_wait3A_56 = arith.constant 0 : i32
    %dma_wait3A_57 = tpu.memref_slice %arg7[%dma_wait3A, %dma_wait3A_54, %dma_wait3A_55, %dma_wait3A_56] : memref<2x1x1024x2048xf32, #tpu.memory_space<vmem>> -> memref<1x1x1024x2048xf32, #tpu.memory_space<vmem>>
    %dma_wait3A_58 = tpu.memref_squeeze %dma_wait3A_57 : memref<1x1x1024x2048xf32, #tpu.memory_space<vmem>> -> memref<1x1024x2048xf32, #tpu.memory_space<vmem>>
    %dma_wait3A_59 = arith.constant 0 : i32
    %dma_wait3A_60 = arith.constant 0 : i32
    %dma_wait3A_61 = arith.constant 0 : i32
    %dma_wait3A_62 = tpu.memref_slice %arg4[%dma_wait3A_59, %dma_wait3A_60, %dma_wait3A_61] : memref<8x1024x2048xf32, #tpu.memory_space<any>> -> memref<1x1024x2048xf32, #tpu.memory_space<any>>
    tpu.wait_dma2 semaphore(%dma_wait3A_53 : memref<!tpu.dma_semaphore, #tpu.memory_space<semaphore_mem>>) src(%dma_wait3A_62 : memref<1x1024x2048xf32, #tpu.memory_space<any>>) dst(%dma_wait3A_58 : memref<1x1024x2048xf32, #tpu.memory_space<vmem>>)
    %dma_wait3A_63 = arith.constant 0 : i32
    %dma_wait3A_64 = arith.constant 0 : i32
    %dma_wait3A_65 = tpu.memref_slice %arg10[%dma_wait3A_64] : memref<2x!tpu.dma_semaphore, #tpu.memory_space<semaphore_mem>> -> memref<1x!tpu.dma_semaphore, #tpu.memory_space<semaphore_mem>>
    %dma_wait3A_66 = tpu.memref_squeeze %dma_wait3A_65 : memref<1x!tpu.dma_semaphore, #tpu.memory_space<semaphore_mem>> -> memref<!tpu.dma_semaphore, #tpu.memory_space<semaphore_mem>>
    %dma_wait3A_67 = arith.constant 0 : i32
    %dma_wait3A_68 = arith.constant 0 : i32
    %dma_wait3A_69 = arith.constant 0 : i32
    %dma_wait3A_70 = tpu.memref_slice %arg8[%dma_wait3A_63, %dma_wait3A_67, %dma_wait3A_68, %dma_wait3A_69] : memref<2x1x2048x1024xf32, #tpu.memory_space<vmem>> -> memref<1x1x2048x1024xf32, #tpu.memory_space<vmem>>
    %dma_wait3A_71 = tpu.memref_squeeze %dma_wait3A_70 : memref<1x1x2048x1024xf32, #tpu.memory_space<vmem>> -> memref<1x2048x1024xf32, #tpu.memory_space<vmem>>
    %dma_wait3A_72 = arith.constant 0 : i32
    %dma_wait3A_73 = arith.constant 0 : i32
    %dma_wait3A_74 = arith.constant 0 : i32
    %dma_wait3A_75 = tpu.memref_slice %arg5[%dma_wait3A_72, %dma_wait3A_73, %dma_wait3A_74] : memref<8x2048x1024xf32, #tpu.memory_space<any>> -> memref<1x2048x1024xf32, #tpu.memory_space<any>>
    tpu.wait_dma2 semaphore(%dma_wait3A_66 : memref<!tpu.dma_semaphore, #tpu.memory_space<semaphore_mem>>) src(%dma_wait3A_75 : memref<1x2048x1024xf32, #tpu.memory_space<any>>) dst(%dma_wait3A_71 : memref<1x2048x1024xf32, #tpu.memory_space<vmem>>)
    %get3A = arith.constant 0 : index
    %get3A_76 = arith.constant 0 : index
    %get3A_77 = arith.constant 0 : index
    %get3A_78 = arith.constant 0 : index
    %get3A_79 = vector.load %arg7[%get3A, %get3A_76, %get3A_77, %get3A_78] : memref<2x1x1024x2048xf32, #tpu.memory_space<vmem>>, vector<1x1x1024x2048xf32>
    %get3A_80 = vector.shape_cast %get3A_79 : vector<1x1x1024x2048xf32> to vector<1024x2048xf32>
    %convert_element_type3A = arith.truncf %get3A_80 : vector<1024x2048xf32> to vector<1024x2048xbf16>
    %get3A_81 = arith.constant 0 : index
    %get3A_82 = arith.constant 0 : index
    %get3A_83 = arith.constant 0 : index
    %get3A_84 = arith.constant 0 : index
    %get3A_85 = vector.load %arg8[%get3A_81, %get3A_82, %get3A_83, %get3A_84] : memref<2x1x2048x1024xf32, #tpu.memory_space<vmem>>, vector<1x1x2048x1024xf32>
    %get3A_86 = vector.shape_cast %get3A_85 : vector<1x1x2048x1024xf32> to vector<2048x1024xf32>
    %convert_element_type3A_87 = arith.truncf %get3A_86 : vector<2048x1024xf32> to vector<2048x1024xbf16>
    %get3A_88 = arith.constant 0 : index
    %get3A_89 = arith.constant 0 : index
    %get3A_90 = arith.constant 0 : index
    %get3A_91 = vector.load %arg2[%get3A_88, %get3A_89, %get3A_90] : memref<8x1x2048xf32, #tpu.memory_space<vmem>>, vector<1x1x2048xf32>
    %get3A_92 = vector.shape_cast %get3A_91 : vector<1x1x2048xf32> to vector<1x2048xf32>
    %get3A_93 = arith.constant 0 : index
    %get3A_94 = arith.constant 0 : index
    %get3A_95 = arith.constant 0 : index
    %get3A_96 = vector.load %arg3[%get3A_93, %get3A_94, %get3A_95] : memref<8x1x1024xf32, #tpu.memory_space<vmem>>, vector<1x1x1024xf32>
    %get3A_97 = vector.shape_cast %get3A_96 : vector<1x1x1024xf32> to vector<1x1024xf32>
    %get3A_98 = arith.constant 256 : index
    %get3A_99 = memref.load %arg0[%get3A_98] : memref<1024xi32, #tpu.memory_space<smem>>
    %get3A_100 = arith.constant 384 : index
    %get3A_101 = memref.load %arg0[%get3A_100] : memref<1024xi32, #tpu.memory_space<smem>>
    %div3A = arith.constant 128 : i32
    %div3A_102 = arith.divsi %get3A_99, %div3A : i32
    %gt3A = arith.cmpi sgt, %get3A_101, %get3A_99 : i32
    %sub3A = arith.constant 1 : i32
    %sub3A_103 = arith.subi %get3A_101, %sub3A : i32
    %div3A_104 = arith.constant 128 : i32
    %div3A_105 = arith.divsi %sub3A_103, %div3A_104 : i32
    %add3A = arith.constant 1 : i32
    %add3A_106 = arith.addi %div3A_105, %add3A : i32
    %select_n3A = arith.select %gt3A, %add3A_106, %div3A_102 : i32
    %while3A = arith.constant 0 : i32
    %while3A_107 = arith.subi %select_n3A, %div3A_102 : i32
    %while3A_108 = arith.addi %div3A_102, %while3A_107 : i32
    %while3A_109 = arith.constant 1 : i32
    %while3A_110 = arith.divsi %while3A_107, %while3A_109 : i32
    %while3A_111 = arith.muli %while3A_110, %while3A_109 : i32
    %while3A_112 = arith.addi %div3A_102, %while3A_111 : i32
    %while3A_113 = arith.constant 1 : i32
    %while3A_114 = scf.for %while3A_798 = %div3A_102 to %while3A_112 step %while3A_113 iter_args(%while3A_799 = %while3A) -> (i32)  : i32 {
      %mul3A = arith.constant 128 : i32
      %mul3A_800 = arith.muli %while3A_798, %mul3A : i32
      %get3A_801 = arith.index_cast %mul3A_800 : i32 to index
      %get3A_802 = arith.constant 0 : index
      %get3A_803 = vector.load %arg1[%get3A_801, %get3A_802] : memref<2048x640xi32, #tpu.memory_space<vmem>>, vector<128x640xi32>
      %slice3A = vector.extract_strided_slice %get3A_803 {offsets = [0, 0], sizes = [128, 512], strides = [1, 1]} : vector<128x640xi32> to vector<128x512xi32>
      %shift_left3A = arith.constant 16 : i32
      %shift_left3A_804 = vector.broadcast %shift_left3A : i32 to vector<128x512xi32>
      %shift_left3A_805 = arith.shli %slice3A, %shift_left3A_804 : vector<128x512xi32>
      %bitcast_convert_type3A = tpu.bitcast %shift_left3A_805 : vector<128x512xi32> -> vector<128x512xf32>
      %and3A = arith.constant -65536 : i32
      %and3A_806 = vector.broadcast %and3A : i32 to vector<128x512xi32>
      %and3A_807 = arith.andi %slice3A, %and3A_806 : vector<128x512xi32>
      %bitcast_convert_type3A_808 = tpu.bitcast %and3A_807 : vector<128x512xi32> -> vector<128x512xf32>
      %concatenate3A = tpu.concatenate %bitcast_convert_type3A, %bitcast_convert_type3A_808 in 1 : vector<128x512xf32>, vector<128x512xf32> -> vector<128x1024xf32>
      %convert_element_type3A_809 = arith.truncf %concatenate3A : vector<128x1024xf32> to vector<128x1024xbf16>
      %slice3A_810 = vector.extract_strided_slice %get3A_803 {offsets = [0, 512], sizes = [128, 1], strides = [1, 1]} : vector<128x640xi32> to vector<128x1xi32>
      %bitcast_convert_type3A_811 = tpu.bitcast %slice3A_810 : vector<128x1xi32> -> vector<128x1xf32>
      %dot_general3A = arith.constant dense<0.000000e+00> : vector<128x2048xf32>
      %dot_general3A_812 = tpu.matmul %convert_element_type3A_809, %convert_element_type3A, %dot_general3A {dimension_numbers = #tpu.dot_dimension_numbers<[1], [0], [0], [1], [0, 0, 1, 1], [], []>, transpose_lhs_hint = false} : vector<128x1024xbf16>, vector<1024x2048xbf16>, vector<128x2048xf32> -> vector<128x2048xf32>
      %add3A_813 = vector.broadcast %get3A_92 : vector<1x2048xf32> to vector<128x2048xf32>
      %add3A_814 = arith.addf %dot_general3A_812, %add3A_813 : vector<128x2048xf32>
      %max3A = arith.constant 0.000000e+00 : f32
      %max3A_815 = vector.broadcast %max3A : f32 to vector<128x2048xf32>
      %max3A_816 = arith.maximumf %add3A_814, %max3A_815 : vector<128x2048xf32>
      %convert_element_type3A_817 = arith.truncf %max3A_816 : vector<128x2048xf32> to vector<128x2048xbf16>
      %dot_general3A_818 = arith.constant dense<0.000000e+00> : vector<128x1024xf32>
      %dot_general3A_819 = tpu.matmul %convert_element_type3A_817, %convert_element_type3A_87, %dot_general3A_818 {dimension_numbers = #tpu.dot_dimension_numbers<[1], [0], [0], [1], [0, 0, 1, 1], [], []>, transpose_lhs_hint = false} : vector<128x2048xbf16>, vector<2048x1024xbf16>, vector<128x1024xf32> -> vector<128x1024xf32>
      %add3A_820 = vector.broadcast %get3A_97 : vector<1x1024xf32> to vector<128x1024xf32>
      %add3A_821 = arith.addf %dot_general3A_819, %add3A_820 : vector<128x1024xf32>
      %mul3A_822 = vector.broadcast %bitcast_convert_type3A_811 : vector<128x1xf32> to vector<128x1024xf32>
      %mul3A_823 = arith.mulf %add3A_821, %mul3A_822 : vector<128x1024xf32>
      %mul3A_824 = arith.constant 128 : i32
      %mul3A_825 = arith.muli %while3A_798, %mul3A_824 : i32
      %iota3A = tpu.iota {dimensions = array<i32: 0>} : vector<128x1xi32>
      %add3A_826 = vector.broadcast %mul3A_825 : i32 to vector<128x1xi32>
      %add3A_827 = arith.addi %add3A_826, %iota3A : vector<128x1xi32>
      %ge3A = vector.broadcast %get3A_99 : i32 to vector<128x1xi32>
      %ge3A_828 = arith.cmpi sge, %add3A_827, %ge3A : vector<128x1xi32>
      %lt3A = vector.broadcast %get3A_101 : i32 to vector<128x1xi32>
      %lt3A_829 = arith.cmpi slt, %add3A_827, %lt3A : vector<128x1xi32>
      %and3A_830 = arith.andi %ge3A_828, %lt3A_829 : vector<128x1xi1>
      %mul3A_831 = arith.constant 128 : i32
      %mul3A_832 = arith.muli %while3A_798, %mul3A_831 : i32
      %get3A_833 = arith.index_cast %mul3A_832 : i32 to index
      %get3A_834 = arith.constant 0 : index
      %get3A_835 = vector.load %arg6[%get3A_833, %get3A_834] : memref<2048x1024xf32, #tpu.memory_space<vmem>>, vector<128x1024xf32>
      %broadcast_in_dim3A = vector.shape_cast %and3A_830 : vector<128x1xi1> to vector<128x1xi1>
      %broadcast_in_dim3A_836 = vector.broadcast %broadcast_in_dim3A : vector<128x1xi1> to vector<128x1024xi1>
      %select_n3A_837 = arith.select %broadcast_in_dim3A_836, %mul3A_823, %get3A_835 : vector<128x1024xi1>, vector<128x1024xf32>
      %mul3A_838 = arith.constant 128 : i32
      %mul3A_839 = arith.muli %while3A_798, %mul3A_838 : i32
      %swap3A = arith.index_cast %mul3A_839 : i32 to index
      %swap3A_840 = arith.constant 0 : index
      %swap3A_841 = vector.load %arg6[%swap3A, %swap3A_840] : memref<2048x1024xf32, #tpu.memory_space<vmem>>, vector<128x1024xf32>
      tpu.vector_store %arg6[%swap3A, %swap3A_840], %select_n3A_837 {strides = array<i32>} : memref<2048x1024xf32, #tpu.memory_space<vmem>>, vector<128x1024xf32>,
      %while3A_842 = arith.constant 0 : i32
      scf.yield %while3A_842 : i32
    }
    %while3A_115 = arith.constant 1 : i32
    %while3A_116 = scf.for %while3A_798 = %while3A_112 to %while3A_108 step %while3A_115 iter_args(%while3A_799 = %while3A_114) -> (i32)  : i32 {
      %mul3A = arith.constant 128 : i32
      %mul3A_800 = arith.muli %while3A_798, %mul3A : i32
      %get3A_801 = arith.index_cast %mul3A_800 : i32 to index
      %get3A_802 = arith.constant 0 : index
      %get3A_803 = vector.load %arg1[%get3A_801, %get3A_802] : memref<2048x640xi32, #tpu.memory_space<vmem>>, vector<128x640xi32>
      %slice3A = vector.extract_strided_slice %get3A_803 {offsets = [0, 0], sizes = [128, 512], strides = [1, 1]} : vector<128x640xi32> to vector<128x512xi32>
      %shift_left3A = arith.constant 16 : i32
      %shift_left3A_804 = vector.broadcast %shift_left3A : i32 to vector<128x512xi32>
      %shift_left3A_805 = arith.shli %slice3A, %shift_left3A_804 : vector<128x512xi32>
      %bitcast_convert_type3A = tpu.bitcast %shift_left3A_805 : vector<128x512xi32> -> vector<128x512xf32>
      %and3A = arith.constant -65536 : i32
      %and3A_806 = vector.broadcast %and3A : i32 to vector<128x512xi32>
      %and3A_807 = arith.andi %slice3A, %and3A_806 : vector<128x512xi32>
      %bitcast_convert_type3A_808 = tpu.bitcast %and3A_807 : vector<128x512xi32> -> vector<128x512xf32>
      %concatenate3A = tpu.concatenate %bitcast_convert_type3A, %bitcast_convert_type3A_808 in 1 : vector<128x512xf32>, vector<128x512xf32> -> vector<128x1024xf32>
      %convert_element_type3A_809 = arith.truncf %concatenate3A : vector<128x1024xf32> to vector<128x1024xbf16>
      %slice3A_810 = vector.extract_strided_slice %get3A_803 {offsets = [0, 512], sizes = [128, 1], strides = [1, 1]} : vector<128x640xi32> to vector<128x1xi32>
      %bitcast_convert_type3A_811 = tpu.bitcast %slice3A_810 : vector<128x1xi32> -> vector<128x1xf32>
      %dot_general3A = arith.constant dense<0.000000e+00> : vector<128x2048xf32>
      %dot_general3A_812 = tpu.matmul %convert_element_type3A_809, %convert_element_type3A, %dot_general3A {dimension_numbers = #tpu.dot_dimension_numbers<[1], [0], [0], [1], [0, 0, 1, 1], [], []>, transpose_lhs_hint = false} : vector<128x1024xbf16>, vector<1024x2048xbf16>, vector<128x2048xf32> -> vector<128x2048xf32>
      %add3A_813 = vector.broadcast %get3A_92 : vector<1x2048xf32> to vector<128x2048xf32>
      %add3A_814 = arith.addf %dot_general3A_812, %add3A_813 : vector<128x2048xf32>
      %max3A = arith.constant 0.000000e+00 : f32
      %max3A_815 = vector.broadcast %max3A : f32 to vector<128x2048xf32>
      %max3A_816 = arith.maximumf %add3A_814, %max3A_815 : vector<128x2048xf32>
      %convert_element_type3A_817 = arith.truncf %max3A_816 : vector<128x2048xf32> to vector<128x2048xbf16>
      %dot_general3A_818 = arith.constant dense<0.000000e+00> : vector<128x1024xf32>
      %dot_general3A_819 = tpu.matmul %convert_element_type3A_817, %convert_element_type3A_87, %dot_general3A_818 {dimension_numbers = #tpu.dot_dimension_numbers<[1], [0], [0], [1], [0, 0, 1, 1], [], []>, transpose_lhs_hint = false} : vector<128x2048xbf16>, vector<2048x1024xbf16>, vector<128x1024xf32> -> vector<128x1024xf32>
      %add3A_820 = vector.broadcast %get3A_97 : vector<1x1024xf32> to vector<128x1024xf32>
      %add3A_821 = arith.addf %dot_general3A_819, %add3A_820 : vector<128x1024xf32>
      %mul3A_822 = vector.broadcast %bitcast_convert_type3A_811 : vector<128x1xf32> to vector<128x1024xf32>
      %mul3A_823 = arith.mulf %add3A_821, %mul3A_822 : vector<128x1024xf32>
      %mul3A_824 = arith.constant 128 : i32
      %mul3A_825 = arith.muli %while3A_798, %mul3A_824 : i32
      %iota3A = tpu.iota {dimensions = array<i32: 0>} : vector<128x1xi32>
      %add3A_826 = vector.broadcast %mul3A_825 : i32 to vector<128x1xi32>
      %add3A_827 = arith.addi %add3A_826, %iota3A : vector<128x1xi32>
      %ge3A = vector.broadcast %get3A_99 : i32 to vector<128x1xi32>
      %ge3A_828 = arith.cmpi sge, %add3A_827, %ge3A : vector<128x1xi32>
      %lt3A = vector.broadcast %get3A_101 : i32 to vector<128x1xi32>
      %lt3A_829 = arith.cmpi slt, %add3A_827, %lt3A : vector<128x1xi32>
      %and3A_830 = arith.andi %ge3A_828, %lt3A_829 : vector<128x1xi1>
      %mul3A_831 = arith.constant 128 : i32
      %mul3A_832 = arith.muli %while3A_798, %mul3A_831 : i32
      %get3A_833 = arith.index_cast %mul3A_832 : i32 to index
      %get3A_834 = arith.constant 0 : index
      %get3A_835 = vector.load %arg6[%get3A_833, %get3A_834] : memref<2048x1024xf32, #tpu.memory_space<vmem>>, vector<128x1024xf32>
      %broadcast_in_dim3A = vector.shape_cast %and3A_830 : vector<128x1xi1> to vector<128x1xi1>
      %broadcast_in_dim3A_836 = vector.broadcast %broadcast_in_dim3A : vector<128x1xi1> to vector<128x1024xi1>
      %select_n3A_837 = arith.select %broadcast_in_dim3A_836, %mul3A_823, %get3A_835 : vector<128x1024xi1>, vector<128x1024xf32>
      %mul3A_838 = arith.constant 128 : i32
      %mul3A_839 = arith.muli %while3A_798, %mul3A_838 : i32
      %swap3A = arith.index_cast %mul3A_839 : i32 to index
      %swap3A_840 = arith.constant 0 : index
      %swap3A_841 = vector.load %arg6[%swap3A, %swap3A_840] : memref<2048x1024xf32, #tpu.memory_space<vmem>>, vector<128x1024xf32>
      tpu.vector_store %arg6[%swap3A, %swap3A_840], %select_n3A_837 {strides = array<i32>} : memref<2048x1024xf32, #tpu.memory_space<vmem>>, vector<128x1024xf32>,
      %while3A_842 = arith.constant 0 : i32
      scf.yield %while3A_842 : i32
    }
    %dma_start3A_117 = arith.constant 0 : i32
    %dma_start3A_118 = arith.constant 0 : i32
    %dma_start3A_119 = tpu.memref_slice %arg9[%dma_start3A_118] : memref<2x!tpu.dma_semaphore, #tpu.memory_space<semaphore_mem>> -> memref<1x!tpu.dma_semaphore, #tpu.memory_space<semaphore_mem>>
    %dma_start3A_120 = tpu.memref_squeeze %dma_start3A_119 : memref<1x!tpu.dma_semaphore, #tpu.memory_space<semaphore_mem>> -> memref<!tpu.dma_semaphore, #tpu.memory_space<semaphore_mem>>
    %dma_start3A_121 = arith.constant 0 : i32
    %dma_start3A_122 = arith.constant 0 : i32
    %dma_start3A_123 = arith.constant 0 : i32
    %dma_start3A_124 = tpu.memref_slice %arg7[%dma_start3A_117, %dma_start3A_121, %dma_start3A_122, %dma_start3A_123] : memref<2x1x1024x2048xf32, #tpu.memory_space<vmem>> -> memref<1x1x1024x2048xf32, #tpu.memory_space<vmem>>
    %dma_start3A_125 = tpu.memref_squeeze %dma_start3A_124 : memref<1x1x1024x2048xf32, #tpu.memory_space<vmem>> -> memref<1x1024x2048xf32, #tpu.memory_space<vmem>>
    %dma_start3A_126 = arith.constant 2 : i32
    %dma_start3A_127 = arith.constant 0 : i32
    %dma_start3A_128 = arith.constant 0 : i32
    %dma_start3A_129 = tpu.memref_slice %arg4[%dma_start3A_126, %dma_start3A_127, %dma_start3A_128] : memref<8x1024x2048xf32, #tpu.memory_space<any>> -> memref<1x1024x2048xf32, #tpu.memory_space<any>>
    tpu.enqueue_dma source(%dma_start3A_129 : memref<1x1024x2048xf32, #tpu.memory_space<any>>) target(%dma_start3A_125 : memref<1x1024x2048xf32, #tpu.memory_space<vmem>>) target_semaphore(%dma_start3A_120 : memref<!tpu.dma_semaphore, #tpu.memory_space<semaphore_mem>>)
    %dma_start3A_130 = arith.constant 0 : i32
    %dma_start3A_131 = arith.constant 0 : i32
    %dma_start3A_132 = tpu.memref_slice %arg10[%dma_start3A_131] : memref<2x!tpu.dma_semaphore, #tpu.memory_space<semaphore_mem>> -> memref<1x!tpu.dma_semaphore, #tpu.memory_space<semaphore_mem>>
    %dma_start3A_133 = tpu.memref_squeeze %dma_start3A_132 : memref<1x!tpu.dma_semaphore, #tpu.memory_space<semaphore_mem>> -> memref<!tpu.dma_semaphore, #tpu.memory_space<semaphore_mem>>
    %dma_start3A_134 = arith.constant 0 : i32
    %dma_start3A_135 = arith.constant 0 : i32
    %dma_start3A_136 = arith.constant 0 : i32
    %dma_start3A_137 = tpu.memref_slice %arg8[%dma_start3A_130, %dma_start3A_134, %dma_start3A_135, %dma_start3A_136] : memref<2x1x2048x1024xf32, #tpu.memory_space<vmem>> -> memref<1x1x2048x1024xf32, #tpu.memory_space<vmem>>
    %dma_start3A_138 = tpu.memref_squeeze %dma_start3A_137 : memref<1x1x2048x1024xf32, #tpu.memory_space<vmem>> -> memref<1x2048x1024xf32, #tpu.memory_space<vmem>>
    %dma_start3A_139 = arith.constant 2 : i32
    %dma_start3A_140 = arith.constant 0 : i32
    %dma_start3A_141 = arith.constant 0 : i32
    %dma_start3A_142 = tpu.memref_slice %arg5[%dma_start3A_139, %dma_start3A_140, %dma_start3A_141] : memref<8x2048x1024xf32, #tpu.memory_space<any>> -> memref<1x2048x1024xf32, #tpu.memory_space<any>>
    tpu.enqueue_dma source(%dma_start3A_142 : memref<1x2048x1024xf32, #tpu.memory_space<any>>) target(%dma_start3A_138 : memref<1x2048x1024xf32, #tpu.memory_space<vmem>>) target_semaphore(%dma_start3A_133 : memref<!tpu.dma_semaphore, #tpu.memory_space<semaphore_mem>>)
    %dma_wait3A_143 = arith.constant 1 : i32
    %dma_wait3A_144 = arith.constant 1 : i32
    %dma_wait3A_145 = tpu.memref_slice %arg9[%dma_wait3A_144] : memref<2x!tpu.dma_semaphore, #tpu.memory_space<semaphore_mem>> -> memref<1x!tpu.dma_semaphore, #tpu.memory_space<semaphore_mem>>
    %dma_wait3A_146 = tpu.memref_squeeze %dma_wait3A_145 : memref<1x!tpu.dma_semaphore, #tpu.memory_space<semaphore_mem>> -> memref<!tpu.dma_semaphore, #tpu.memory_space<semaphore_mem>>
    %dma_wait3A_147 = arith.constant 0 : i32
    %dma_wait3A_148 = arith.constant 0 : i32
    %dma_wait3A_149 = arith.constant 0 : i32
    %dma_wait3A_150 = tpu.memref_slice %arg7[%dma_wait3A_143, %dma_wait3A_147, %dma_wait3A_148, %dma_wait3A_149] : memref<2x1x1024x2048xf32, #tpu.memory_space<vmem>> -> memref<1x1x1024x2048xf32, #tpu.memory_space<vmem>>
    %dma_wait3A_151 = tpu.memref_squeeze %dma_wait3A_150 : memref<1x1x1024x2048xf32, #tpu.memory_space<vmem>> -> memref<1x1024x2048xf32, #tpu.memory_space<vmem>>
    %dma_wait3A_152 = arith.constant 1 : i32
    %dma_wait3A_153 = arith.constant 0 : i32
    %dma_wait3A_154 = arith.constant 0 : i32
    %dma_wait3A_155 = tpu.memref_slice %arg4[%dma_wait3A_152, %dma_wait3A_153, %dma_wait3A_154] : memref<8x1024x2048xf32, #tpu.memory_space<any>> -> memref<1x1024x2048xf32, #tpu.memory_space<any>>
    tpu.wait_dma2 semaphore(%dma_wait3A_146 : memref<!tpu.dma_semaphore, #tpu.memory_space<semaphore_mem>>) src(%dma_wait3A_155 : memref<1x1024x2048xf32, #tpu.memory_space<any>>) dst(%dma_wait3A_151 : memref<1x1024x2048xf32, #tpu.memory_space<vmem>>)
    %dma_wait3A_156 = arith.constant 1 : i32
    %dma_wait3A_157 = arith.constant 1 : i32
    %dma_wait3A_158 = tpu.memref_slice %arg10[%dma_wait3A_157] : memref<2x!tpu.dma_semaphore, #tpu.memory_space<semaphore_mem>> -> memref<1x!tpu.dma_semaphore, #tpu.memory_space<semaphore_mem>>
    %dma_wait3A_159 = tpu.memref_squeeze %dma_wait3A_158 : memref<1x!tpu.dma_semaphore, #tpu.memory_space<semaphore_mem>> -> memref<!tpu.dma_semaphore, #tpu.memory_space<semaphore_mem>>
    %dma_wait3A_160 = arith.constant 0 : i32
    %dma_wait3A_161 = arith.constant 0 : i32
    %dma_wait3A_162 = arith.constant 0 : i32
    %dma_wait3A_163 = tpu.memref_slice %arg8[%dma_wait3A_156, %dma_wait3A_160, %dma_wait3A_161, %dma_wait3A_162] : memref<2x1x2048x1024xf32, #tpu.memory_space<vmem>> -> memref<1x1x2048x1024xf32, #tpu.memory_space<vmem>>
    %dma_wait3A_164 = tpu.memref_squeeze %dma_wait3A_163 : memref<1x1x2048x1024xf32, #tpu.memory_space<vmem>> -> memref<1x2048x1024xf32, #tpu.memory_space<vmem>>
    %dma_wait3A_165 = arith.constant 1 : i32
    %dma_wait3A_166 = arith.constant 0 : i32
    %dma_wait3A_167 = arith.constant 0 : i32
    %dma_wait3A_168 = tpu.memref_slice %arg5[%dma_wait3A_165, %dma_wait3A_166, %dma_wait3A_167] : memref<8x2048x1024xf32, #tpu.memory_space<any>> -> memref<1x2048x1024xf32, #tpu.memory_space<any>>
    tpu.wait_dma2 semaphore(%dma_wait3A_159 : memref<!tpu.dma_semaphore, #tpu.memory_space<semaphore_mem>>) src(%dma_wait3A_168 : memref<1x2048x1024xf32, #tpu.memory_space<any>>) dst(%dma_wait3A_164 : memref<1x2048x1024xf32, #tpu.memory_space<vmem>>)
    %get3A_169 = arith.constant 1 : index
    %get3A_170 = arith.constant 0 : index
    %get3A_171 = arith.constant 0 : index
    %get3A_172 = arith.constant 0 : index
    %get3A_173 = vector.load %arg7[%get3A_169, %get3A_170, %get3A_171, %get3A_172] : memref<2x1x1024x2048xf32, #tpu.memory_space<vmem>>, vector<1x1x1024x2048xf32>
    %get3A_174 = vector.shape_cast %get3A_173 : vector<1x1x1024x2048xf32> to vector<1024x2048xf32>
    %convert_element_type3A_175 = arith.truncf %get3A_174 : vector<1024x2048xf32> to vector<1024x2048xbf16>
    %get3A_176 = arith.constant 1 : index
    %get3A_177 = arith.constant 0 : index
    %get3A_178 = arith.constant 0 : index
    %get3A_179 = arith.constant 0 : index
    %get3A_180 = vector.load %arg8[%get3A_176, %get3A_177, %get3A_178, %get3A_179] : memref<2x1x2048x1024xf32, #tpu.memory_space<vmem>>, vector<1x1x2048x1024xf32>
    %get3A_181 = vector.shape_cast %get3A_180 : vector<1x1x2048x1024xf32> to vector<2048x1024xf32>
    %convert_element_type3A_182 = arith.truncf %get3A_181 : vector<2048x1024xf32> to vector<2048x1024xbf16>
    %get3A_183 = arith.constant 1 : index
    %get3A_184 = arith.constant 0 : index
    %get3A_185 = arith.constant 0 : index
    %get3A_186 = vector.load %arg2[%get3A_183, %get3A_184, %get3A_185] : memref<8x1x2048xf32, #tpu.memory_space<vmem>>, vector<1x1x2048xf32>
    %get3A_187 = vector.shape_cast %get3A_186 : vector<1x1x2048xf32> to vector<1x2048xf32>
    %get3A_188 = arith.constant 1 : index
    %get3A_189 = arith.constant 0 : index
    %get3A_190 = arith.constant 0 : index
    %get3A_191 = vector.load %arg3[%get3A_188, %get3A_189, %get3A_190] : memref<8x1x1024xf32, #tpu.memory_space<vmem>>, vector<1x1x1024xf32>
    %get3A_192 = vector.shape_cast %get3A_191 : vector<1x1x1024xf32> to vector<1x1024xf32>
    %get3A_193 = arith.constant 257 : index
    %get3A_194 = memref.load %arg0[%get3A_193] : memref<1024xi32, #tpu.memory_space<smem>>
    %get3A_195 = arith.constant 385 : index
    %get3A_196 = memref.load %arg0[%get3A_195] : memref<1024xi32, #tpu.memory_space<smem>>
    %div3A_197 = arith.constant 128 : i32
    %div3A_198 = arith.divsi %get3A_194, %div3A_197 : i32
    %gt3A_199 = arith.cmpi sgt, %get3A_196, %get3A_194 : i32
    %sub3A_200 = arith.constant 1 : i32
    %sub3A_201 = arith.subi %get3A_196, %sub3A_200 : i32
    %div3A_202 = arith.constant 128 : i32
    %div3A_203 = arith.divsi %sub3A_201, %div3A_202 : i32
    %add3A_204 = arith.constant 1 : i32
    %add3A_205 = arith.addi %div3A_203, %add3A_204 : i32
    %select_n3A_206 = arith.select %gt3A_199, %add3A_205, %div3A_198 : i32
    %while3A_207 = arith.constant 0 : i32
    %while3A_208 = arith.subi %select_n3A_206, %div3A_198 : i32
    %while3A_209 = arith.addi %div3A_198, %while3A_208 : i32
    %while3A_210 = arith.constant 1 : i32
    %while3A_211 = arith.divsi %while3A_208, %while3A_210 : i32
    %while3A_212 = arith.muli %while3A_211, %while3A_210 : i32
    %while3A_213 = arith.addi %div3A_198, %while3A_212 : i32
    %while3A_214 = arith.constant 1 : i32
    %while3A_215 = scf.for %while3A_798 = %div3A_198 to %while3A_213 step %while3A_214 iter_args(%while3A_799 = %while3A_207) -> (i32)  : i32 {
      %mul3A = arith.constant 128 : i32
      %mul3A_800 = arith.muli %while3A_798, %mul3A : i32
      %get3A_801 = arith.index_cast %mul3A_800 : i32 to index
      %get3A_802 = arith.constant 0 : index
      %get3A_803 = vector.load %arg1[%get3A_801, %get3A_802] : memref<2048x640xi32, #tpu.memory_space<vmem>>, vector<128x640xi32>
      %slice3A = vector.extract_strided_slice %get3A_803 {offsets = [0, 0], sizes = [128, 512], strides = [1, 1]} : vector<128x640xi32> to vector<128x512xi32>
      %shift_left3A = arith.constant 16 : i32
      %shift_left3A_804 = vector.broadcast %shift_left3A : i32 to vector<128x512xi32>
      %shift_left3A_805 = arith.shli %slice3A, %shift_left3A_804 : vector<128x512xi32>
      %bitcast_convert_type3A = tpu.bitcast %shift_left3A_805 : vector<128x512xi32> -> vector<128x512xf32>
      %and3A = arith.constant -65536 : i32
      %and3A_806 = vector.broadcast %and3A : i32 to vector<128x512xi32>
      %and3A_807 = arith.andi %slice3A, %and3A_806 : vector<128x512xi32>
      %bitcast_convert_type3A_808 = tpu.bitcast %and3A_807 : vector<128x512xi32> -> vector<128x512xf32>
      %concatenate3A = tpu.concatenate %bitcast_convert_type3A, %bitcast_convert_type3A_808 in 1 : vector<128x512xf32>, vector<128x512xf32> -> vector<128x1024xf32>
      %convert_element_type3A_809 = arith.truncf %concatenate3A : vector<128x1024xf32> to vector<128x1024xbf16>
      %slice3A_810 = vector.extract_strided_slice %get3A_803 {offsets = [0, 512], sizes = [128, 1], strides = [1, 1]} : vector<128x640xi32> to vector<128x1xi32>
      %bitcast_convert_type3A_811 = tpu.bitcast %slice3A_810 : vector<128x1xi32> -> vector<128x1xf32>
      %dot_general3A = arith.constant dense<0.000000e+00> : vector<128x2048xf32>
      %dot_general3A_812 = tpu.matmul %convert_element_type3A_809, %convert_element_type3A_175, %dot_general3A {dimension_numbers = #tpu.dot_dimension_numbers<[1], [0], [0], [1], [0, 0, 1, 1], [], []>, transpose_lhs_hint = false} : vector<128x1024xbf16>, vector<1024x2048xbf16>, vector<128x2048xf32> -> vector<128x2048xf32>
      %add3A_813 = vector.broadcast %get3A_187 : vector<1x2048xf32> to vector<128x2048xf32>
      %add3A_814 = arith.addf %dot_general3A_812, %add3A_813 : vector<128x2048xf32>
      %max3A = arith.constant 0.000000e+00 : f32
      %max3A_815 = vector.broadcast %max3A : f32 to vector<128x2048xf32>
      %max3A_816 = arith.maximumf %add3A_814, %max3A_815 : vector<128x2048xf32>
      %convert_element_type3A_817 = arith.truncf %max3A_816 : vector<128x2048xf32> to vector<128x2048xbf16>
      %dot_general3A_818 = arith.constant dense<0.000000e+00> : vector<128x1024xf32>
      %dot_general3A_819 = tpu.matmul %convert_element_type3A_817, %convert_element_type3A_182, %dot_general3A_818 {dimension_numbers = #tpu.dot_dimension_numbers<[1], [0], [0], [1], [0, 0, 1, 1], [], []>, transpose_lhs_hint = false} : vector<128x2048xbf16>, vector<2048x1024xbf16>, vector<128x1024xf32> -> vector<128x1024xf32>
      %add3A_820 = vector.broadcast %get3A_192 : vector<1x1024xf32> to vector<128x1024xf32>
      %add3A_821 = arith.addf %dot_general3A_819, %add3A_820 : vector<128x1024xf32>
      %mul3A_822 = vector.broadcast %bitcast_convert_type3A_811 : vector<128x1xf32> to vector<128x1024xf32>
      %mul3A_823 = arith.mulf %add3A_821, %mul3A_822 : vector<128x1024xf32>
      %mul3A_824 = arith.constant 128 : i32
      %mul3A_825 = arith.muli %while3A_798, %mul3A_824 : i32
      %iota3A = tpu.iota {dimensions = array<i32: 0>} : vector<128x1xi32>
      %add3A_826 = vector.broadcast %mul3A_825 : i32 to vector<128x1xi32>
      %add3A_827 = arith.addi %add3A_826, %iota3A : vector<128x1xi32>
      %ge3A = vector.broadcast %get3A_194 : i32 to vector<128x1xi32>
      %ge3A_828 = arith.cmpi sge, %add3A_827, %ge3A : vector<128x1xi32>
      %lt3A = vector.broadcast %get3A_196 : i32 to vector<128x1xi32>
      %lt3A_829 = arith.cmpi slt, %add3A_827, %lt3A : vector<128x1xi32>
      %and3A_830 = arith.andi %ge3A_828, %lt3A_829 : vector<128x1xi1>
      %mul3A_831 = arith.constant 128 : i32
      %mul3A_832 = arith.muli %while3A_798, %mul3A_831 : i32
      %get3A_833 = arith.index_cast %mul3A_832 : i32 to index
      %get3A_834 = arith.constant 0 : index
      %get3A_835 = vector.load %arg6[%get3A_833, %get3A_834] : memref<2048x1024xf32, #tpu.memory_space<vmem>>, vector<128x1024xf32>
      %broadcast_in_dim3A = vector.shape_cast %and3A_830 : vector<128x1xi1> to vector<128x1xi1>
      %broadcast_in_dim3A_836 = vector.broadcast %broadcast_in_dim3A : vector<128x1xi1> to vector<128x1024xi1>
      %select_n3A_837 = arith.select %broadcast_in_dim3A_836, %mul3A_823, %get3A_835 : vector<128x1024xi1>, vector<128x1024xf32>
      %mul3A_838 = arith.constant 128 : i32
      %mul3A_839 = arith.muli %while3A_798, %mul3A_838 : i32
      %swap3A = arith.index_cast %mul3A_839 : i32 to index
      %swap3A_840 = arith.constant 0 : index
      %swap3A_841 = vector.load %arg6[%swap3A, %swap3A_840] : memref<2048x1024xf32, #tpu.memory_space<vmem>>, vector<128x1024xf32>
      tpu.vector_store %arg6[%swap3A, %swap3A_840], %select_n3A_837 {strides = array<i32>} : memref<2048x1024xf32, #tpu.memory_space<vmem>>, vector<128x1024xf32>,
      %while3A_842 = arith.constant 0 : i32
      scf.yield %while3A_842 : i32
    }
    %while3A_216 = arith.constant 1 : i32
    %while3A_217 = scf.for %while3A_798 = %while3A_213 to %while3A_209 step %while3A_216 iter_args(%while3A_799 = %while3A_215) -> (i32)  : i32 {
      %mul3A = arith.constant 128 : i32
      %mul3A_800 = arith.muli %while3A_798, %mul3A : i32
      %get3A_801 = arith.index_cast %mul3A_800 : i32 to index
      %get3A_802 = arith.constant 0 : index
      %get3A_803 = vector.load %arg1[%get3A_801, %get3A_802] : memref<2048x640xi32, #tpu.memory_space<vmem>>, vector<128x640xi32>
      %slice3A = vector.extract_strided_slice %get3A_803 {offsets = [0, 0], sizes = [128, 512], strides = [1, 1]} : vector<128x640xi32> to vector<128x512xi32>
      %shift_left3A = arith.constant 16 : i32
      %shift_left3A_804 = vector.broadcast %shift_left3A : i32 to vector<128x512xi32>
      %shift_left3A_805 = arith.shli %slice3A, %shift_left3A_804 : vector<128x512xi32>
      %bitcast_convert_type3A = tpu.bitcast %shift_left3A_805 : vector<128x512xi32> -> vector<128x512xf32>
      %and3A = arith.constant -65536 : i32
      %and3A_806 = vector.broadcast %and3A : i32 to vector<128x512xi32>
      %and3A_807 = arith.andi %slice3A, %and3A_806 : vector<128x512xi32>
      %bitcast_convert_type3A_808 = tpu.bitcast %and3A_807 : vector<128x512xi32> -> vector<128x512xf32>
      %concatenate3A = tpu.concatenate %bitcast_convert_type3A, %bitcast_convert_type3A_808 in 1 : vector<128x512xf32>, vector<128x512xf32> -> vector<128x1024xf32>
      %convert_element_type3A_809 = arith.truncf %concatenate3A : vector<128x1024xf32> to vector<128x1024xbf16>
      %slice3A_810 = vector.extract_strided_slice %get3A_803 {offsets = [0, 512], sizes = [128, 1], strides = [1, 1]} : vector<128x640xi32> to vector<128x1xi32>
      %bitcast_convert_type3A_811 = tpu.bitcast %slice3A_810 : vector<128x1xi32> -> vector<128x1xf32>
      %dot_general3A = arith.constant dense<0.000000e+00> : vector<128x2048xf32>
      %dot_general3A_812 = tpu.matmul %convert_element_type3A_809, %convert_element_type3A_175, %dot_general3A {dimension_numbers = #tpu.dot_dimension_numbers<[1], [0], [0], [1], [0, 0, 1, 1], [], []>, transpose_lhs_hint = false} : vector<128x1024xbf16>, vector<1024x2048xbf16>, vector<128x2048xf32> -> vector<128x2048xf32>
      %add3A_813 = vector.broadcast %get3A_187 : vector<1x2048xf32> to vector<128x2048xf32>
      %add3A_814 = arith.addf %dot_general3A_812, %add3A_813 : vector<128x2048xf32>
      %max3A = arith.constant 0.000000e+00 : f32
      %max3A_815 = vector.broadcast %max3A : f32 to vector<128x2048xf32>
      %max3A_816 = arith.maximumf %add3A_814, %max3A_815 : vector<128x2048xf32>
      %convert_element_type3A_817 = arith.truncf %max3A_816 : vector<128x2048xf32> to vector<128x2048xbf16>
      %dot_general3A_818 = arith.constant dense<0.000000e+00> : vector<128x1024xf32>
      %dot_general3A_819 = tpu.matmul %convert_element_type3A_817, %convert_element_type3A_182, %dot_general3A_818 {dimension_numbers = #tpu.dot_dimension_numbers<[1], [0], [0], [1], [0, 0, 1, 1], [], []>, transpose_lhs_hint = false} : vector<128x2048xbf16>, vector<2048x1024xbf16>, vector<128x1024xf32> -> vector<128x1024xf32>
      %add3A_820 = vector.broadcast %get3A_192 : vector<1x1024xf32> to vector<128x1024xf32>
      %add3A_821 = arith.addf %dot_general3A_819, %add3A_820 : vector<128x1024xf32>
      %mul3A_822 = vector.broadcast %bitcast_convert_type3A_811 : vector<128x1xf32> to vector<128x1024xf32>
      %mul3A_823 = arith.mulf %add3A_821, %mul3A_822 : vector<128x1024xf32>
      %mul3A_824 = arith.constant 128 : i32
      %mul3A_825 = arith.muli %while3A_798, %mul3A_824 : i32
      %iota3A = tpu.iota {dimensions = array<i32: 0>} : vector<128x1xi32>
      %add3A_826 = vector.broadcast %mul3A_825 : i32 to vector<128x1xi32>
      %add3A_827 = arith.addi %add3A_826, %iota3A : vector<128x1xi32>
      %ge3A = vector.broadcast %get3A_194 : i32 to vector<128x1xi32>
      %ge3A_828 = arith.cmpi sge, %add3A_827, %ge3A : vector<128x1xi32>
      %lt3A = vector.broadcast %get3A_196 : i32 to vector<128x1xi32>
      %lt3A_829 = arith.cmpi slt, %add3A_827, %lt3A : vector<128x1xi32>
      %and3A_830 = arith.andi %ge3A_828, %lt3A_829 : vector<128x1xi1>
      %mul3A_831 = arith.constant 128 : i32
      %mul3A_832 = arith.muli %while3A_798, %mul3A_831 : i32
      %get3A_833 = arith.index_cast %mul3A_832 : i32 to index
      %get3A_834 = arith.constant 0 : index
      %get3A_835 = vector.load %arg6[%get3A_833, %get3A_834] : memref<2048x1024xf32, #tpu.memory_space<vmem>>, vector<128x1024xf32>
      %broadcast_in_dim3A = vector.shape_cast %and3A_830 : vector<128x1xi1> to vector<128x1xi1>
      %broadcast_in_dim3A_836 = vector.broadcast %broadcast_in_dim3A : vector<128x1xi1> to vector<128x1024xi1>
      %select_n3A_837 = arith.select %broadcast_in_dim3A_836, %mul3A_823, %get3A_835 : vector<128x1024xi1>, vector<128x1024xf32>
      %mul3A_838 = arith.constant 128 : i32
      %mul3A_839 = arith.muli %while3A_798, %mul3A_838 : i32
      %swap3A = arith.index_cast %mul3A_839 : i32 to index
      %swap3A_840 = arith.constant 0 : index
      %swap3A_841 = vector.load %arg6[%swap3A, %swap3A_840] : memref<2048x1024xf32, #tpu.memory_space<vmem>>, vector<128x1024xf32>
      tpu.vector_store %arg6[%swap3A, %swap3A_840], %select_n3A_837 {strides = array<i32>} : memref<2048x1024xf32, #tpu.memory_space<vmem>>, vector<128x1024xf32>,
      %while3A_842 = arith.constant 0 : i32
      scf.yield %while3A_842 : i32
    }
    %dma_start3A_218 = arith.constant 1 : i32
    %dma_start3A_219 = arith.constant 1 : i32
    %dma_start3A_220 = tpu.memref_slice %arg9[%dma_start3A_219] : memref<2x!tpu.dma_semaphore, #tpu.memory_space<semaphore_mem>> -> memref<1x!tpu.dma_semaphore, #tpu.memory_space<semaphore_mem>>
    %dma_start3A_221 = tpu.memref_squeeze %dma_start3A_220 : memref<1x!tpu.dma_semaphore, #tpu.memory_space<semaphore_mem>> -> memref<!tpu.dma_semaphore, #tpu.memory_space<semaphore_mem>>
    %dma_start3A_222 = arith.constant 0 : i32
    %dma_start3A_223 = arith.constant 0 : i32
    %dma_start3A_224 = arith.constant 0 : i32
    %dma_start3A_225 = tpu.memref_slice %arg7[%dma_start3A_218, %dma_start3A_222, %dma_start3A_223, %dma_start3A_224] : memref<2x1x1024x2048xf32, #tpu.memory_space<vmem>> -> memref<1x1x1024x2048xf32, #tpu.memory_space<vmem>>
    %dma_start3A_226 = tpu.memref_squeeze %dma_start3A_225 : memref<1x1x1024x2048xf32, #tpu.memory_space<vmem>> -> memref<1x1024x2048xf32, #tpu.memory_space<vmem>>
    %dma_start3A_227 = arith.constant 3 : i32
    %dma_start3A_228 = arith.constant 0 : i32
    %dma_start3A_229 = arith.constant 0 : i32
    %dma_start3A_230 = tpu.memref_slice %arg4[%dma_start3A_227, %dma_start3A_228, %dma_start3A_229] : memref<8x1024x2048xf32, #tpu.memory_space<any>> -> memref<1x1024x2048xf32, #tpu.memory_space<any>>
    tpu.enqueue_dma source(%dma_start3A_230 : memref<1x1024x2048xf32, #tpu.memory_space<any>>) target(%dma_start3A_226 : memref<1x1024x2048xf32, #tpu.memory_space<vmem>>) target_semaphore(%dma_start3A_221 : memref<!tpu.dma_semaphore, #tpu.memory_space<semaphore_mem>>)
    %dma_start3A_231 = arith.constant 1 : i32
    %dma_start3A_232 = arith.constant 1 : i32
    %dma_start3A_233 = tpu.memref_slice %arg10[%dma_start3A_232] : memref<2x!tpu.dma_semaphore, #tpu.memory_space<semaphore_mem>> -> memref<1x!tpu.dma_semaphore, #tpu.memory_space<semaphore_mem>>
    %dma_start3A_234 = tpu.memref_squeeze %dma_start3A_233 : memref<1x!tpu.dma_semaphore, #tpu.memory_space<semaphore_mem>> -> memref<!tpu.dma_semaphore, #tpu.memory_space<semaphore_mem>>
    %dma_start3A_235 = arith.constant 0 : i32
    %dma_start3A_236 = arith.constant 0 : i32
    %dma_start3A_237 = arith.constant 0 : i32
    %dma_start3A_238 = tpu.memref_slice %arg8[%dma_start3A_231, %dma_start3A_235, %dma_start3A_236, %dma_start3A_237] : memref<2x1x2048x1024xf32, #tpu.memory_space<vmem>> -> memref<1x1x2048x1024xf32, #tpu.memory_space<vmem>>
    %dma_start3A_239 = tpu.memref_squeeze %dma_start3A_238 : memref<1x1x2048x1024xf32, #tpu.memory_space<vmem>> -> memref<1x2048x1024xf32, #tpu.memory_space<vmem>>
    %dma_start3A_240 = arith.constant 3 : i32
    %dma_start3A_241 = arith.constant 0 : i32
    %dma_start3A_242 = arith.constant 0 : i32
    %dma_start3A_243 = tpu.memref_slice %arg5[%dma_start3A_240, %dma_start3A_241, %dma_start3A_242] : memref<8x2048x1024xf32, #tpu.memory_space<any>> -> memref<1x2048x1024xf32, #tpu.memory_space<any>>
    tpu.enqueue_dma source(%dma_start3A_243 : memref<1x2048x1024xf32, #tpu.memory_space<any>>) target(%dma_start3A_239 : memref<1x2048x1024xf32, #tpu.memory_space<vmem>>) target_semaphore(%dma_start3A_234 : memref<!tpu.dma_semaphore, #tpu.memory_space<semaphore_mem>>)
    %dma_wait3A_244 = arith.constant 0 : i32
    %dma_wait3A_245 = arith.constant 0 : i32
    %dma_wait3A_246 = tpu.memref_slice %arg9[%dma_wait3A_245] : memref<2x!tpu.dma_semaphore, #tpu.memory_space<semaphore_mem>> -> memref<1x!tpu.dma_semaphore, #tpu.memory_space<semaphore_mem>>
    %dma_wait3A_247 = tpu.memref_squeeze %dma_wait3A_246 : memref<1x!tpu.dma_semaphore, #tpu.memory_space<semaphore_mem>> -> memref<!tpu.dma_semaphore, #tpu.memory_space<semaphore_mem>>
    %dma_wait3A_248 = arith.constant 0 : i32
    %dma_wait3A_249 = arith.constant 0 : i32
    %dma_wait3A_250 = arith.constant 0 : i32
    %dma_wait3A_251 = tpu.memref_slice %arg7[%dma_wait3A_244, %dma_wait3A_248, %dma_wait3A_249, %dma_wait3A_250] : memref<2x1x1024x2048xf32, #tpu.memory_space<vmem>> -> memref<1x1x1024x2048xf32, #tpu.memory_space<vmem>>
    %dma_wait3A_252 = tpu.memref_squeeze %dma_wait3A_251 : memref<1x1x1024x2048xf32, #tpu.memory_space<vmem>> -> memref<1x1024x2048xf32, #tpu.memory_space<vmem>>
    %dma_wait3A_253 = arith.constant 2 : i32
    %dma_wait3A_254 = arith.constant 0 : i32
    %dma_wait3A_255 = arith.constant 0 : i32
    %dma_wait3A_256 = tpu.memref_slice %arg4[%dma_wait3A_253, %dma_wait3A_254, %dma_wait3A_255] : memref<8x1024x2048xf32, #tpu.memory_space<any>> -> memref<1x1024x2048xf32, #tpu.memory_space<any>>
    tpu.wait_dma2 semaphore(%dma_wait3A_247 : memref<!tpu.dma_semaphore, #tpu.memory_space<semaphore_mem>>) src(%dma_wait3A_256 : memref<1x1024x2048xf32, #tpu.memory_space<any>>) dst(%dma_wait3A_252 : memref<1x1024x2048xf32, #tpu.memory_space<vmem>>)
    %dma_wait3A_257 = arith.constant 0 : i32
    %dma_wait3A_258 = arith.constant 0 : i32
    %dma_wait3A_259 = tpu.memref_slice %arg10[%dma_wait3A_258] : memref<2x!tpu.dma_semaphore, #tpu.memory_space<semaphore_mem>> -> memref<1x!tpu.dma_semaphore, #tpu.memory_space<semaphore_mem>>
    %dma_wait3A_260 = tpu.memref_squeeze %dma_wait3A_259 : memref<1x!tpu.dma_semaphore, #tpu.memory_space<semaphore_mem>> -> memref<!tpu.dma_semaphore, #tpu.memory_space<semaphore_mem>>
    %dma_wait3A_261 = arith.constant 0 : i32
    %dma_wait3A_262 = arith.constant 0 : i32
    %dma_wait3A_263 = arith.constant 0 : i32
    %dma_wait3A_264 = tpu.memref_slice %arg8[%dma_wait3A_257, %dma_wait3A_261, %dma_wait3A_262, %dma_wait3A_263] : memref<2x1x2048x1024xf32, #tpu.memory_space<vmem>> -> memref<1x1x2048x1024xf32, #tpu.memory_space<vmem>>
    %dma_wait3A_265 = tpu.memref_squeeze %dma_wait3A_264 : memref<1x1x2048x1024xf32, #tpu.memory_space<vmem>> -> memref<1x2048x1024xf32, #tpu.memory_space<vmem>>
    %dma_wait3A_266 = arith.constant 2 : i32
    %dma_wait3A_267 = arith.constant 0 : i32
    %dma_wait3A_268 = arith.constant 0 : i32
    %dma_wait3A_269 = tpu.memref_slice %arg5[%dma_wait3A_266, %dma_wait3A_267, %dma_wait3A_268] : memref<8x2048x1024xf32, #tpu.memory_space<any>> -> memref<1x2048x1024xf32, #tpu.memory_space<any>>
    tpu.wait_dma2 semaphore(%dma_wait3A_260 : memref<!tpu.dma_semaphore, #tpu.memory_space<semaphore_mem>>) src(%dma_wait3A_269 : memref<1x2048x1024xf32, #tpu.memory_space<any>>) dst(%dma_wait3A_265 : memref<1x2048x1024xf32, #tpu.memory_space<vmem>>)
    %get3A_270 = arith.constant 0 : index
    %get3A_271 = arith.constant 0 : index
    %get3A_272 = arith.constant 0 : index
    %get3A_273 = arith.constant 0 : index
    %get3A_274 = vector.load %arg7[%get3A_270, %get3A_271, %get3A_272, %get3A_273] : memref<2x1x1024x2048xf32, #tpu.memory_space<vmem>>, vector<1x1x1024x2048xf32>
    %get3A_275 = vector.shape_cast %get3A_274 : vector<1x1x1024x2048xf32> to vector<1024x2048xf32>
    %convert_element_type3A_276 = arith.truncf %get3A_275 : vector<1024x2048xf32> to vector<1024x2048xbf16>
    %get3A_277 = arith.constant 0 : index
    %get3A_278 = arith.constant 0 : index
    %get3A_279 = arith.constant 0 : index
    %get3A_280 = arith.constant 0 : index
    %get3A_281 = vector.load %arg8[%get3A_277, %get3A_278, %get3A_279, %get3A_280] : memref<2x1x2048x1024xf32, #tpu.memory_space<vmem>>, vector<1x1x2048x1024xf32>
    %get3A_282 = vector.shape_cast %get3A_281 : vector<1x1x2048x1024xf32> to vector<2048x1024xf32>
    %convert_element_type3A_283 = arith.truncf %get3A_282 : vector<2048x1024xf32> to vector<2048x1024xbf16>
    %get3A_284 = arith.constant 2 : index
    %get3A_285 = arith.constant 0 : index
    %get3A_286 = arith.constant 0 : index
    %get3A_287 = vector.load %arg2[%get3A_284, %get3A_285, %get3A_286] : memref<8x1x2048xf32, #tpu.memory_space<vmem>>, vector<1x1x2048xf32>
    %get3A_288 = vector.shape_cast %get3A_287 : vector<1x1x2048xf32> to vector<1x2048xf32>
    %get3A_289 = arith.constant 2 : index
    %get3A_290 = arith.constant 0 : index
    %get3A_291 = arith.constant 0 : index
    %get3A_292 = vector.load %arg3[%get3A_289, %get3A_290, %get3A_291] : memref<8x1x1024xf32, #tpu.memory_space<vmem>>, vector<1x1x1024xf32>
    %get3A_293 = vector.shape_cast %get3A_292 : vector<1x1x1024xf32> to vector<1x1024xf32>
    %get3A_294 = arith.constant 258 : index
    %get3A_295 = memref.load %arg0[%get3A_294] : memref<1024xi32, #tpu.memory_space<smem>>
    %get3A_296 = arith.constant 386 : index
    %get3A_297 = memref.load %arg0[%get3A_296] : memref<1024xi32, #tpu.memory_space<smem>>
    %div3A_298 = arith.constant 128 : i32
    %div3A_299 = arith.divsi %get3A_295, %div3A_298 : i32
    %gt3A_300 = arith.cmpi sgt, %get3A_297, %get3A_295 : i32
    %sub3A_301 = arith.constant 1 : i32
    %sub3A_302 = arith.subi %get3A_297, %sub3A_301 : i32
    %div3A_303 = arith.constant 128 : i32
    %div3A_304 = arith.divsi %sub3A_302, %div3A_303 : i32
    %add3A_305 = arith.constant 1 : i32
    %add3A_306 = arith.addi %div3A_304, %add3A_305 : i32
    %select_n3A_307 = arith.select %gt3A_300, %add3A_306, %div3A_299 : i32
    %while3A_308 = arith.constant 0 : i32
    %while3A_309 = arith.subi %select_n3A_307, %div3A_299 : i32
    %while3A_310 = arith.addi %div3A_299, %while3A_309 : i32
    %while3A_311 = arith.constant 1 : i32
    %while3A_312 = arith.divsi %while3A_309, %while3A_311 : i32
    %while3A_313 = arith.muli %while3A_312, %while3A_311 : i32
    %while3A_314 = arith.addi %div3A_299, %while3A_313 : i32
    %while3A_315 = arith.constant 1 : i32
    %while3A_316 = scf.for %while3A_798 = %div3A_299 to %while3A_314 step %while3A_315 iter_args(%while3A_799 = %while3A_308) -> (i32)  : i32 {
      %mul3A = arith.constant 128 : i32
      %mul3A_800 = arith.muli %while3A_798, %mul3A : i32
      %get3A_801 = arith.index_cast %mul3A_800 : i32 to index
      %get3A_802 = arith.constant 0 : index
      %get3A_803 = vector.load %arg1[%get3A_801, %get3A_802] : memref<2048x640xi32, #tpu.memory_space<vmem>>, vector<128x640xi32>
      %slice3A = vector.extract_strided_slice %get3A_803 {offsets = [0, 0], sizes = [128, 512], strides = [1, 1]} : vector<128x640xi32> to vector<128x512xi32>
      %shift_left3A = arith.constant 16 : i32
      %shift_left3A_804 = vector.broadcast %shift_left3A : i32 to vector<128x512xi32>
      %shift_left3A_805 = arith.shli %slice3A, %shift_left3A_804 : vector<128x512xi32>
      %bitcast_convert_type3A = tpu.bitcast %shift_left3A_805 : vector<128x512xi32> -> vector<128x512xf32>
      %and3A = arith.constant -65536 : i32
      %and3A_806 = vector.broadcast %and3A : i32 to vector<128x512xi32>
      %and3A_807 = arith.andi %slice3A, %and3A_806 : vector<128x512xi32>
      %bitcast_convert_type3A_808 = tpu.bitcast %and3A_807 : vector<128x512xi32> -> vector<128x512xf32>
      %concatenate3A = tpu.concatenate %bitcast_convert_type3A, %bitcast_convert_type3A_808 in 1 : vector<128x512xf32>, vector<128x512xf32> -> vector<128x1024xf32>
      %convert_element_type3A_809 = arith.truncf %concatenate3A : vector<128x1024xf32> to vector<128x1024xbf16>
      %slice3A_810 = vector.extract_strided_slice %get3A_803 {offsets = [0, 512], sizes = [128, 1], strides = [1, 1]} : vector<128x640xi32> to vector<128x1xi32>
      %bitcast_convert_type3A_811 = tpu.bitcast %slice3A_810 : vector<128x1xi32> -> vector<128x1xf32>
      %dot_general3A = arith.constant dense<0.000000e+00> : vector<128x2048xf32>
      %dot_general3A_812 = tpu.matmul %convert_element_type3A_809, %convert_element_type3A_276, %dot_general3A {dimension_numbers = #tpu.dot_dimension_numbers<[1], [0], [0], [1], [0, 0, 1, 1], [], []>, transpose_lhs_hint = false} : vector<128x1024xbf16>, vector<1024x2048xbf16>, vector<128x2048xf32> -> vector<128x2048xf32>
      %add3A_813 = vector.broadcast %get3A_288 : vector<1x2048xf32> to vector<128x2048xf32>
      %add3A_814 = arith.addf %dot_general3A_812, %add3A_813 : vector<128x2048xf32>
      %max3A = arith.constant 0.000000e+00 : f32
      %max3A_815 = vector.broadcast %max3A : f32 to vector<128x2048xf32>
      %max3A_816 = arith.maximumf %add3A_814, %max3A_815 : vector<128x2048xf32>
      %convert_element_type3A_817 = arith.truncf %max3A_816 : vector<128x2048xf32> to vector<128x2048xbf16>
      %dot_general3A_818 = arith.constant dense<0.000000e+00> : vector<128x1024xf32>
      %dot_general3A_819 = tpu.matmul %convert_element_type3A_817, %convert_element_type3A_283, %dot_general3A_818 {dimension_numbers = #tpu.dot_dimension_numbers<[1], [0], [0], [1], [0, 0, 1, 1], [], []>, transpose_lhs_hint = false} : vector<128x2048xbf16>, vector<2048x1024xbf16>, vector<128x1024xf32> -> vector<128x1024xf32>
      %add3A_820 = vector.broadcast %get3A_293 : vector<1x1024xf32> to vector<128x1024xf32>
      %add3A_821 = arith.addf %dot_general3A_819, %add3A_820 : vector<128x1024xf32>
      %mul3A_822 = vector.broadcast %bitcast_convert_type3A_811 : vector<128x1xf32> to vector<128x1024xf32>
      %mul3A_823 = arith.mulf %add3A_821, %mul3A_822 : vector<128x1024xf32>
      %mul3A_824 = arith.constant 128 : i32
      %mul3A_825 = arith.muli %while3A_798, %mul3A_824 : i32
      %iota3A = tpu.iota {dimensions = array<i32: 0>} : vector<128x1xi32>
      %add3A_826 = vector.broadcast %mul3A_825 : i32 to vector<128x1xi32>
      %add3A_827 = arith.addi %add3A_826, %iota3A : vector<128x1xi32>
      %ge3A = vector.broadcast %get3A_295 : i32 to vector<128x1xi32>
      %ge3A_828 = arith.cmpi sge, %add3A_827, %ge3A : vector<128x1xi32>
      %lt3A = vector.broadcast %get3A_297 : i32 to vector<128x1xi32>
      %lt3A_829 = arith.cmpi slt, %add3A_827, %lt3A : vector<128x1xi32>
      %and3A_830 = arith.andi %ge3A_828, %lt3A_829 : vector<128x1xi1>
      %mul3A_831 = arith.constant 128 : i32
      %mul3A_832 = arith.muli %while3A_798, %mul3A_831 : i32
      %get3A_833 = arith.index_cast %mul3A_832 : i32 to index
      %get3A_834 = arith.constant 0 : index
      %get3A_835 = vector.load %arg6[%get3A_833, %get3A_834] : memref<2048x1024xf32, #tpu.memory_space<vmem>>, vector<128x1024xf32>
      %broadcast_in_dim3A = vector.shape_cast %and3A_830 : vector<128x1xi1> to vector<128x1xi1>
      %broadcast_in_dim3A_836 = vector.broadcast %broadcast_in_dim3A : vector<128x1xi1> to vector<128x1024xi1>
      %select_n3A_837 = arith.select %broadcast_in_dim3A_836, %mul3A_823, %get3A_835 : vector<128x1024xi1>, vector<128x1024xf32>
      %mul3A_838 = arith.constant 128 : i32
      %mul3A_839 = arith.muli %while3A_798, %mul3A_838 : i32
      %swap3A = arith.index_cast %mul3A_839 : i32 to index
      %swap3A_840 = arith.constant 0 : index
      %swap3A_841 = vector.load %arg6[%swap3A, %swap3A_840] : memref<2048x1024xf32, #tpu.memory_space<vmem>>, vector<128x1024xf32>
      tpu.vector_store %arg6[%swap3A, %swap3A_840], %select_n3A_837 {strides = array<i32>} : memref<2048x1024xf32, #tpu.memory_space<vmem>>, vector<128x1024xf32>,
      %while3A_842 = arith.constant 0 : i32
      scf.yield %while3A_842 : i32
    }
    %while3A_317 = arith.constant 1 : i32
    %while3A_318 = scf.for %while3A_798 = %while3A_314 to %while3A_310 step %while3A_317 iter_args(%while3A_799 = %while3A_316) -> (i32)  : i32 {
      %mul3A = arith.constant 128 : i32
      %mul3A_800 = arith.muli %while3A_798, %mul3A : i32
      %get3A_801 = arith.index_cast %mul3A_800 : i32 to index
      %get3A_802 = arith.constant 0 : index
      %get3A_803 = vector.load %arg1[%get3A_801, %get3A_802] : memref<2048x640xi32, #tpu.memory_space<vmem>>, vector<128x640xi32>
      %slice3A = vector.extract_strided_slice %get3A_803 {offsets = [0, 0], sizes = [128, 512], strides = [1, 1]} : vector<128x640xi32> to vector<128x512xi32>
      %shift_left3A = arith.constant 16 : i32
      %shift_left3A_804 = vector.broadcast %shift_left3A : i32 to vector<128x512xi32>
      %shift_left3A_805 = arith.shli %slice3A, %shift_left3A_804 : vector<128x512xi32>
      %bitcast_convert_type3A = tpu.bitcast %shift_left3A_805 : vector<128x512xi32> -> vector<128x512xf32>
      %and3A = arith.constant -65536 : i32
      %and3A_806 = vector.broadcast %and3A : i32 to vector<128x512xi32>
      %and3A_807 = arith.andi %slice3A, %and3A_806 : vector<128x512xi32>
      %bitcast_convert_type3A_808 = tpu.bitcast %and3A_807 : vector<128x512xi32> -> vector<128x512xf32>
      %concatenate3A = tpu.concatenate %bitcast_convert_type3A, %bitcast_convert_type3A_808 in 1 : vector<128x512xf32>, vector<128x512xf32> -> vector<128x1024xf32>
      %convert_element_type3A_809 = arith.truncf %concatenate3A : vector<128x1024xf32> to vector<128x1024xbf16>
      %slice3A_810 = vector.extract_strided_slice %get3A_803 {offsets = [0, 512], sizes = [128, 1], strides = [1, 1]} : vector<128x640xi32> to vector<128x1xi32>
      %bitcast_convert_type3A_811 = tpu.bitcast %slice3A_810 : vector<128x1xi32> -> vector<128x1xf32>
      %dot_general3A = arith.constant dense<0.000000e+00> : vector<128x2048xf32>
      %dot_general3A_812 = tpu.matmul %convert_element_type3A_809, %convert_element_type3A_276, %dot_general3A {dimension_numbers = #tpu.dot_dimension_numbers<[1], [0], [0], [1], [0, 0, 1, 1], [], []>, transpose_lhs_hint = false} : vector<128x1024xbf16>, vector<1024x2048xbf16>, vector<128x2048xf32> -> vector<128x2048xf32>
      %add3A_813 = vector.broadcast %get3A_288 : vector<1x2048xf32> to vector<128x2048xf32>
      %add3A_814 = arith.addf %dot_general3A_812, %add3A_813 : vector<128x2048xf32>
      %max3A = arith.constant 0.000000e+00 : f32
      %max3A_815 = vector.broadcast %max3A : f32 to vector<128x2048xf32>
      %max3A_816 = arith.maximumf %add3A_814, %max3A_815 : vector<128x2048xf32>
      %convert_element_type3A_817 = arith.truncf %max3A_816 : vector<128x2048xf32> to vector<128x2048xbf16>
      %dot_general3A_818 = arith.constant dense<0.000000e+00> : vector<128x1024xf32>
      %dot_general3A_819 = tpu.matmul %convert_element_type3A_817, %convert_element_type3A_283, %dot_general3A_818 {dimension_numbers = #tpu.dot_dimension_numbers<[1], [0], [0], [1], [0, 0, 1, 1], [], []>, transpose_lhs_hint = false} : vector<128x2048xbf16>, vector<2048x1024xbf16>, vector<128x1024xf32> -> vector<128x1024xf32>
      %add3A_820 = vector.broadcast %get3A_293 : vector<1x1024xf32> to vector<128x1024xf32>
      %add3A_821 = arith.addf %dot_general3A_819, %add3A_820 : vector<128x1024xf32>
      %mul3A_822 = vector.broadcast %bitcast_convert_type3A_811 : vector<128x1xf32> to vector<128x1024xf32>
      %mul3A_823 = arith.mulf %add3A_821, %mul3A_822 : vector<128x1024xf32>
      %mul3A_824 = arith.constant 128 : i32
      %mul3A_825 = arith.muli %while3A_798, %mul3A_824 : i32
      %iota3A = tpu.iota {dimensions = array<i32: 0>} : vector<128x1xi32>
      %add3A_826 = vector.broadcast %mul3A_825 : i32 to vector<128x1xi32>
      %add3A_827 = arith.addi %add3A_826, %iota3A : vector<128x1xi32>
      %ge3A = vector.broadcast %get3A_295 : i32 to vector<128x1xi32>
      %ge3A_828 = arith.cmpi sge, %add3A_827, %ge3A : vector<128x1xi32>
      %lt3A = vector.broadcast %get3A_297 : i32 to vector<128x1xi32>
      %lt3A_829 = arith.cmpi slt, %add3A_827, %lt3A : vector<128x1xi32>
      %and3A_830 = arith.andi %ge3A_828, %lt3A_829 : vector<128x1xi1>
      %mul3A_831 = arith.constant 128 : i32
      %mul3A_832 = arith.muli %while3A_798, %mul3A_831 : i32
      %get3A_833 = arith.index_cast %mul3A_832 : i32 to index
      %get3A_834 = arith.constant 0 : index
      %get3A_835 = vector.load %arg6[%get3A_833, %get3A_834] : memref<2048x1024xf32, #tpu.memory_space<vmem>>, vector<128x1024xf32>
      %broadcast_in_dim3A = vector.shape_cast %and3A_830 : vector<128x1xi1> to vector<128x1xi1>
      %broadcast_in_dim3A_836 = vector.broadcast %broadcast_in_dim3A : vector<128x1xi1> to vector<128x1024xi1>
      %select_n3A_837 = arith.select %broadcast_in_dim3A_836, %mul3A_823, %get3A_835 : vector<128x1024xi1>, vector<128x1024xf32>
      %mul3A_838 = arith.constant 128 : i32
      %mul3A_839 = arith.muli %while3A_798, %mul3A_838 : i32
      %swap3A = arith.index_cast %mul3A_839 : i32 to index
      %swap3A_840 = arith.constant 0 : index
      %swap3A_841 = vector.load %arg6[%swap3A, %swap3A_840] : memref<2048x1024xf32, #tpu.memory_space<vmem>>, vector<128x1024xf32>
      tpu.vector_store %arg6[%swap3A, %swap3A_840], %select_n3A_837 {strides = array<i32>} : memref<2048x1024xf32, #tpu.memory_space<vmem>>, vector<128x1024xf32>,
      %while3A_842 = arith.constant 0 : i32
      scf.yield %while3A_842 : i32
    }
    %dma_start3A_319 = arith.constant 0 : i32
    %dma_start3A_320 = arith.constant 0 : i32
    %dma_start3A_321 = tpu.memref_slice %arg9[%dma_start3A_320] : memref<2x!tpu.dma_semaphore, #tpu.memory_space<semaphore_mem>> -> memref<1x!tpu.dma_semaphore, #tpu.memory_space<semaphore_mem>>
    %dma_start3A_322 = tpu.memref_squeeze %dma_start3A_321 : memref<1x!tpu.dma_semaphore, #tpu.memory_space<semaphore_mem>> -> memref<!tpu.dma_semaphore, #tpu.memory_space<semaphore_mem>>
    %dma_start3A_323 = arith.constant 0 : i32
    %dma_start3A_324 = arith.constant 0 : i32
    %dma_start3A_325 = arith.constant 0 : i32
    %dma_start3A_326 = tpu.memref_slice %arg7[%dma_start3A_319, %dma_start3A_323, %dma_start3A_324, %dma_start3A_325] : memref<2x1x1024x2048xf32, #tpu.memory_space<vmem>> -> memref<1x1x1024x2048xf32, #tpu.memory_space<vmem>>
    %dma_start3A_327 = tpu.memref_squeeze %dma_start3A_326 : memref<1x1x1024x2048xf32, #tpu.memory_space<vmem>> -> memref<1x1024x2048xf32, #tpu.memory_space<vmem>>
    %dma_start3A_328 = arith.constant 4 : i32
    %dma_start3A_329 = arith.constant 0 : i32
    %dma_start3A_330 = arith.constant 0 : i32
    %dma_start3A_331 = tpu.memref_slice %arg4[%dma_start3A_328, %dma_start3A_329, %dma_start3A_330] : memref<8x1024x2048xf32, #tpu.memory_space<any>> -> memref<1x1024x2048xf32, #tpu.memory_space<any>>
    tpu.enqueue_dma source(%dma_start3A_331 : memref<1x1024x2048xf32, #tpu.memory_space<any>>) target(%dma_start3A_327 : memref<1x1024x2048xf32, #tpu.memory_space<vmem>>) target_semaphore(%dma_start3A_322 : memref<!tpu.dma_semaphore, #tpu.memory_space<semaphore_mem>>)
    %dma_start3A_332 = arith.constant 0 : i32
    %dma_start3A_333 = arith.constant 0 : i32
    %dma_start3A_334 = tpu.memref_slice %arg10[%dma_start3A_333] : memref<2x!tpu.dma_semaphore, #tpu.memory_space<semaphore_mem>> -> memref<1x!tpu.dma_semaphore, #tpu.memory_space<semaphore_mem>>
    %dma_start3A_335 = tpu.memref_squeeze %dma_start3A_334 : memref<1x!tpu.dma_semaphore, #tpu.memory_space<semaphore_mem>> -> memref<!tpu.dma_semaphore, #tpu.memory_space<semaphore_mem>>
    %dma_start3A_336 = arith.constant 0 : i32
    %dma_start3A_337 = arith.constant 0 : i32
    %dma_start3A_338 = arith.constant 0 : i32
    %dma_start3A_339 = tpu.memref_slice %arg8[%dma_start3A_332, %dma_start3A_336, %dma_start3A_337, %dma_start3A_338] : memref<2x1x2048x1024xf32, #tpu.memory_space<vmem>> -> memref<1x1x2048x1024xf32, #tpu.memory_space<vmem>>
    %dma_start3A_340 = tpu.memref_squeeze %dma_start3A_339 : memref<1x1x2048x1024xf32, #tpu.memory_space<vmem>> -> memref<1x2048x1024xf32, #tpu.memory_space<vmem>>
    %dma_start3A_341 = arith.constant 4 : i32
    %dma_start3A_342 = arith.constant 0 : i32
    %dma_start3A_343 = arith.constant 0 : i32
    %dma_start3A_344 = tpu.memref_slice %arg5[%dma_start3A_341, %dma_start3A_342, %dma_start3A_343] : memref<8x2048x1024xf32, #tpu.memory_space<any>> -> memref<1x2048x1024xf32, #tpu.memory_space<any>>
    tpu.enqueue_dma source(%dma_start3A_344 : memref<1x2048x1024xf32, #tpu.memory_space<any>>) target(%dma_start3A_340 : memref<1x2048x1024xf32, #tpu.memory_space<vmem>>) target_semaphore(%dma_start3A_335 : memref<!tpu.dma_semaphore, #tpu.memory_space<semaphore_mem>>)
    %dma_wait3A_345 = arith.constant 1 : i32
    %dma_wait3A_346 = arith.constant 1 : i32
    %dma_wait3A_347 = tpu.memref_slice %arg9[%dma_wait3A_346] : memref<2x!tpu.dma_semaphore, #tpu.memory_space<semaphore_mem>> -> memref<1x!tpu.dma_semaphore, #tpu.memory_space<semaphore_mem>>
    %dma_wait3A_348 = tpu.memref_squeeze %dma_wait3A_347 : memref<1x!tpu.dma_semaphore, #tpu.memory_space<semaphore_mem>> -> memref<!tpu.dma_semaphore, #tpu.memory_space<semaphore_mem>>
    %dma_wait3A_349 = arith.constant 0 : i32
    %dma_wait3A_350 = arith.constant 0 : i32
    %dma_wait3A_351 = arith.constant 0 : i32
    %dma_wait3A_352 = tpu.memref_slice %arg7[%dma_wait3A_345, %dma_wait3A_349, %dma_wait3A_350, %dma_wait3A_351] : memref<2x1x1024x2048xf32, #tpu.memory_space<vmem>> -> memref<1x1x1024x2048xf32, #tpu.memory_space<vmem>>
    %dma_wait3A_353 = tpu.memref_squeeze %dma_wait3A_352 : memref<1x1x1024x2048xf32, #tpu.memory_space<vmem>> -> memref<1x1024x2048xf32, #tpu.memory_space<vmem>>
    %dma_wait3A_354 = arith.constant 3 : i32
    %dma_wait3A_355 = arith.constant 0 : i32
    %dma_wait3A_356 = arith.constant 0 : i32
    %dma_wait3A_357 = tpu.memref_slice %arg4[%dma_wait3A_354, %dma_wait3A_355, %dma_wait3A_356] : memref<8x1024x2048xf32, #tpu.memory_space<any>> -> memref<1x1024x2048xf32, #tpu.memory_space<any>>
    tpu.wait_dma2 semaphore(%dma_wait3A_348 : memref<!tpu.dma_semaphore, #tpu.memory_space<semaphore_mem>>) src(%dma_wait3A_357 : memref<1x1024x2048xf32, #tpu.memory_space<any>>) dst(%dma_wait3A_353 : memref<1x1024x2048xf32, #tpu.memory_space<vmem>>)
    %dma_wait3A_358 = arith.constant 1 : i32
    %dma_wait3A_359 = arith.constant 1 : i32
    %dma_wait3A_360 = tpu.memref_slice %arg10[%dma_wait3A_359] : memref<2x!tpu.dma_semaphore, #tpu.memory_space<semaphore_mem>> -> memref<1x!tpu.dma_semaphore, #tpu.memory_space<semaphore_mem>>
    %dma_wait3A_361 = tpu.memref_squeeze %dma_wait3A_360 : memref<1x!tpu.dma_semaphore, #tpu.memory_space<semaphore_mem>> -> memref<!tpu.dma_semaphore, #tpu.memory_space<semaphore_mem>>
    %dma_wait3A_362 = arith.constant 0 : i32
    %dma_wait3A_363 = arith.constant 0 : i32
    %dma_wait3A_364 = arith.constant 0 : i32
    %dma_wait3A_365 = tpu.memref_slice %arg8[%dma_wait3A_358, %dma_wait3A_362, %dma_wait3A_363, %dma_wait3A_364] : memref<2x1x2048x1024xf32, #tpu.memory_space<vmem>> -> memref<1x1x2048x1024xf32, #tpu.memory_space<vmem>>
    %dma_wait3A_366 = tpu.memref_squeeze %dma_wait3A_365 : memref<1x1x2048x1024xf32, #tpu.memory_space<vmem>> -> memref<1x2048x1024xf32, #tpu.memory_space<vmem>>
    %dma_wait3A_367 = arith.constant 3 : i32
    %dma_wait3A_368 = arith.constant 0 : i32
    %dma_wait3A_369 = arith.constant 0 : i32
    %dma_wait3A_370 = tpu.memref_slice %arg5[%dma_wait3A_367, %dma_wait3A_368, %dma_wait3A_369] : memref<8x2048x1024xf32, #tpu.memory_space<any>> -> memref<1x2048x1024xf32, #tpu.memory_space<any>>
    tpu.wait_dma2 semaphore(%dma_wait3A_361 : memref<!tpu.dma_semaphore, #tpu.memory_space<semaphore_mem>>) src(%dma_wait3A_370 : memref<1x2048x1024xf32, #tpu.memory_space<any>>) dst(%dma_wait3A_366 : memref<1x2048x1024xf32, #tpu.memory_space<vmem>>)
    %get3A_371 = arith.constant 1 : index
    %get3A_372 = arith.constant 0 : index
    %get3A_373 = arith.constant 0 : index
    %get3A_374 = arith.constant 0 : index
    %get3A_375 = vector.load %arg7[%get3A_371, %get3A_372, %get3A_373, %get3A_374] : memref<2x1x1024x2048xf32, #tpu.memory_space<vmem>>, vector<1x1x1024x2048xf32>
    %get3A_376 = vector.shape_cast %get3A_375 : vector<1x1x1024x2048xf32> to vector<1024x2048xf32>
    %convert_element_type3A_377 = arith.truncf %get3A_376 : vector<1024x2048xf32> to vector<1024x2048xbf16>
    %get3A_378 = arith.constant 1 : index
    %get3A_379 = arith.constant 0 : index
    %get3A_380 = arith.constant 0 : index
    %get3A_381 = arith.constant 0 : index
    %get3A_382 = vector.load %arg8[%get3A_378, %get3A_379, %get3A_380, %get3A_381] : memref<2x1x2048x1024xf32, #tpu.memory_space<vmem>>, vector<1x1x2048x1024xf32>
    %get3A_383 = vector.shape_cast %get3A_382 : vector<1x1x2048x1024xf32> to vector<2048x1024xf32>
    %convert_element_type3A_384 = arith.truncf %get3A_383 : vector<2048x1024xf32> to vector<2048x1024xbf16>
    %get3A_385 = arith.constant 3 : index
    %get3A_386 = arith.constant 0 : index
    %get3A_387 = arith.constant 0 : index
    %get3A_388 = vector.load %arg2[%get3A_385, %get3A_386, %get3A_387] : memref<8x1x2048xf32, #tpu.memory_space<vmem>>, vector<1x1x2048xf32>
    %get3A_389 = vector.shape_cast %get3A_388 : vector<1x1x2048xf32> to vector<1x2048xf32>
    %get3A_390 = arith.constant 3 : index
    %get3A_391 = arith.constant 0 : index
    %get3A_392 = arith.constant 0 : index
    %get3A_393 = vector.load %arg3[%get3A_390, %get3A_391, %get3A_392] : memref<8x1x1024xf32, #tpu.memory_space<vmem>>, vector<1x1x1024xf32>
    %get3A_394 = vector.shape_cast %get3A_393 : vector<1x1x1024xf32> to vector<1x1024xf32>
    %get3A_395 = arith.constant 259 : index
    %get3A_396 = memref.load %arg0[%get3A_395] : memref<1024xi32, #tpu.memory_space<smem>>
    %get3A_397 = arith.constant 387 : index
    %get3A_398 = memref.load %arg0[%get3A_397] : memref<1024xi32, #tpu.memory_space<smem>>
    %div3A_399 = arith.constant 128 : i32
    %div3A_400 = arith.divsi %get3A_396, %div3A_399 : i32
    %gt3A_401 = arith.cmpi sgt, %get3A_398, %get3A_396 : i32
    %sub3A_402 = arith.constant 1 : i32
    %sub3A_403 = arith.subi %get3A_398, %sub3A_402 : i32
    %div3A_404 = arith.constant 128 : i32
    %div3A_405 = arith.divsi %sub3A_403, %div3A_404 : i32
    %add3A_406 = arith.constant 1 : i32
    %add3A_407 = arith.addi %div3A_405, %add3A_406 : i32
    %select_n3A_408 = arith.select %gt3A_401, %add3A_407, %div3A_400 : i32
    %while3A_409 = arith.constant 0 : i32
    %while3A_410 = arith.subi %select_n3A_408, %div3A_400 : i32
    %while3A_411 = arith.addi %div3A_400, %while3A_410 : i32
    %while3A_412 = arith.constant 1 : i32
    %while3A_413 = arith.divsi %while3A_410, %while3A_412 : i32
    %while3A_414 = arith.muli %while3A_413, %while3A_412 : i32
    %while3A_415 = arith.addi %div3A_400, %while3A_414 : i32
    %while3A_416 = arith.constant 1 : i32
    %while3A_417 = scf.for %while3A_798 = %div3A_400 to %while3A_415 step %while3A_416 iter_args(%while3A_799 = %while3A_409) -> (i32)  : i32 {
      %mul3A = arith.constant 128 : i32
      %mul3A_800 = arith.muli %while3A_798, %mul3A : i32
      %get3A_801 = arith.index_cast %mul3A_800 : i32 to index
      %get3A_802 = arith.constant 0 : index
      %get3A_803 = vector.load %arg1[%get3A_801, %get3A_802] : memref<2048x640xi32, #tpu.memory_space<vmem>>, vector<128x640xi32>
      %slice3A = vector.extract_strided_slice %get3A_803 {offsets = [0, 0], sizes = [128, 512], strides = [1, 1]} : vector<128x640xi32> to vector<128x512xi32>
      %shift_left3A = arith.constant 16 : i32
      %shift_left3A_804 = vector.broadcast %shift_left3A : i32 to vector<128x512xi32>
      %shift_left3A_805 = arith.shli %slice3A, %shift_left3A_804 : vector<128x512xi32>
      %bitcast_convert_type3A = tpu.bitcast %shift_left3A_805 : vector<128x512xi32> -> vector<128x512xf32>
      %and3A = arith.constant -65536 : i32
      %and3A_806 = vector.broadcast %and3A : i32 to vector<128x512xi32>
      %and3A_807 = arith.andi %slice3A, %and3A_806 : vector<128x512xi32>
      %bitcast_convert_type3A_808 = tpu.bitcast %and3A_807 : vector<128x512xi32> -> vector<128x512xf32>
      %concatenate3A = tpu.concatenate %bitcast_convert_type3A, %bitcast_convert_type3A_808 in 1 : vector<128x512xf32>, vector<128x512xf32> -> vector<128x1024xf32>
      %convert_element_type3A_809 = arith.truncf %concatenate3A : vector<128x1024xf32> to vector<128x1024xbf16>
      %slice3A_810 = vector.extract_strided_slice %get3A_803 {offsets = [0, 512], sizes = [128, 1], strides = [1, 1]} : vector<128x640xi32> to vector<128x1xi32>
      %bitcast_convert_type3A_811 = tpu.bitcast %slice3A_810 : vector<128x1xi32> -> vector<128x1xf32>
      %dot_general3A = arith.constant dense<0.000000e+00> : vector<128x2048xf32>
      %dot_general3A_812 = tpu.matmul %convert_element_type3A_809, %convert_element_type3A_377, %dot_general3A {dimension_numbers = #tpu.dot_dimension_numbers<[1], [0], [0], [1], [0, 0, 1, 1], [], []>, transpose_lhs_hint = false} : vector<128x1024xbf16>, vector<1024x2048xbf16>, vector<128x2048xf32> -> vector<128x2048xf32>
      %add3A_813 = vector.broadcast %get3A_389 : vector<1x2048xf32> to vector<128x2048xf32>
      %add3A_814 = arith.addf %dot_general3A_812, %add3A_813 : vector<128x2048xf32>
      %max3A = arith.constant 0.000000e+00 : f32
      %max3A_815 = vector.broadcast %max3A : f32 to vector<128x2048xf32>
      %max3A_816 = arith.maximumf %add3A_814, %max3A_815 : vector<128x2048xf32>
      %convert_element_type3A_817 = arith.truncf %max3A_816 : vector<128x2048xf32> to vector<128x2048xbf16>
      %dot_general3A_818 = arith.constant dense<0.000000e+00> : vector<128x1024xf32>
      %dot_general3A_819 = tpu.matmul %convert_element_type3A_817, %convert_element_type3A_384, %dot_general3A_818 {dimension_numbers = #tpu.dot_dimension_numbers<[1], [0], [0], [1], [0, 0, 1, 1], [], []>, transpose_lhs_hint = false} : vector<128x2048xbf16>, vector<2048x1024xbf16>, vector<128x1024xf32> -> vector<128x1024xf32>
      %add3A_820 = vector.broadcast %get3A_394 : vector<1x1024xf32> to vector<128x1024xf32>
      %add3A_821 = arith.addf %dot_general3A_819, %add3A_820 : vector<128x1024xf32>
      %mul3A_822 = vector.broadcast %bitcast_convert_type3A_811 : vector<128x1xf32> to vector<128x1024xf32>
      %mul3A_823 = arith.mulf %add3A_821, %mul3A_822 : vector<128x1024xf32>
      %mul3A_824 = arith.constant 128 : i32
      %mul3A_825 = arith.muli %while3A_798, %mul3A_824 : i32
      %iota3A = tpu.iota {dimensions = array<i32: 0>} : vector<128x1xi32>
      %add3A_826 = vector.broadcast %mul3A_825 : i32 to vector<128x1xi32>
      %add3A_827 = arith.addi %add3A_826, %iota3A : vector<128x1xi32>
      %ge3A = vector.broadcast %get3A_396 : i32 to vector<128x1xi32>
      %ge3A_828 = arith.cmpi sge, %add3A_827, %ge3A : vector<128x1xi32>
      %lt3A = vector.broadcast %get3A_398 : i32 to vector<128x1xi32>
      %lt3A_829 = arith.cmpi slt, %add3A_827, %lt3A : vector<128x1xi32>
      %and3A_830 = arith.andi %ge3A_828, %lt3A_829 : vector<128x1xi1>
      %mul3A_831 = arith.constant 128 : i32
      %mul3A_832 = arith.muli %while3A_798, %mul3A_831 : i32
      %get3A_833 = arith.index_cast %mul3A_832 : i32 to index
      %get3A_834 = arith.constant 0 : index
      %get3A_835 = vector.load %arg6[%get3A_833, %get3A_834] : memref<2048x1024xf32, #tpu.memory_space<vmem>>, vector<128x1024xf32>
      %broadcast_in_dim3A = vector.shape_cast %and3A_830 : vector<128x1xi1> to vector<128x1xi1>
      %broadcast_in_dim3A_836 = vector.broadcast %broadcast_in_dim3A : vector<128x1xi1> to vector<128x1024xi1>
      %select_n3A_837 = arith.select %broadcast_in_dim3A_836, %mul3A_823, %get3A_835 : vector<128x1024xi1>, vector<128x1024xf32>
      %mul3A_838 = arith.constant 128 : i32
      %mul3A_839 = arith.muli %while3A_798, %mul3A_838 : i32
      %swap3A = arith.index_cast %mul3A_839 : i32 to index
      %swap3A_840 = arith.constant 0 : index
      %swap3A_841 = vector.load %arg6[%swap3A, %swap3A_840] : memref<2048x1024xf32, #tpu.memory_space<vmem>>, vector<128x1024xf32>
      tpu.vector_store %arg6[%swap3A, %swap3A_840], %select_n3A_837 {strides = array<i32>} : memref<2048x1024xf32, #tpu.memory_space<vmem>>, vector<128x1024xf32>,
      %while3A_842 = arith.constant 0 : i32
      scf.yield %while3A_842 : i32
    }
    %while3A_418 = arith.constant 1 : i32
    %while3A_419 = scf.for %while3A_798 = %while3A_415 to %while3A_411 step %while3A_418 iter_args(%while3A_799 = %while3A_417) -> (i32)  : i32 {
      %mul3A = arith.constant 128 : i32
      %mul3A_800 = arith.muli %while3A_798, %mul3A : i32
      %get3A_801 = arith.index_cast %mul3A_800 : i32 to index
      %get3A_802 = arith.constant 0 : index
      %get3A_803 = vector.load %arg1[%get3A_801, %get3A_802] : memref<2048x640xi32, #tpu.memory_space<vmem>>, vector<128x640xi32>
      %slice3A = vector.extract_strided_slice %get3A_803 {offsets = [0, 0], sizes = [128, 512], strides = [1, 1]} : vector<128x640xi32> to vector<128x512xi32>
      %shift_left3A = arith.constant 16 : i32
      %shift_left3A_804 = vector.broadcast %shift_left3A : i32 to vector<128x512xi32>
      %shift_left3A_805 = arith.shli %slice3A, %shift_left3A_804 : vector<128x512xi32>
      %bitcast_convert_type3A = tpu.bitcast %shift_left3A_805 : vector<128x512xi32> -> vector<128x512xf32>
      %and3A = arith.constant -65536 : i32
      %and3A_806 = vector.broadcast %and3A : i32 to vector<128x512xi32>
      %and3A_807 = arith.andi %slice3A, %and3A_806 : vector<128x512xi32>
      %bitcast_convert_type3A_808 = tpu.bitcast %and3A_807 : vector<128x512xi32> -> vector<128x512xf32>
      %concatenate3A = tpu.concatenate %bitcast_convert_type3A, %bitcast_convert_type3A_808 in 1 : vector<128x512xf32>, vector<128x512xf32> -> vector<128x1024xf32>
      %convert_element_type3A_809 = arith.truncf %concatenate3A : vector<128x1024xf32> to vector<128x1024xbf16>
      %slice3A_810 = vector.extract_strided_slice %get3A_803 {offsets = [0, 512], sizes = [128, 1], strides = [1, 1]} : vector<128x640xi32> to vector<128x1xi32>
      %bitcast_convert_type3A_811 = tpu.bitcast %slice3A_810 : vector<128x1xi32> -> vector<128x1xf32>
      %dot_general3A = arith.constant dense<0.000000e+00> : vector<128x2048xf32>
      %dot_general3A_812 = tpu.matmul %convert_element_type3A_809, %convert_element_type3A_377, %dot_general3A {dimension_numbers = #tpu.dot_dimension_numbers<[1], [0], [0], [1], [0, 0, 1, 1], [], []>, transpose_lhs_hint = false} : vector<128x1024xbf16>, vector<1024x2048xbf16>, vector<128x2048xf32> -> vector<128x2048xf32>
      %add3A_813 = vector.broadcast %get3A_389 : vector<1x2048xf32> to vector<128x2048xf32>
      %add3A_814 = arith.addf %dot_general3A_812, %add3A_813 : vector<128x2048xf32>
      %max3A = arith.constant 0.000000e+00 : f32
      %max3A_815 = vector.broadcast %max3A : f32 to vector<128x2048xf32>
      %max3A_816 = arith.maximumf %add3A_814, %max3A_815 : vector<128x2048xf32>
      %convert_element_type3A_817 = arith.truncf %max3A_816 : vector<128x2048xf32> to vector<128x2048xbf16>
      %dot_general3A_818 = arith.constant dense<0.000000e+00> : vector<128x1024xf32>
      %dot_general3A_819 = tpu.matmul %convert_element_type3A_817, %convert_element_type3A_384, %dot_general3A_818 {dimension_numbers = #tpu.dot_dimension_numbers<[1], [0], [0], [1], [0, 0, 1, 1], [], []>, transpose_lhs_hint = false} : vector<128x2048xbf16>, vector<2048x1024xbf16>, vector<128x1024xf32> -> vector<128x1024xf32>
      %add3A_820 = vector.broadcast %get3A_394 : vector<1x1024xf32> to vector<128x1024xf32>
      %add3A_821 = arith.addf %dot_general3A_819, %add3A_820 : vector<128x1024xf32>
      %mul3A_822 = vector.broadcast %bitcast_convert_type3A_811 : vector<128x1xf32> to vector<128x1024xf32>
      %mul3A_823 = arith.mulf %add3A_821, %mul3A_822 : vector<128x1024xf32>
      %mul3A_824 = arith.constant 128 : i32
      %mul3A_825 = arith.muli %while3A_798, %mul3A_824 : i32
      %iota3A = tpu.iota {dimensions = array<i32: 0>} : vector<128x1xi32>
      %add3A_826 = vector.broadcast %mul3A_825 : i32 to vector<128x1xi32>
      %add3A_827 = arith.addi %add3A_826, %iota3A : vector<128x1xi32>
      %ge3A = vector.broadcast %get3A_396 : i32 to vector<128x1xi32>
      %ge3A_828 = arith.cmpi sge, %add3A_827, %ge3A : vector<128x1xi32>
      %lt3A = vector.broadcast %get3A_398 : i32 to vector<128x1xi32>
      %lt3A_829 = arith.cmpi slt, %add3A_827, %lt3A : vector<128x1xi32>
      %and3A_830 = arith.andi %ge3A_828, %lt3A_829 : vector<128x1xi1>
      %mul3A_831 = arith.constant 128 : i32
      %mul3A_832 = arith.muli %while3A_798, %mul3A_831 : i32
      %get3A_833 = arith.index_cast %mul3A_832 : i32 to index
      %get3A_834 = arith.constant 0 : index
      %get3A_835 = vector.load %arg6[%get3A_833, %get3A_834] : memref<2048x1024xf32, #tpu.memory_space<vmem>>, vector<128x1024xf32>
      %broadcast_in_dim3A = vector.shape_cast %and3A_830 : vector<128x1xi1> to vector<128x1xi1>
      %broadcast_in_dim3A_836 = vector.broadcast %broadcast_in_dim3A : vector<128x1xi1> to vector<128x1024xi1>
      %select_n3A_837 = arith.select %broadcast_in_dim3A_836, %mul3A_823, %get3A_835 : vector<128x1024xi1>, vector<128x1024xf32>
      %mul3A_838 = arith.constant 128 : i32
      %mul3A_839 = arith.muli %while3A_798, %mul3A_838 : i32
      %swap3A = arith.index_cast %mul3A_839 : i32 to index
      %swap3A_840 = arith.constant 0 : index
      %swap3A_841 = vector.load %arg6[%swap3A, %swap3A_840] : memref<2048x1024xf32, #tpu.memory_space<vmem>>, vector<128x1024xf32>
      tpu.vector_store %arg6[%swap3A, %swap3A_840], %select_n3A_837 {strides = array<i32>} : memref<2048x1024xf32, #tpu.memory_space<vmem>>, vector<128x1024xf32>,
      %while3A_842 = arith.constant 0 : i32
      scf.yield %while3A_842 : i32
    }
    %dma_start3A_420 = arith.constant 1 : i32
    %dma_start3A_421 = arith.constant 1 : i32
    %dma_start3A_422 = tpu.memref_slice %arg9[%dma_start3A_421] : memref<2x!tpu.dma_semaphore, #tpu.memory_space<semaphore_mem>> -> memref<1x!tpu.dma_semaphore, #tpu.memory_space<semaphore_mem>>
    %dma_start3A_423 = tpu.memref_squeeze %dma_start3A_422 : memref<1x!tpu.dma_semaphore, #tpu.memory_space<semaphore_mem>> -> memref<!tpu.dma_semaphore, #tpu.memory_space<semaphore_mem>>
    %dma_start3A_424 = arith.constant 0 : i32
    %dma_start3A_425 = arith.constant 0 : i32
    %dma_start3A_426 = arith.constant 0 : i32
    %dma_start3A_427 = tpu.memref_slice %arg7[%dma_start3A_420, %dma_start3A_424, %dma_start3A_425, %dma_start3A_426] : memref<2x1x1024x2048xf32, #tpu.memory_space<vmem>> -> memref<1x1x1024x2048xf32, #tpu.memory_space<vmem>>
    %dma_start3A_428 = tpu.memref_squeeze %dma_start3A_427 : memref<1x1x1024x2048xf32, #tpu.memory_space<vmem>> -> memref<1x1024x2048xf32, #tpu.memory_space<vmem>>
    %dma_start3A_429 = arith.constant 5 : i32
    %dma_start3A_430 = arith.constant 0 : i32
    %dma_start3A_431 = arith.constant 0 : i32
    %dma_start3A_432 = tpu.memref_slice %arg4[%dma_start3A_429, %dma_start3A_430, %dma_start3A_431] : memref<8x1024x2048xf32, #tpu.memory_space<any>> -> memref<1x1024x2048xf32, #tpu.memory_space<any>>
    tpu.enqueue_dma source(%dma_start3A_432 : memref<1x1024x2048xf32, #tpu.memory_space<any>>) target(%dma_start3A_428 : memref<1x1024x2048xf32, #tpu.memory_space<vmem>>) target_semaphore(%dma_start3A_423 : memref<!tpu.dma_semaphore, #tpu.memory_space<semaphore_mem>>)
    %dma_start3A_433 = arith.constant 1 : i32
    %dma_start3A_434 = arith.constant 1 : i32
    %dma_start3A_435 = tpu.memref_slice %arg10[%dma_start3A_434] : memref<2x!tpu.dma_semaphore, #tpu.memory_space<semaphore_mem>> -> memref<1x!tpu.dma_semaphore, #tpu.memory_space<semaphore_mem>>
    %dma_start3A_436 = tpu.memref_squeeze %dma_start3A_435 : memref<1x!tpu.dma_semaphore, #tpu.memory_space<semaphore_mem>> -> memref<!tpu.dma_semaphore, #tpu.memory_space<semaphore_mem>>
    %dma_start3A_437 = arith.constant 0 : i32
    %dma_start3A_438 = arith.constant 0 : i32
    %dma_start3A_439 = arith.constant 0 : i32
    %dma_start3A_440 = tpu.memref_slice %arg8[%dma_start3A_433, %dma_start3A_437, %dma_start3A_438, %dma_start3A_439] : memref<2x1x2048x1024xf32, #tpu.memory_space<vmem>> -> memref<1x1x2048x1024xf32, #tpu.memory_space<vmem>>
    %dma_start3A_441 = tpu.memref_squeeze %dma_start3A_440 : memref<1x1x2048x1024xf32, #tpu.memory_space<vmem>> -> memref<1x2048x1024xf32, #tpu.memory_space<vmem>>
    %dma_start3A_442 = arith.constant 5 : i32
    %dma_start3A_443 = arith.constant 0 : i32
    %dma_start3A_444 = arith.constant 0 : i32
    %dma_start3A_445 = tpu.memref_slice %arg5[%dma_start3A_442, %dma_start3A_443, %dma_start3A_444] : memref<8x2048x1024xf32, #tpu.memory_space<any>> -> memref<1x2048x1024xf32, #tpu.memory_space<any>>
    tpu.enqueue_dma source(%dma_start3A_445 : memref<1x2048x1024xf32, #tpu.memory_space<any>>) target(%dma_start3A_441 : memref<1x2048x1024xf32, #tpu.memory_space<vmem>>) target_semaphore(%dma_start3A_436 : memref<!tpu.dma_semaphore, #tpu.memory_space<semaphore_mem>>)
    %dma_wait3A_446 = arith.constant 0 : i32
    %dma_wait3A_447 = arith.constant 0 : i32
    %dma_wait3A_448 = tpu.memref_slice %arg9[%dma_wait3A_447] : memref<2x!tpu.dma_semaphore, #tpu.memory_space<semaphore_mem>> -> memref<1x!tpu.dma_semaphore, #tpu.memory_space<semaphore_mem>>
    %dma_wait3A_449 = tpu.memref_squeeze %dma_wait3A_448 : memref<1x!tpu.dma_semaphore, #tpu.memory_space<semaphore_mem>> -> memref<!tpu.dma_semaphore, #tpu.memory_space<semaphore_mem>>
    %dma_wait3A_450 = arith.constant 0 : i32
    %dma_wait3A_451 = arith.constant 0 : i32
    %dma_wait3A_452 = arith.constant 0 : i32
    %dma_wait3A_453 = tpu.memref_slice %arg7[%dma_wait3A_446, %dma_wait3A_450, %dma_wait3A_451, %dma_wait3A_452] : memref<2x1x1024x2048xf32, #tpu.memory_space<vmem>> -> memref<1x1x1024x2048xf32, #tpu.memory_space<vmem>>
    %dma_wait3A_454 = tpu.memref_squeeze %dma_wait3A_453 : memref<1x1x1024x2048xf32, #tpu.memory_space<vmem>> -> memref<1x1024x2048xf32, #tpu.memory_space<vmem>>
    %dma_wait3A_455 = arith.constant 4 : i32
    %dma_wait3A_456 = arith.constant 0 : i32
    %dma_wait3A_457 = arith.constant 0 : i32
    %dma_wait3A_458 = tpu.memref_slice %arg4[%dma_wait3A_455, %dma_wait3A_456, %dma_wait3A_457] : memref<8x1024x2048xf32, #tpu.memory_space<any>> -> memref<1x1024x2048xf32, #tpu.memory_space<any>>
    tpu.wait_dma2 semaphore(%dma_wait3A_449 : memref<!tpu.dma_semaphore, #tpu.memory_space<semaphore_mem>>) src(%dma_wait3A_458 : memref<1x1024x2048xf32, #tpu.memory_space<any>>) dst(%dma_wait3A_454 : memref<1x1024x2048xf32, #tpu.memory_space<vmem>>)
    %dma_wait3A_459 = arith.constant 0 : i32
    %dma_wait3A_460 = arith.constant 0 : i32
    %dma_wait3A_461 = tpu.memref_slice %arg10[%dma_wait3A_460] : memref<2x!tpu.dma_semaphore, #tpu.memory_space<semaphore_mem>> -> memref<1x!tpu.dma_semaphore, #tpu.memory_space<semaphore_mem>>
    %dma_wait3A_462 = tpu.memref_squeeze %dma_wait3A_461 : memref<1x!tpu.dma_semaphore, #tpu.memory_space<semaphore_mem>> -> memref<!tpu.dma_semaphore, #tpu.memory_space<semaphore_mem>>
    %dma_wait3A_463 = arith.constant 0 : i32
    %dma_wait3A_464 = arith.constant 0 : i32
    %dma_wait3A_465 = arith.constant 0 : i32
    %dma_wait3A_466 = tpu.memref_slice %arg8[%dma_wait3A_459, %dma_wait3A_463, %dma_wait3A_464, %dma_wait3A_465] : memref<2x1x2048x1024xf32, #tpu.memory_space<vmem>> -> memref<1x1x2048x1024xf32, #tpu.memory_space<vmem>>
    %dma_wait3A_467 = tpu.memref_squeeze %dma_wait3A_466 : memref<1x1x2048x1024xf32, #tpu.memory_space<vmem>> -> memref<1x2048x1024xf32, #tpu.memory_space<vmem>>
    %dma_wait3A_468 = arith.constant 4 : i32
    %dma_wait3A_469 = arith.constant 0 : i32
    %dma_wait3A_470 = arith.constant 0 : i32
    %dma_wait3A_471 = tpu.memref_slice %arg5[%dma_wait3A_468, %dma_wait3A_469, %dma_wait3A_470] : memref<8x2048x1024xf32, #tpu.memory_space<any>> -> memref<1x2048x1024xf32, #tpu.memory_space<any>>
    tpu.wait_dma2 semaphore(%dma_wait3A_462 : memref<!tpu.dma_semaphore, #tpu.memory_space<semaphore_mem>>) src(%dma_wait3A_471 : memref<1x2048x1024xf32, #tpu.memory_space<any>>) dst(%dma_wait3A_467 : memref<1x2048x1024xf32, #tpu.memory_space<vmem>>)
    %get3A_472 = arith.constant 0 : index
    %get3A_473 = arith.constant 0 : index
    %get3A_474 = arith.constant 0 : index
    %get3A_475 = arith.constant 0 : index
    %get3A_476 = vector.load %arg7[%get3A_472, %get3A_473, %get3A_474, %get3A_475] : memref<2x1x1024x2048xf32, #tpu.memory_space<vmem>>, vector<1x1x1024x2048xf32>
    %get3A_477 = vector.shape_cast %get3A_476 : vector<1x1x1024x2048xf32> to vector<1024x2048xf32>
    %convert_element_type3A_478 = arith.truncf %get3A_477 : vector<1024x2048xf32> to vector<1024x2048xbf16>
    %get3A_479 = arith.constant 0 : index
    %get3A_480 = arith.constant 0 : index
    %get3A_481 = arith.constant 0 : index
    %get3A_482 = arith.constant 0 : index
    %get3A_483 = vector.load %arg8[%get3A_479, %get3A_480, %get3A_481, %get3A_482] : memref<2x1x2048x1024xf32, #tpu.memory_space<vmem>>, vector<1x1x2048x1024xf32>
    %get3A_484 = vector.shape_cast %get3A_483 : vector<1x1x2048x1024xf32> to vector<2048x1024xf32>
    %convert_element_type3A_485 = arith.truncf %get3A_484 : vector<2048x1024xf32> to vector<2048x1024xbf16>
    %get3A_486 = arith.constant 4 : index
    %get3A_487 = arith.constant 0 : index
    %get3A_488 = arith.constant 0 : index
    %get3A_489 = vector.load %arg2[%get3A_486, %get3A_487, %get3A_488] : memref<8x1x2048xf32, #tpu.memory_space<vmem>>, vector<1x1x2048xf32>
    %get3A_490 = vector.shape_cast %get3A_489 : vector<1x1x2048xf32> to vector<1x2048xf32>
    %get3A_491 = arith.constant 4 : index
    %get3A_492 = arith.constant 0 : index
    %get3A_493 = arith.constant 0 : index
    %get3A_494 = vector.load %arg3[%get3A_491, %get3A_492, %get3A_493] : memref<8x1x1024xf32, #tpu.memory_space<vmem>>, vector<1x1x1024xf32>
    %get3A_495 = vector.shape_cast %get3A_494 : vector<1x1x1024xf32> to vector<1x1024xf32>
    %get3A_496 = arith.constant 260 : index
    %get3A_497 = memref.load %arg0[%get3A_496] : memref<1024xi32, #tpu.memory_space<smem>>
    %get3A_498 = arith.constant 388 : index
    %get3A_499 = memref.load %arg0[%get3A_498] : memref<1024xi32, #tpu.memory_space<smem>>
    %div3A_500 = arith.constant 128 : i32
    %div3A_501 = arith.divsi %get3A_497, %div3A_500 : i32
    %gt3A_502 = arith.cmpi sgt, %get3A_499, %get3A_497 : i32
    %sub3A_503 = arith.constant 1 : i32
    %sub3A_504 = arith.subi %get3A_499, %sub3A_503 : i32
    %div3A_505 = arith.constant 128 : i32
    %div3A_506 = arith.divsi %sub3A_504, %div3A_505 : i32
    %add3A_507 = arith.constant 1 : i32
    %add3A_508 = arith.addi %div3A_506, %add3A_507 : i32
    %select_n3A_509 = arith.select %gt3A_502, %add3A_508, %div3A_501 : i32
    %while3A_510 = arith.constant 0 : i32
    %while3A_511 = arith.subi %select_n3A_509, %div3A_501 : i32
    %while3A_512 = arith.addi %div3A_501, %while3A_511 : i32
    %while3A_513 = arith.constant 1 : i32
    %while3A_514 = arith.divsi %while3A_511, %while3A_513 : i32
    %while3A_515 = arith.muli %while3A_514, %while3A_513 : i32
    %while3A_516 = arith.addi %div3A_501, %while3A_515 : i32
    %while3A_517 = arith.constant 1 : i32
    %while3A_518 = scf.for %while3A_798 = %div3A_501 to %while3A_516 step %while3A_517 iter_args(%while3A_799 = %while3A_510) -> (i32)  : i32 {
      %mul3A = arith.constant 128 : i32
      %mul3A_800 = arith.muli %while3A_798, %mul3A : i32
      %get3A_801 = arith.index_cast %mul3A_800 : i32 to index
      %get3A_802 = arith.constant 0 : index
      %get3A_803 = vector.load %arg1[%get3A_801, %get3A_802] : memref<2048x640xi32, #tpu.memory_space<vmem>>, vector<128x640xi32>
      %slice3A = vector.extract_strided_slice %get3A_803 {offsets = [0, 0], sizes = [128, 512], strides = [1, 1]} : vector<128x640xi32> to vector<128x512xi32>
      %shift_left3A = arith.constant 16 : i32
      %shift_left3A_804 = vector.broadcast %shift_left3A : i32 to vector<128x512xi32>
      %shift_left3A_805 = arith.shli %slice3A, %shift_left3A_804 : vector<128x512xi32>
      %bitcast_convert_type3A = tpu.bitcast %shift_left3A_805 : vector<128x512xi32> -> vector<128x512xf32>
      %and3A = arith.constant -65536 : i32
      %and3A_806 = vector.broadcast %and3A : i32 to vector<128x512xi32>
      %and3A_807 = arith.andi %slice3A, %and3A_806 : vector<128x512xi32>
      %bitcast_convert_type3A_808 = tpu.bitcast %and3A_807 : vector<128x512xi32> -> vector<128x512xf32>
      %concatenate3A = tpu.concatenate %bitcast_convert_type3A, %bitcast_convert_type3A_808 in 1 : vector<128x512xf32>, vector<128x512xf32> -> vector<128x1024xf32>
      %convert_element_type3A_809 = arith.truncf %concatenate3A : vector<128x1024xf32> to vector<128x1024xbf16>
      %slice3A_810 = vector.extract_strided_slice %get3A_803 {offsets = [0, 512], sizes = [128, 1], strides = [1, 1]} : vector<128x640xi32> to vector<128x1xi32>
      %bitcast_convert_type3A_811 = tpu.bitcast %slice3A_810 : vector<128x1xi32> -> vector<128x1xf32>
      %dot_general3A = arith.constant dense<0.000000e+00> : vector<128x2048xf32>
      %dot_general3A_812 = tpu.matmul %convert_element_type3A_809, %convert_element_type3A_478, %dot_general3A {dimension_numbers = #tpu.dot_dimension_numbers<[1], [0], [0], [1], [0, 0, 1, 1], [], []>, transpose_lhs_hint = false} : vector<128x1024xbf16>, vector<1024x2048xbf16>, vector<128x2048xf32> -> vector<128x2048xf32>
      %add3A_813 = vector.broadcast %get3A_490 : vector<1x2048xf32> to vector<128x2048xf32>
      %add3A_814 = arith.addf %dot_general3A_812, %add3A_813 : vector<128x2048xf32>
      %max3A = arith.constant 0.000000e+00 : f32
      %max3A_815 = vector.broadcast %max3A : f32 to vector<128x2048xf32>
      %max3A_816 = arith.maximumf %add3A_814, %max3A_815 : vector<128x2048xf32>
      %convert_element_type3A_817 = arith.truncf %max3A_816 : vector<128x2048xf32> to vector<128x2048xbf16>
      %dot_general3A_818 = arith.constant dense<0.000000e+00> : vector<128x1024xf32>
      %dot_general3A_819 = tpu.matmul %convert_element_type3A_817, %convert_element_type3A_485, %dot_general3A_818 {dimension_numbers = #tpu.dot_dimension_numbers<[1], [0], [0], [1], [0, 0, 1, 1], [], []>, transpose_lhs_hint = false} : vector<128x2048xbf16>, vector<2048x1024xbf16>, vector<128x1024xf32> -> vector<128x1024xf32>
      %add3A_820 = vector.broadcast %get3A_495 : vector<1x1024xf32> to vector<128x1024xf32>
      %add3A_821 = arith.addf %dot_general3A_819, %add3A_820 : vector<128x1024xf32>
      %mul3A_822 = vector.broadcast %bitcast_convert_type3A_811 : vector<128x1xf32> to vector<128x1024xf32>
      %mul3A_823 = arith.mulf %add3A_821, %mul3A_822 : vector<128x1024xf32>
      %mul3A_824 = arith.constant 128 : i32
      %mul3A_825 = arith.muli %while3A_798, %mul3A_824 : i32
      %iota3A = tpu.iota {dimensions = array<i32: 0>} : vector<128x1xi32>
      %add3A_826 = vector.broadcast %mul3A_825 : i32 to vector<128x1xi32>
      %add3A_827 = arith.addi %add3A_826, %iota3A : vector<128x1xi32>
      %ge3A = vector.broadcast %get3A_497 : i32 to vector<128x1xi32>
      %ge3A_828 = arith.cmpi sge, %add3A_827, %ge3A : vector<128x1xi32>
      %lt3A = vector.broadcast %get3A_499 : i32 to vector<128x1xi32>
      %lt3A_829 = arith.cmpi slt, %add3A_827, %lt3A : vector<128x1xi32>
      %and3A_830 = arith.andi %ge3A_828, %lt3A_829 : vector<128x1xi1>
      %mul3A_831 = arith.constant 128 : i32
      %mul3A_832 = arith.muli %while3A_798, %mul3A_831 : i32
      %get3A_833 = arith.index_cast %mul3A_832 : i32 to index
      %get3A_834 = arith.constant 0 : index
      %get3A_835 = vector.load %arg6[%get3A_833, %get3A_834] : memref<2048x1024xf32, #tpu.memory_space<vmem>>, vector<128x1024xf32>
      %broadcast_in_dim3A = vector.shape_cast %and3A_830 : vector<128x1xi1> to vector<128x1xi1>
      %broadcast_in_dim3A_836 = vector.broadcast %broadcast_in_dim3A : vector<128x1xi1> to vector<128x1024xi1>
      %select_n3A_837 = arith.select %broadcast_in_dim3A_836, %mul3A_823, %get3A_835 : vector<128x1024xi1>, vector<128x1024xf32>
      %mul3A_838 = arith.constant 128 : i32
      %mul3A_839 = arith.muli %while3A_798, %mul3A_838 : i32
      %swap3A = arith.index_cast %mul3A_839 : i32 to index
      %swap3A_840 = arith.constant 0 : index
      %swap3A_841 = vector.load %arg6[%swap3A, %swap3A_840] : memref<2048x1024xf32, #tpu.memory_space<vmem>>, vector<128x1024xf32>
      tpu.vector_store %arg6[%swap3A, %swap3A_840], %select_n3A_837 {strides = array<i32>} : memref<2048x1024xf32, #tpu.memory_space<vmem>>, vector<128x1024xf32>,
      %while3A_842 = arith.constant 0 : i32
      scf.yield %while3A_842 : i32
    }
    %while3A_519 = arith.constant 1 : i32
    %while3A_520 = scf.for %while3A_798 = %while3A_516 to %while3A_512 step %while3A_519 iter_args(%while3A_799 = %while3A_518) -> (i32)  : i32 {
      %mul3A = arith.constant 128 : i32
      %mul3A_800 = arith.muli %while3A_798, %mul3A : i32
      %get3A_801 = arith.index_cast %mul3A_800 : i32 to index
      %get3A_802 = arith.constant 0 : index
      %get3A_803 = vector.load %arg1[%get3A_801, %get3A_802] : memref<2048x640xi32, #tpu.memory_space<vmem>>, vector<128x640xi32>
      %slice3A = vector.extract_strided_slice %get3A_803 {offsets = [0, 0], sizes = [128, 512], strides = [1, 1]} : vector<128x640xi32> to vector<128x512xi32>
      %shift_left3A = arith.constant 16 : i32
      %shift_left3A_804 = vector.broadcast %shift_left3A : i32 to vector<128x512xi32>
      %shift_left3A_805 = arith.shli %slice3A, %shift_left3A_804 : vector<128x512xi32>
      %bitcast_convert_type3A = tpu.bitcast %shift_left3A_805 : vector<128x512xi32> -> vector<128x512xf32>
      %and3A = arith.constant -65536 : i32
      %and3A_806 = vector.broadcast %and3A : i32 to vector<128x512xi32>
      %and3A_807 = arith.andi %slice3A, %and3A_806 : vector<128x512xi32>
      %bitcast_convert_type3A_808 = tpu.bitcast %and3A_807 : vector<128x512xi32> -> vector<128x512xf32>
      %concatenate3A = tpu.concatenate %bitcast_convert_type3A, %bitcast_convert_type3A_808 in 1 : vector<128x512xf32>, vector<128x512xf32> -> vector<128x1024xf32>
      %convert_element_type3A_809 = arith.truncf %concatenate3A : vector<128x1024xf32> to vector<128x1024xbf16>
      %slice3A_810 = vector.extract_strided_slice %get3A_803 {offsets = [0, 512], sizes = [128, 1], strides = [1, 1]} : vector<128x640xi32> to vector<128x1xi32>
      %bitcast_convert_type3A_811 = tpu.bitcast %slice3A_810 : vector<128x1xi32> -> vector<128x1xf32>
      %dot_general3A = arith.constant dense<0.000000e+00> : vector<128x2048xf32>
      %dot_general3A_812 = tpu.matmul %convert_element_type3A_809, %convert_element_type3A_478, %dot_general3A {dimension_numbers = #tpu.dot_dimension_numbers<[1], [0], [0], [1], [0, 0, 1, 1], [], []>, transpose_lhs_hint = false} : vector<128x1024xbf16>, vector<1024x2048xbf16>, vector<128x2048xf32> -> vector<128x2048xf32>
      %add3A_813 = vector.broadcast %get3A_490 : vector<1x2048xf32> to vector<128x2048xf32>
      %add3A_814 = arith.addf %dot_general3A_812, %add3A_813 : vector<128x2048xf32>
      %max3A = arith.constant 0.000000e+00 : f32
      %max3A_815 = vector.broadcast %max3A : f32 to vector<128x2048xf32>
      %max3A_816 = arith.maximumf %add3A_814, %max3A_815 : vector<128x2048xf32>
      %convert_element_type3A_817 = arith.truncf %max3A_816 : vector<128x2048xf32> to vector<128x2048xbf16>
      %dot_general3A_818 = arith.constant dense<0.000000e+00> : vector<128x1024xf32>
      %dot_general3A_819 = tpu.matmul %convert_element_type3A_817, %convert_element_type3A_485, %dot_general3A_818 {dimension_numbers = #tpu.dot_dimension_numbers<[1], [0], [0], [1], [0, 0, 1, 1], [], []>, transpose_lhs_hint = false} : vector<128x2048xbf16>, vector<2048x1024xbf16>, vector<128x1024xf32> -> vector<128x1024xf32>
      %add3A_820 = vector.broadcast %get3A_495 : vector<1x1024xf32> to vector<128x1024xf32>
      %add3A_821 = arith.addf %dot_general3A_819, %add3A_820 : vector<128x1024xf32>
      %mul3A_822 = vector.broadcast %bitcast_convert_type3A_811 : vector<128x1xf32> to vector<128x1024xf32>
      %mul3A_823 = arith.mulf %add3A_821, %mul3A_822 : vector<128x1024xf32>
      %mul3A_824 = arith.constant 128 : i32
      %mul3A_825 = arith.muli %while3A_798, %mul3A_824 : i32
      %iota3A = tpu.iota {dimensions = array<i32: 0>} : vector<128x1xi32>
      %add3A_826 = vector.broadcast %mul3A_825 : i32 to vector<128x1xi32>
      %add3A_827 = arith.addi %add3A_826, %iota3A : vector<128x1xi32>
      %ge3A = vector.broadcast %get3A_497 : i32 to vector<128x1xi32>
      %ge3A_828 = arith.cmpi sge, %add3A_827, %ge3A : vector<128x1xi32>
      %lt3A = vector.broadcast %get3A_499 : i32 to vector<128x1xi32>
      %lt3A_829 = arith.cmpi slt, %add3A_827, %lt3A : vector<128x1xi32>
      %and3A_830 = arith.andi %ge3A_828, %lt3A_829 : vector<128x1xi1>
      %mul3A_831 = arith.constant 128 : i32
      %mul3A_832 = arith.muli %while3A_798, %mul3A_831 : i32
      %get3A_833 = arith.index_cast %mul3A_832 : i32 to index
      %get3A_834 = arith.constant 0 : index
      %get3A_835 = vector.load %arg6[%get3A_833, %get3A_834] : memref<2048x1024xf32, #tpu.memory_space<vmem>>, vector<128x1024xf32>
      %broadcast_in_dim3A = vector.shape_cast %and3A_830 : vector<128x1xi1> to vector<128x1xi1>
      %broadcast_in_dim3A_836 = vector.broadcast %broadcast_in_dim3A : vector<128x1xi1> to vector<128x1024xi1>
      %select_n3A_837 = arith.select %broadcast_in_dim3A_836, %mul3A_823, %get3A_835 : vector<128x1024xi1>, vector<128x1024xf32>
      %mul3A_838 = arith.constant 128 : i32
      %mul3A_839 = arith.muli %while3A_798, %mul3A_838 : i32
      %swap3A = arith.index_cast %mul3A_839 : i32 to index
      %swap3A_840 = arith.constant 0 : index
      %swap3A_841 = vector.load %arg6[%swap3A, %swap3A_840] : memref<2048x1024xf32, #tpu.memory_space<vmem>>, vector<128x1024xf32>
      tpu.vector_store %arg6[%swap3A, %swap3A_840], %select_n3A_837 {strides = array<i32>} : memref<2048x1024xf32, #tpu.memory_space<vmem>>, vector<128x1024xf32>,
      %while3A_842 = arith.constant 0 : i32
      scf.yield %while3A_842 : i32
    }
    %dma_start3A_521 = arith.constant 0 : i32
    %dma_start3A_522 = arith.constant 0 : i32
    %dma_start3A_523 = tpu.memref_slice %arg9[%dma_start3A_522] : memref<2x!tpu.dma_semaphore, #tpu.memory_space<semaphore_mem>> -> memref<1x!tpu.dma_semaphore, #tpu.memory_space<semaphore_mem>>
    %dma_start3A_524 = tpu.memref_squeeze %dma_start3A_523 : memref<1x!tpu.dma_semaphore, #tpu.memory_space<semaphore_mem>> -> memref<!tpu.dma_semaphore, #tpu.memory_space<semaphore_mem>>
    %dma_start3A_525 = arith.constant 0 : i32
    %dma_start3A_526 = arith.constant 0 : i32
    %dma_start3A_527 = arith.constant 0 : i32
    %dma_start3A_528 = tpu.memref_slice %arg7[%dma_start3A_521, %dma_start3A_525, %dma_start3A_526, %dma_start3A_527] : memref<2x1x1024x2048xf32, #tpu.memory_space<vmem>> -> memref<1x1x1024x2048xf32, #tpu.memory_space<vmem>>
    %dma_start3A_529 = tpu.memref_squeeze %dma_start3A_528 : memref<1x1x1024x2048xf32, #tpu.memory_space<vmem>> -> memref<1x1024x2048xf32, #tpu.memory_space<vmem>>
    %dma_start3A_530 = arith.constant 6 : i32
    %dma_start3A_531 = arith.constant 0 : i32
    %dma_start3A_532 = arith.constant 0 : i32
    %dma_start3A_533 = tpu.memref_slice %arg4[%dma_start3A_530, %dma_start3A_531, %dma_start3A_532] : memref<8x1024x2048xf32, #tpu.memory_space<any>> -> memref<1x1024x2048xf32, #tpu.memory_space<any>>
    tpu.enqueue_dma source(%dma_start3A_533 : memref<1x1024x2048xf32, #tpu.memory_space<any>>) target(%dma_start3A_529 : memref<1x1024x2048xf32, #tpu.memory_space<vmem>>) target_semaphore(%dma_start3A_524 : memref<!tpu.dma_semaphore, #tpu.memory_space<semaphore_mem>>)
    %dma_start3A_534 = arith.constant 0 : i32
    %dma_start3A_535 = arith.constant 0 : i32
    %dma_start3A_536 = tpu.memref_slice %arg10[%dma_start3A_535] : memref<2x!tpu.dma_semaphore, #tpu.memory_space<semaphore_mem>> -> memref<1x!tpu.dma_semaphore, #tpu.memory_space<semaphore_mem>>
    %dma_start3A_537 = tpu.memref_squeeze %dma_start3A_536 : memref<1x!tpu.dma_semaphore, #tpu.memory_space<semaphore_mem>> -> memref<!tpu.dma_semaphore, #tpu.memory_space<semaphore_mem>>
    %dma_start3A_538 = arith.constant 0 : i32
    %dma_start3A_539 = arith.constant 0 : i32
    %dma_start3A_540 = arith.constant 0 : i32
    %dma_start3A_541 = tpu.memref_slice %arg8[%dma_start3A_534, %dma_start3A_538, %dma_start3A_539, %dma_start3A_540] : memref<2x1x2048x1024xf32, #tpu.memory_space<vmem>> -> memref<1x1x2048x1024xf32, #tpu.memory_space<vmem>>
    %dma_start3A_542 = tpu.memref_squeeze %dma_start3A_541 : memref<1x1x2048x1024xf32, #tpu.memory_space<vmem>> -> memref<1x2048x1024xf32, #tpu.memory_space<vmem>>
    %dma_start3A_543 = arith.constant 6 : i32
    %dma_start3A_544 = arith.constant 0 : i32
    %dma_start3A_545 = arith.constant 0 : i32
    %dma_start3A_546 = tpu.memref_slice %arg5[%dma_start3A_543, %dma_start3A_544, %dma_start3A_545] : memref<8x2048x1024xf32, #tpu.memory_space<any>> -> memref<1x2048x1024xf32, #tpu.memory_space<any>>
    tpu.enqueue_dma source(%dma_start3A_546 : memref<1x2048x1024xf32, #tpu.memory_space<any>>) target(%dma_start3A_542 : memref<1x2048x1024xf32, #tpu.memory_space<vmem>>) target_semaphore(%dma_start3A_537 : memref<!tpu.dma_semaphore, #tpu.memory_space<semaphore_mem>>)
    %dma_wait3A_547 = arith.constant 1 : i32
    %dma_wait3A_548 = arith.constant 1 : i32
    %dma_wait3A_549 = tpu.memref_slice %arg9[%dma_wait3A_548] : memref<2x!tpu.dma_semaphore, #tpu.memory_space<semaphore_mem>> -> memref<1x!tpu.dma_semaphore, #tpu.memory_space<semaphore_mem>>
    %dma_wait3A_550 = tpu.memref_squeeze %dma_wait3A_549 : memref<1x!tpu.dma_semaphore, #tpu.memory_space<semaphore_mem>> -> memref<!tpu.dma_semaphore, #tpu.memory_space<semaphore_mem>>
    %dma_wait3A_551 = arith.constant 0 : i32
    %dma_wait3A_552 = arith.constant 0 : i32
    %dma_wait3A_553 = arith.constant 0 : i32
    %dma_wait3A_554 = tpu.memref_slice %arg7[%dma_wait3A_547, %dma_wait3A_551, %dma_wait3A_552, %dma_wait3A_553] : memref<2x1x1024x2048xf32, #tpu.memory_space<vmem>> -> memref<1x1x1024x2048xf32, #tpu.memory_space<vmem>>
    %dma_wait3A_555 = tpu.memref_squeeze %dma_wait3A_554 : memref<1x1x1024x2048xf32, #tpu.memory_space<vmem>> -> memref<1x1024x2048xf32, #tpu.memory_space<vmem>>
    %dma_wait3A_556 = arith.constant 5 : i32
    %dma_wait3A_557 = arith.constant 0 : i32
    %dma_wait3A_558 = arith.constant 0 : i32
    %dma_wait3A_559 = tpu.memref_slice %arg4[%dma_wait3A_556, %dma_wait3A_557, %dma_wait3A_558] : memref<8x1024x2048xf32, #tpu.memory_space<any>> -> memref<1x1024x2048xf32, #tpu.memory_space<any>>
    tpu.wait_dma2 semaphore(%dma_wait3A_550 : memref<!tpu.dma_semaphore, #tpu.memory_space<semaphore_mem>>) src(%dma_wait3A_559 : memref<1x1024x2048xf32, #tpu.memory_space<any>>) dst(%dma_wait3A_555 : memref<1x1024x2048xf32, #tpu.memory_space<vmem>>)
    %dma_wait3A_560 = arith.constant 1 : i32
    %dma_wait3A_561 = arith.constant 1 : i32
    %dma_wait3A_562 = tpu.memref_slice %arg10[%dma_wait3A_561] : memref<2x!tpu.dma_semaphore, #tpu.memory_space<semaphore_mem>> -> memref<1x!tpu.dma_semaphore, #tpu.memory_space<semaphore_mem>>
    %dma_wait3A_563 = tpu.memref_squeeze %dma_wait3A_562 : memref<1x!tpu.dma_semaphore, #tpu.memory_space<semaphore_mem>> -> memref<!tpu.dma_semaphore, #tpu.memory_space<semaphore_mem>>
    %dma_wait3A_564 = arith.constant 0 : i32
    %dma_wait3A_565 = arith.constant 0 : i32
    %dma_wait3A_566 = arith.constant 0 : i32
    %dma_wait3A_567 = tpu.memref_slice %arg8[%dma_wait3A_560, %dma_wait3A_564, %dma_wait3A_565, %dma_wait3A_566] : memref<2x1x2048x1024xf32, #tpu.memory_space<vmem>> -> memref<1x1x2048x1024xf32, #tpu.memory_space<vmem>>
    %dma_wait3A_568 = tpu.memref_squeeze %dma_wait3A_567 : memref<1x1x2048x1024xf32, #tpu.memory_space<vmem>> -> memref<1x2048x1024xf32, #tpu.memory_space<vmem>>
    %dma_wait3A_569 = arith.constant 5 : i32
    %dma_wait3A_570 = arith.constant 0 : i32
    %dma_wait3A_571 = arith.constant 0 : i32
    %dma_wait3A_572 = tpu.memref_slice %arg5[%dma_wait3A_569, %dma_wait3A_570, %dma_wait3A_571] : memref<8x2048x1024xf32, #tpu.memory_space<any>> -> memref<1x2048x1024xf32, #tpu.memory_space<any>>
    tpu.wait_dma2 semaphore(%dma_wait3A_563 : memref<!tpu.dma_semaphore, #tpu.memory_space<semaphore_mem>>) src(%dma_wait3A_572 : memref<1x2048x1024xf32, #tpu.memory_space<any>>) dst(%dma_wait3A_568 : memref<1x2048x1024xf32, #tpu.memory_space<vmem>>)
    %get3A_573 = arith.constant 1 : index
    %get3A_574 = arith.constant 0 : index
    %get3A_575 = arith.constant 0 : index
    %get3A_576 = arith.constant 0 : index
    %get3A_577 = vector.load %arg7[%get3A_573, %get3A_574, %get3A_575, %get3A_576] : memref<2x1x1024x2048xf32, #tpu.memory_space<vmem>>, vector<1x1x1024x2048xf32>
    %get3A_578 = vector.shape_cast %get3A_577 : vector<1x1x1024x2048xf32> to vector<1024x2048xf32>
    %convert_element_type3A_579 = arith.truncf %get3A_578 : vector<1024x2048xf32> to vector<1024x2048xbf16>
    %get3A_580 = arith.constant 1 : index
    %get3A_581 = arith.constant 0 : index
    %get3A_582 = arith.constant 0 : index
    %get3A_583 = arith.constant 0 : index
    %get3A_584 = vector.load %arg8[%get3A_580, %get3A_581, %get3A_582, %get3A_583] : memref<2x1x2048x1024xf32, #tpu.memory_space<vmem>>, vector<1x1x2048x1024xf32>
    %get3A_585 = vector.shape_cast %get3A_584 : vector<1x1x2048x1024xf32> to vector<2048x1024xf32>
    %convert_element_type3A_586 = arith.truncf %get3A_585 : vector<2048x1024xf32> to vector<2048x1024xbf16>
    %get3A_587 = arith.constant 5 : index
    %get3A_588 = arith.constant 0 : index
    %get3A_589 = arith.constant 0 : index
    %get3A_590 = vector.load %arg2[%get3A_587, %get3A_588, %get3A_589] : memref<8x1x2048xf32, #tpu.memory_space<vmem>>, vector<1x1x2048xf32>
    %get3A_591 = vector.shape_cast %get3A_590 : vector<1x1x2048xf32> to vector<1x2048xf32>
    %get3A_592 = arith.constant 5 : index
    %get3A_593 = arith.constant 0 : index
    %get3A_594 = arith.constant 0 : index
    %get3A_595 = vector.load %arg3[%get3A_592, %get3A_593, %get3A_594] : memref<8x1x1024xf32, #tpu.memory_space<vmem>>, vector<1x1x1024xf32>
    %get3A_596 = vector.shape_cast %get3A_595 : vector<1x1x1024xf32> to vector<1x1024xf32>
    %get3A_597 = arith.constant 261 : index
    %get3A_598 = memref.load %arg0[%get3A_597] : memref<1024xi32, #tpu.memory_space<smem>>
    %get3A_599 = arith.constant 389 : index
    %get3A_600 = memref.load %arg0[%get3A_599] : memref<1024xi32, #tpu.memory_space<smem>>
    %div3A_601 = arith.constant 128 : i32
    %div3A_602 = arith.divsi %get3A_598, %div3A_601 : i32
    %gt3A_603 = arith.cmpi sgt, %get3A_600, %get3A_598 : i32
    %sub3A_604 = arith.constant 1 : i32
    %sub3A_605 = arith.subi %get3A_600, %sub3A_604 : i32
    %div3A_606 = arith.constant 128 : i32
    %div3A_607 = arith.divsi %sub3A_605, %div3A_606 : i32
    %add3A_608 = arith.constant 1 : i32
    %add3A_609 = arith.addi %div3A_607, %add3A_608 : i32
    %select_n3A_610 = arith.select %gt3A_603, %add3A_609, %div3A_602 : i32
    %while3A_611 = arith.constant 0 : i32
    %while3A_612 = arith.subi %select_n3A_610, %div3A_602 : i32
    %while3A_613 = arith.addi %div3A_602, %while3A_612 : i32
    %while3A_614 = arith.constant 1 : i32
    %while3A_615 = arith.divsi %while3A_612, %while3A_614 : i32
    %while3A_616 = arith.muli %while3A_615, %while3A_614 : i32
    %while3A_617 = arith.addi %div3A_602, %while3A_616 : i32
    %while3A_618 = arith.constant 1 : i32
    %while3A_619 = scf.for %while3A_798 = %div3A_602 to %while3A_617 step %while3A_618 iter_args(%while3A_799 = %while3A_611) -> (i32)  : i32 {
      %mul3A = arith.constant 128 : i32
      %mul3A_800 = arith.muli %while3A_798, %mul3A : i32
      %get3A_801 = arith.index_cast %mul3A_800 : i32 to index
      %get3A_802 = arith.constant 0 : index
      %get3A_803 = vector.load %arg1[%get3A_801, %get3A_802] : memref<2048x640xi32, #tpu.memory_space<vmem>>, vector<128x640xi32>
      %slice3A = vector.extract_strided_slice %get3A_803 {offsets = [0, 0], sizes = [128, 512], strides = [1, 1]} : vector<128x640xi32> to vector<128x512xi32>
      %shift_left3A = arith.constant 16 : i32
      %shift_left3A_804 = vector.broadcast %shift_left3A : i32 to vector<128x512xi32>
      %shift_left3A_805 = arith.shli %slice3A, %shift_left3A_804 : vector<128x512xi32>
      %bitcast_convert_type3A = tpu.bitcast %shift_left3A_805 : vector<128x512xi32> -> vector<128x512xf32>
      %and3A = arith.constant -65536 : i32
      %and3A_806 = vector.broadcast %and3A : i32 to vector<128x512xi32>
      %and3A_807 = arith.andi %slice3A, %and3A_806 : vector<128x512xi32>
      %bitcast_convert_type3A_808 = tpu.bitcast %and3A_807 : vector<128x512xi32> -> vector<128x512xf32>
      %concatenate3A = tpu.concatenate %bitcast_convert_type3A, %bitcast_convert_type3A_808 in 1 : vector<128x512xf32>, vector<128x512xf32> -> vector<128x1024xf32>
      %convert_element_type3A_809 = arith.truncf %concatenate3A : vector<128x1024xf32> to vector<128x1024xbf16>
      %slice3A_810 = vector.extract_strided_slice %get3A_803 {offsets = [0, 512], sizes = [128, 1], strides = [1, 1]} : vector<128x640xi32> to vector<128x1xi32>
      %bitcast_convert_type3A_811 = tpu.bitcast %slice3A_810 : vector<128x1xi32> -> vector<128x1xf32>
      %dot_general3A = arith.constant dense<0.000000e+00> : vector<128x2048xf32>
      %dot_general3A_812 = tpu.matmul %convert_element_type3A_809, %convert_element_type3A_579, %dot_general3A {dimension_numbers = #tpu.dot_dimension_numbers<[1], [0], [0], [1], [0, 0, 1, 1], [], []>, transpose_lhs_hint = false} : vector<128x1024xbf16>, vector<1024x2048xbf16>, vector<128x2048xf32> -> vector<128x2048xf32>
      %add3A_813 = vector.broadcast %get3A_591 : vector<1x2048xf32> to vector<128x2048xf32>
      %add3A_814 = arith.addf %dot_general3A_812, %add3A_813 : vector<128x2048xf32>
      %max3A = arith.constant 0.000000e+00 : f32
      %max3A_815 = vector.broadcast %max3A : f32 to vector<128x2048xf32>
      %max3A_816 = arith.maximumf %add3A_814, %max3A_815 : vector<128x2048xf32>
      %convert_element_type3A_817 = arith.truncf %max3A_816 : vector<128x2048xf32> to vector<128x2048xbf16>
      %dot_general3A_818 = arith.constant dense<0.000000e+00> : vector<128x1024xf32>
      %dot_general3A_819 = tpu.matmul %convert_element_type3A_817, %convert_element_type3A_586, %dot_general3A_818 {dimension_numbers = #tpu.dot_dimension_numbers<[1], [0], [0], [1], [0, 0, 1, 1], [], []>, transpose_lhs_hint = false} : vector<128x2048xbf16>, vector<2048x1024xbf16>, vector<128x1024xf32> -> vector<128x1024xf32>
      %add3A_820 = vector.broadcast %get3A_596 : vector<1x1024xf32> to vector<128x1024xf32>
      %add3A_821 = arith.addf %dot_general3A_819, %add3A_820 : vector<128x1024xf32>
      %mul3A_822 = vector.broadcast %bitcast_convert_type3A_811 : vector<128x1xf32> to vector<128x1024xf32>
      %mul3A_823 = arith.mulf %add3A_821, %mul3A_822 : vector<128x1024xf32>
      %mul3A_824 = arith.constant 128 : i32
      %mul3A_825 = arith.muli %while3A_798, %mul3A_824 : i32
      %iota3A = tpu.iota {dimensions = array<i32: 0>} : vector<128x1xi32>
      %add3A_826 = vector.broadcast %mul3A_825 : i32 to vector<128x1xi32>
      %add3A_827 = arith.addi %add3A_826, %iota3A : vector<128x1xi32>
      %ge3A = vector.broadcast %get3A_598 : i32 to vector<128x1xi32>
      %ge3A_828 = arith.cmpi sge, %add3A_827, %ge3A : vector<128x1xi32>
      %lt3A = vector.broadcast %get3A_600 : i32 to vector<128x1xi32>
      %lt3A_829 = arith.cmpi slt, %add3A_827, %lt3A : vector<128x1xi32>
      %and3A_830 = arith.andi %ge3A_828, %lt3A_829 : vector<128x1xi1>
      %mul3A_831 = arith.constant 128 : i32
      %mul3A_832 = arith.muli %while3A_798, %mul3A_831 : i32
      %get3A_833 = arith.index_cast %mul3A_832 : i32 to index
      %get3A_834 = arith.constant 0 : index
      %get3A_835 = vector.load %arg6[%get3A_833, %get3A_834] : memref<2048x1024xf32, #tpu.memory_space<vmem>>, vector<128x1024xf32>
      %broadcast_in_dim3A = vector.shape_cast %and3A_830 : vector<128x1xi1> to vector<128x1xi1>
      %broadcast_in_dim3A_836 = vector.broadcast %broadcast_in_dim3A : vector<128x1xi1> to vector<128x1024xi1>
      %select_n3A_837 = arith.select %broadcast_in_dim3A_836, %mul3A_823, %get3A_835 : vector<128x1024xi1>, vector<128x1024xf32>
      %mul3A_838 = arith.constant 128 : i32
      %mul3A_839 = arith.muli %while3A_798, %mul3A_838 : i32
      %swap3A = arith.index_cast %mul3A_839 : i32 to index
      %swap3A_840 = arith.constant 0 : index
      %swap3A_841 = vector.load %arg6[%swap3A, %swap3A_840] : memref<2048x1024xf32, #tpu.memory_space<vmem>>, vector<128x1024xf32>
      tpu.vector_store %arg6[%swap3A, %swap3A_840], %select_n3A_837 {strides = array<i32>} : memref<2048x1024xf32, #tpu.memory_space<vmem>>, vector<128x1024xf32>,
      %while3A_842 = arith.constant 0 : i32
      scf.yield %while3A_842 : i32
    }
    %while3A_620 = arith.constant 1 : i32
    %while3A_621 = scf.for %while3A_798 = %while3A_617 to %while3A_613 step %while3A_620 iter_args(%while3A_799 = %while3A_619) -> (i32)  : i32 {
      %mul3A = arith.constant 128 : i32
      %mul3A_800 = arith.muli %while3A_798, %mul3A : i32
      %get3A_801 = arith.index_cast %mul3A_800 : i32 to index
      %get3A_802 = arith.constant 0 : index
      %get3A_803 = vector.load %arg1[%get3A_801, %get3A_802] : memref<2048x640xi32, #tpu.memory_space<vmem>>, vector<128x640xi32>
      %slice3A = vector.extract_strided_slice %get3A_803 {offsets = [0, 0], sizes = [128, 512], strides = [1, 1]} : vector<128x640xi32> to vector<128x512xi32>
      %shift_left3A = arith.constant 16 : i32
      %shift_left3A_804 = vector.broadcast %shift_left3A : i32 to vector<128x512xi32>
      %shift_left3A_805 = arith.shli %slice3A, %shift_left3A_804 : vector<128x512xi32>
      %bitcast_convert_type3A = tpu.bitcast %shift_left3A_805 : vector<128x512xi32> -> vector<128x512xf32>
      %and3A = arith.constant -65536 : i32
      %and3A_806 = vector.broadcast %and3A : i32 to vector<128x512xi32>
      %and3A_807 = arith.andi %slice3A, %and3A_806 : vector<128x512xi32>
      %bitcast_convert_type3A_808 = tpu.bitcast %and3A_807 : vector<128x512xi32> -> vector<128x512xf32>
      %concatenate3A = tpu.concatenate %bitcast_convert_type3A, %bitcast_convert_type3A_808 in 1 : vector<128x512xf32>, vector<128x512xf32> -> vector<128x1024xf32>
      %convert_element_type3A_809 = arith.truncf %concatenate3A : vector<128x1024xf32> to vector<128x1024xbf16>
      %slice3A_810 = vector.extract_strided_slice %get3A_803 {offsets = [0, 512], sizes = [128, 1], strides = [1, 1]} : vector<128x640xi32> to vector<128x1xi32>
      %bitcast_convert_type3A_811 = tpu.bitcast %slice3A_810 : vector<128x1xi32> -> vector<128x1xf32>
      %dot_general3A = arith.constant dense<0.000000e+00> : vector<128x2048xf32>
      %dot_general3A_812 = tpu.matmul %convert_element_type3A_809, %convert_element_type3A_579, %dot_general3A {dimension_numbers = #tpu.dot_dimension_numbers<[1], [0], [0], [1], [0, 0, 1, 1], [], []>, transpose_lhs_hint = false} : vector<128x1024xbf16>, vector<1024x2048xbf16>, vector<128x2048xf32> -> vector<128x2048xf32>
      %add3A_813 = vector.broadcast %get3A_591 : vector<1x2048xf32> to vector<128x2048xf32>
      %add3A_814 = arith.addf %dot_general3A_812, %add3A_813 : vector<128x2048xf32>
      %max3A = arith.constant 0.000000e+00 : f32
      %max3A_815 = vector.broadcast %max3A : f32 to vector<128x2048xf32>
      %max3A_816 = arith.maximumf %add3A_814, %max3A_815 : vector<128x2048xf32>
      %convert_element_type3A_817 = arith.truncf %max3A_816 : vector<128x2048xf32> to vector<128x2048xbf16>
      %dot_general3A_818 = arith.constant dense<0.000000e+00> : vector<128x1024xf32>
      %dot_general3A_819 = tpu.matmul %convert_element_type3A_817, %convert_element_type3A_586, %dot_general3A_818 {dimension_numbers = #tpu.dot_dimension_numbers<[1], [0], [0], [1], [0, 0, 1, 1], [], []>, transpose_lhs_hint = false} : vector<128x2048xbf16>, vector<2048x1024xbf16>, vector<128x1024xf32> -> vector<128x1024xf32>
      %add3A_820 = vector.broadcast %get3A_596 : vector<1x1024xf32> to vector<128x1024xf32>
      %add3A_821 = arith.addf %dot_general3A_819, %add3A_820 : vector<128x1024xf32>
      %mul3A_822 = vector.broadcast %bitcast_convert_type3A_811 : vector<128x1xf32> to vector<128x1024xf32>
      %mul3A_823 = arith.mulf %add3A_821, %mul3A_822 : vector<128x1024xf32>
      %mul3A_824 = arith.constant 128 : i32
      %mul3A_825 = arith.muli %while3A_798, %mul3A_824 : i32
      %iota3A = tpu.iota {dimensions = array<i32: 0>} : vector<128x1xi32>
      %add3A_826 = vector.broadcast %mul3A_825 : i32 to vector<128x1xi32>
      %add3A_827 = arith.addi %add3A_826, %iota3A : vector<128x1xi32>
      %ge3A = vector.broadcast %get3A_598 : i32 to vector<128x1xi32>
      %ge3A_828 = arith.cmpi sge, %add3A_827, %ge3A : vector<128x1xi32>
      %lt3A = vector.broadcast %get3A_600 : i32 to vector<128x1xi32>
      %lt3A_829 = arith.cmpi slt, %add3A_827, %lt3A : vector<128x1xi32>
      %and3A_830 = arith.andi %ge3A_828, %lt3A_829 : vector<128x1xi1>
      %mul3A_831 = arith.constant 128 : i32
      %mul3A_832 = arith.muli %while3A_798, %mul3A_831 : i32
      %get3A_833 = arith.index_cast %mul3A_832 : i32 to index
      %get3A_834 = arith.constant 0 : index
      %get3A_835 = vector.load %arg6[%get3A_833, %get3A_834] : memref<2048x1024xf32, #tpu.memory_space<vmem>>, vector<128x1024xf32>
      %broadcast_in_dim3A = vector.shape_cast %and3A_830 : vector<128x1xi1> to vector<128x1xi1>
      %broadcast_in_dim3A_836 = vector.broadcast %broadcast_in_dim3A : vector<128x1xi1> to vector<128x1024xi1>
      %select_n3A_837 = arith.select %broadcast_in_dim3A_836, %mul3A_823, %get3A_835 : vector<128x1024xi1>, vector<128x1024xf32>
      %mul3A_838 = arith.constant 128 : i32
      %mul3A_839 = arith.muli %while3A_798, %mul3A_838 : i32
      %swap3A = arith.index_cast %mul3A_839 : i32 to index
      %swap3A_840 = arith.constant 0 : index
      %swap3A_841 = vector.load %arg6[%swap3A, %swap3A_840] : memref<2048x1024xf32, #tpu.memory_space<vmem>>, vector<128x1024xf32>
      tpu.vector_store %arg6[%swap3A, %swap3A_840], %select_n3A_837 {strides = array<i32>} : memref<2048x1024xf32, #tpu.memory_space<vmem>>, vector<128x1024xf32>,
      %while3A_842 = arith.constant 0 : i32
      scf.yield %while3A_842 : i32
    }
    %dma_start3A_622 = arith.constant 1 : i32
    %dma_start3A_623 = arith.constant 1 : i32
    %dma_start3A_624 = tpu.memref_slice %arg9[%dma_start3A_623] : memref<2x!tpu.dma_semaphore, #tpu.memory_space<semaphore_mem>> -> memref<1x!tpu.dma_semaphore, #tpu.memory_space<semaphore_mem>>
    %dma_start3A_625 = tpu.memref_squeeze %dma_start3A_624 : memref<1x!tpu.dma_semaphore, #tpu.memory_space<semaphore_mem>> -> memref<!tpu.dma_semaphore, #tpu.memory_space<semaphore_mem>>
    %dma_start3A_626 = arith.constant 0 : i32
    %dma_start3A_627 = arith.constant 0 : i32
    %dma_start3A_628 = arith.constant 0 : i32
    %dma_start3A_629 = tpu.memref_slice %arg7[%dma_start3A_622, %dma_start3A_626, %dma_start3A_627, %dma_start3A_628] : memref<2x1x1024x2048xf32, #tpu.memory_space<vmem>> -> memref<1x1x1024x2048xf32, #tpu.memory_space<vmem>>
    %dma_start3A_630 = tpu.memref_squeeze %dma_start3A_629 : memref<1x1x1024x2048xf32, #tpu.memory_space<vmem>> -> memref<1x1024x2048xf32, #tpu.memory_space<vmem>>
    %dma_start3A_631 = arith.constant 7 : i32
    %dma_start3A_632 = arith.constant 0 : i32
    %dma_start3A_633 = arith.constant 0 : i32
    %dma_start3A_634 = tpu.memref_slice %arg4[%dma_start3A_631, %dma_start3A_632, %dma_start3A_633] : memref<8x1024x2048xf32, #tpu.memory_space<any>> -> memref<1x1024x2048xf32, #tpu.memory_space<any>>
    tpu.enqueue_dma source(%dma_start3A_634 : memref<1x1024x2048xf32, #tpu.memory_space<any>>) target(%dma_start3A_630 : memref<1x1024x2048xf32, #tpu.memory_space<vmem>>) target_semaphore(%dma_start3A_625 : memref<!tpu.dma_semaphore, #tpu.memory_space<semaphore_mem>>)
    %dma_start3A_635 = arith.constant 1 : i32
    %dma_start3A_636 = arith.constant 1 : i32
    %dma_start3A_637 = tpu.memref_slice %arg10[%dma_start3A_636] : memref<2x!tpu.dma_semaphore, #tpu.memory_space<semaphore_mem>> -> memref<1x!tpu.dma_semaphore, #tpu.memory_space<semaphore_mem>>
    %dma_start3A_638 = tpu.memref_squeeze %dma_start3A_637 : memref<1x!tpu.dma_semaphore, #tpu.memory_space<semaphore_mem>> -> memref<!tpu.dma_semaphore, #tpu.memory_space<semaphore_mem>>
    %dma_start3A_639 = arith.constant 0 : i32
    %dma_start3A_640 = arith.constant 0 : i32
    %dma_start3A_641 = arith.constant 0 : i32
    %dma_start3A_642 = tpu.memref_slice %arg8[%dma_start3A_635, %dma_start3A_639, %dma_start3A_640, %dma_start3A_641] : memref<2x1x2048x1024xf32, #tpu.memory_space<vmem>> -> memref<1x1x2048x1024xf32, #tpu.memory_space<vmem>>
    %dma_start3A_643 = tpu.memref_squeeze %dma_start3A_642 : memref<1x1x2048x1024xf32, #tpu.memory_space<vmem>> -> memref<1x2048x1024xf32, #tpu.memory_space<vmem>>
    %dma_start3A_644 = arith.constant 7 : i32
    %dma_start3A_645 = arith.constant 0 : i32
    %dma_start3A_646 = arith.constant 0 : i32
    %dma_start3A_647 = tpu.memref_slice %arg5[%dma_start3A_644, %dma_start3A_645, %dma_start3A_646] : memref<8x2048x1024xf32, #tpu.memory_space<any>> -> memref<1x2048x1024xf32, #tpu.memory_space<any>>
    tpu.enqueue_dma source(%dma_start3A_647 : memref<1x2048x1024xf32, #tpu.memory_space<any>>) target(%dma_start3A_643 : memref<1x2048x1024xf32, #tpu.memory_space<vmem>>) target_semaphore(%dma_start3A_638 : memref<!tpu.dma_semaphore, #tpu.memory_space<semaphore_mem>>)
    %dma_wait3A_648 = arith.constant 0 : i32
    %dma_wait3A_649 = arith.constant 0 : i32
    %dma_wait3A_650 = tpu.memref_slice %arg9[%dma_wait3A_649] : memref<2x!tpu.dma_semaphore, #tpu.memory_space<semaphore_mem>> -> memref<1x!tpu.dma_semaphore, #tpu.memory_space<semaphore_mem>>
    %dma_wait3A_651 = tpu.memref_squeeze %dma_wait3A_650 : memref<1x!tpu.dma_semaphore, #tpu.memory_space<semaphore_mem>> -> memref<!tpu.dma_semaphore, #tpu.memory_space<semaphore_mem>>
    %dma_wait3A_652 = arith.constant 0 : i32
    %dma_wait3A_653 = arith.constant 0 : i32
    %dma_wait3A_654 = arith.constant 0 : i32
    %dma_wait3A_655 = tpu.memref_slice %arg7[%dma_wait3A_648, %dma_wait3A_652, %dma_wait3A_653, %dma_wait3A_654] : memref<2x1x1024x2048xf32, #tpu.memory_space<vmem>> -> memref<1x1x1024x2048xf32, #tpu.memory_space<vmem>>
    %dma_wait3A_656 = tpu.memref_squeeze %dma_wait3A_655 : memref<1x1x1024x2048xf32, #tpu.memory_space<vmem>> -> memref<1x1024x2048xf32, #tpu.memory_space<vmem>>
    %dma_wait3A_657 = arith.constant 6 : i32
    %dma_wait3A_658 = arith.constant 0 : i32
    %dma_wait3A_659 = arith.constant 0 : i32
    %dma_wait3A_660 = tpu.memref_slice %arg4[%dma_wait3A_657, %dma_wait3A_658, %dma_wait3A_659] : memref<8x1024x2048xf32, #tpu.memory_space<any>> -> memref<1x1024x2048xf32, #tpu.memory_space<any>>
    tpu.wait_dma2 semaphore(%dma_wait3A_651 : memref<!tpu.dma_semaphore, #tpu.memory_space<semaphore_mem>>) src(%dma_wait3A_660 : memref<1x1024x2048xf32, #tpu.memory_space<any>>) dst(%dma_wait3A_656 : memref<1x1024x2048xf32, #tpu.memory_space<vmem>>)
    %dma_wait3A_661 = arith.constant 0 : i32
    %dma_wait3A_662 = arith.constant 0 : i32
    %dma_wait3A_663 = tpu.memref_slice %arg10[%dma_wait3A_662] : memref<2x!tpu.dma_semaphore, #tpu.memory_space<semaphore_mem>> -> memref<1x!tpu.dma_semaphore, #tpu.memory_space<semaphore_mem>>
    %dma_wait3A_664 = tpu.memref_squeeze %dma_wait3A_663 : memref<1x!tpu.dma_semaphore, #tpu.memory_space<semaphore_mem>> -> memref<!tpu.dma_semaphore, #tpu.memory_space<semaphore_mem>>
    %dma_wait3A_665 = arith.constant 0 : i32
    %dma_wait3A_666 = arith.constant 0 : i32
    %dma_wait3A_667 = arith.constant 0 : i32
    %dma_wait3A_668 = tpu.memref_slice %arg8[%dma_wait3A_661, %dma_wait3A_665, %dma_wait3A_666, %dma_wait3A_667] : memref<2x1x2048x1024xf32, #tpu.memory_space<vmem>> -> memref<1x1x2048x1024xf32, #tpu.memory_space<vmem>>
    %dma_wait3A_669 = tpu.memref_squeeze %dma_wait3A_668 : memref<1x1x2048x1024xf32, #tpu.memory_space<vmem>> -> memref<1x2048x1024xf32, #tpu.memory_space<vmem>>
    %dma_wait3A_670 = arith.constant 6 : i32
    %dma_wait3A_671 = arith.constant 0 : i32
    %dma_wait3A_672 = arith.constant 0 : i32
    %dma_wait3A_673 = tpu.memref_slice %arg5[%dma_wait3A_670, %dma_wait3A_671, %dma_wait3A_672] : memref<8x2048x1024xf32, #tpu.memory_space<any>> -> memref<1x2048x1024xf32, #tpu.memory_space<any>>
    tpu.wait_dma2 semaphore(%dma_wait3A_664 : memref<!tpu.dma_semaphore, #tpu.memory_space<semaphore_mem>>) src(%dma_wait3A_673 : memref<1x2048x1024xf32, #tpu.memory_space<any>>) dst(%dma_wait3A_669 : memref<1x2048x1024xf32, #tpu.memory_space<vmem>>)
    %get3A_674 = arith.constant 0 : index
    %get3A_675 = arith.constant 0 : index
    %get3A_676 = arith.constant 0 : index
    %get3A_677 = arith.constant 0 : index
    %get3A_678 = vector.load %arg7[%get3A_674, %get3A_675, %get3A_676, %get3A_677] : memref<2x1x1024x2048xf32, #tpu.memory_space<vmem>>, vector<1x1x1024x2048xf32>
    %get3A_679 = vector.shape_cast %get3A_678 : vector<1x1x1024x2048xf32> to vector<1024x2048xf32>
    %convert_element_type3A_680 = arith.truncf %get3A_679 : vector<1024x2048xf32> to vector<1024x2048xbf16>
    %get3A_681 = arith.constant 0 : index
    %get3A_682 = arith.constant 0 : index
    %get3A_683 = arith.constant 0 : index
    %get3A_684 = arith.constant 0 : index
    %get3A_685 = vector.load %arg8[%get3A_681, %get3A_682, %get3A_683, %get3A_684] : memref<2x1x2048x1024xf32, #tpu.memory_space<vmem>>, vector<1x1x2048x1024xf32>
    %get3A_686 = vector.shape_cast %get3A_685 : vector<1x1x2048x1024xf32> to vector<2048x1024xf32>
    %convert_element_type3A_687 = arith.truncf %get3A_686 : vector<2048x1024xf32> to vector<2048x1024xbf16>
    %get3A_688 = arith.constant 6 : index
    %get3A_689 = arith.constant 0 : index
    %get3A_690 = arith.constant 0 : index
    %get3A_691 = vector.load %arg2[%get3A_688, %get3A_689, %get3A_690] : memref<8x1x2048xf32, #tpu.memory_space<vmem>>, vector<1x1x2048xf32>
    %get3A_692 = vector.shape_cast %get3A_691 : vector<1x1x2048xf32> to vector<1x2048xf32>
    %get3A_693 = arith.constant 6 : index
    %get3A_694 = arith.constant 0 : index
    %get3A_695 = arith.constant 0 : index
    %get3A_696 = vector.load %arg3[%get3A_693, %get3A_694, %get3A_695] : memref<8x1x1024xf32, #tpu.memory_space<vmem>>, vector<1x1x1024xf32>
    %get3A_697 = vector.shape_cast %get3A_696 : vector<1x1x1024xf32> to vector<1x1024xf32>
    %get3A_698 = arith.constant 262 : index
    %get3A_699 = memref.load %arg0[%get3A_698] : memref<1024xi32, #tpu.memory_space<smem>>
    %get3A_700 = arith.constant 390 : index
    %get3A_701 = memref.load %arg0[%get3A_700] : memref<1024xi32, #tpu.memory_space<smem>>
    %div3A_702 = arith.constant 128 : i32
    %div3A_703 = arith.divsi %get3A_699, %div3A_702 : i32
    %gt3A_704 = arith.cmpi sgt, %get3A_701, %get3A_699 : i32
    %sub3A_705 = arith.constant 1 : i32
    %sub3A_706 = arith.subi %get3A_701, %sub3A_705 : i32
    %div3A_707 = arith.constant 128 : i32
    %div3A_708 = arith.divsi %sub3A_706, %div3A_707 : i32
    %add3A_709 = arith.constant 1 : i32
    %add3A_710 = arith.addi %div3A_708, %add3A_709 : i32
    %select_n3A_711 = arith.select %gt3A_704, %add3A_710, %div3A_703 : i32
    %while3A_712 = arith.constant 0 : i32
    %while3A_713 = arith.subi %select_n3A_711, %div3A_703 : i32
    %while3A_714 = arith.addi %div3A_703, %while3A_713 : i32
    %while3A_715 = arith.constant 1 : i32
    %while3A_716 = arith.divsi %while3A_713, %while3A_715 : i32
    %while3A_717 = arith.muli %while3A_716, %while3A_715 : i32
    %while3A_718 = arith.addi %div3A_703, %while3A_717 : i32
    %while3A_719 = arith.constant 1 : i32
    %while3A_720 = scf.for %while3A_798 = %div3A_703 to %while3A_718 step %while3A_719 iter_args(%while3A_799 = %while3A_712) -> (i32)  : i32 {
      %mul3A = arith.constant 128 : i32
      %mul3A_800 = arith.muli %while3A_798, %mul3A : i32
      %get3A_801 = arith.index_cast %mul3A_800 : i32 to index
      %get3A_802 = arith.constant 0 : index
      %get3A_803 = vector.load %arg1[%get3A_801, %get3A_802] : memref<2048x640xi32, #tpu.memory_space<vmem>>, vector<128x640xi32>
      %slice3A = vector.extract_strided_slice %get3A_803 {offsets = [0, 0], sizes = [128, 512], strides = [1, 1]} : vector<128x640xi32> to vector<128x512xi32>
      %shift_left3A = arith.constant 16 : i32
      %shift_left3A_804 = vector.broadcast %shift_left3A : i32 to vector<128x512xi32>
      %shift_left3A_805 = arith.shli %slice3A, %shift_left3A_804 : vector<128x512xi32>
      %bitcast_convert_type3A = tpu.bitcast %shift_left3A_805 : vector<128x512xi32> -> vector<128x512xf32>
      %and3A = arith.constant -65536 : i32
      %and3A_806 = vector.broadcast %and3A : i32 to vector<128x512xi32>
      %and3A_807 = arith.andi %slice3A, %and3A_806 : vector<128x512xi32>
      %bitcast_convert_type3A_808 = tpu.bitcast %and3A_807 : vector<128x512xi32> -> vector<128x512xf32>
      %concatenate3A = tpu.concatenate %bitcast_convert_type3A, %bitcast_convert_type3A_808 in 1 : vector<128x512xf32>, vector<128x512xf32> -> vector<128x1024xf32>
      %convert_element_type3A_809 = arith.truncf %concatenate3A : vector<128x1024xf32> to vector<128x1024xbf16>
      %slice3A_810 = vector.extract_strided_slice %get3A_803 {offsets = [0, 512], sizes = [128, 1], strides = [1, 1]} : vector<128x640xi32> to vector<128x1xi32>
      %bitcast_convert_type3A_811 = tpu.bitcast %slice3A_810 : vector<128x1xi32> -> vector<128x1xf32>
      %dot_general3A = arith.constant dense<0.000000e+00> : vector<128x2048xf32>
      %dot_general3A_812 = tpu.matmul %convert_element_type3A_809, %convert_element_type3A_680, %dot_general3A {dimension_numbers = #tpu.dot_dimension_numbers<[1], [0], [0], [1], [0, 0, 1, 1], [], []>, transpose_lhs_hint = false} : vector<128x1024xbf16>, vector<1024x2048xbf16>, vector<128x2048xf32> -> vector<128x2048xf32>
      %add3A_813 = vector.broadcast %get3A_692 : vector<1x2048xf32> to vector<128x2048xf32>
      %add3A_814 = arith.addf %dot_general3A_812, %add3A_813 : vector<128x2048xf32>
      %max3A = arith.constant 0.000000e+00 : f32
      %max3A_815 = vector.broadcast %max3A : f32 to vector<128x2048xf32>
      %max3A_816 = arith.maximumf %add3A_814, %max3A_815 : vector<128x2048xf32>
      %convert_element_type3A_817 = arith.truncf %max3A_816 : vector<128x2048xf32> to vector<128x2048xbf16>
      %dot_general3A_818 = arith.constant dense<0.000000e+00> : vector<128x1024xf32>
      %dot_general3A_819 = tpu.matmul %convert_element_type3A_817, %convert_element_type3A_687, %dot_general3A_818 {dimension_numbers = #tpu.dot_dimension_numbers<[1], [0], [0], [1], [0, 0, 1, 1], [], []>, transpose_lhs_hint = false} : vector<128x2048xbf16>, vector<2048x1024xbf16>, vector<128x1024xf32> -> vector<128x1024xf32>
      %add3A_820 = vector.broadcast %get3A_697 : vector<1x1024xf32> to vector<128x1024xf32>
      %add3A_821 = arith.addf %dot_general3A_819, %add3A_820 : vector<128x1024xf32>
      %mul3A_822 = vector.broadcast %bitcast_convert_type3A_811 : vector<128x1xf32> to vector<128x1024xf32>
      %mul3A_823 = arith.mulf %add3A_821, %mul3A_822 : vector<128x1024xf32>
      %mul3A_824 = arith.constant 128 : i32
      %mul3A_825 = arith.muli %while3A_798, %mul3A_824 : i32
      %iota3A = tpu.iota {dimensions = array<i32: 0>} : vector<128x1xi32>
      %add3A_826 = vector.broadcast %mul3A_825 : i32 to vector<128x1xi32>
      %add3A_827 = arith.addi %add3A_826, %iota3A : vector<128x1xi32>
      %ge3A = vector.broadcast %get3A_699 : i32 to vector<128x1xi32>
      %ge3A_828 = arith.cmpi sge, %add3A_827, %ge3A : vector<128x1xi32>
      %lt3A = vector.broadcast %get3A_701 : i32 to vector<128x1xi32>
      %lt3A_829 = arith.cmpi slt, %add3A_827, %lt3A : vector<128x1xi32>
      %and3A_830 = arith.andi %ge3A_828, %lt3A_829 : vector<128x1xi1>
      %mul3A_831 = arith.constant 128 : i32
      %mul3A_832 = arith.muli %while3A_798, %mul3A_831 : i32
      %get3A_833 = arith.index_cast %mul3A_832 : i32 to index
      %get3A_834 = arith.constant 0 : index
      %get3A_835 = vector.load %arg6[%get3A_833, %get3A_834] : memref<2048x1024xf32, #tpu.memory_space<vmem>>, vector<128x1024xf32>
      %broadcast_in_dim3A = vector.shape_cast %and3A_830 : vector<128x1xi1> to vector<128x1xi1>
      %broadcast_in_dim3A_836 = vector.broadcast %broadcast_in_dim3A : vector<128x1xi1> to vector<128x1024xi1>
      %select_n3A_837 = arith.select %broadcast_in_dim3A_836, %mul3A_823, %get3A_835 : vector<128x1024xi1>, vector<128x1024xf32>
      %mul3A_838 = arith.constant 128 : i32
      %mul3A_839 = arith.muli %while3A_798, %mul3A_838 : i32
      %swap3A = arith.index_cast %mul3A_839 : i32 to index
      %swap3A_840 = arith.constant 0 : index
      %swap3A_841 = vector.load %arg6[%swap3A, %swap3A_840] : memref<2048x1024xf32, #tpu.memory_space<vmem>>, vector<128x1024xf32>
      tpu.vector_store %arg6[%swap3A, %swap3A_840], %select_n3A_837 {strides = array<i32>} : memref<2048x1024xf32, #tpu.memory_space<vmem>>, vector<128x1024xf32>,
      %while3A_842 = arith.constant 0 : i32
      scf.yield %while3A_842 : i32
    }
    %while3A_721 = arith.constant 1 : i32
    %while3A_722 = scf.for %while3A_798 = %while3A_718 to %while3A_714 step %while3A_721 iter_args(%while3A_799 = %while3A_720) -> (i32)  : i32 {
      %mul3A = arith.constant 128 : i32
      %mul3A_800 = arith.muli %while3A_798, %mul3A : i32
      %get3A_801 = arith.index_cast %mul3A_800 : i32 to index
      %get3A_802 = arith.constant 0 : index
      %get3A_803 = vector.load %arg1[%get3A_801, %get3A_802] : memref<2048x640xi32, #tpu.memory_space<vmem>>, vector<128x640xi32>
      %slice3A = vector.extract_strided_slice %get3A_803 {offsets = [0, 0], sizes = [128, 512], strides = [1, 1]} : vector<128x640xi32> to vector<128x512xi32>
      %shift_left3A = arith.constant 16 : i32
      %shift_left3A_804 = vector.broadcast %shift_left3A : i32 to vector<128x512xi32>
      %shift_left3A_805 = arith.shli %slice3A, %shift_left3A_804 : vector<128x512xi32>
      %bitcast_convert_type3A = tpu.bitcast %shift_left3A_805 : vector<128x512xi32> -> vector<128x512xf32>
      %and3A = arith.constant -65536 : i32
      %and3A_806 = vector.broadcast %and3A : i32 to vector<128x512xi32>
      %and3A_807 = arith.andi %slice3A, %and3A_806 : vector<128x512xi32>
      %bitcast_convert_type3A_808 = tpu.bitcast %and3A_807 : vector<128x512xi32> -> vector<128x512xf32>
      %concatenate3A = tpu.concatenate %bitcast_convert_type3A, %bitcast_convert_type3A_808 in 1 : vector<128x512xf32>, vector<128x512xf32> -> vector<128x1024xf32>
      %convert_element_type3A_809 = arith.truncf %concatenate3A : vector<128x1024xf32> to vector<128x1024xbf16>
      %slice3A_810 = vector.extract_strided_slice %get3A_803 {offsets = [0, 512], sizes = [128, 1], strides = [1, 1]} : vector<128x640xi32> to vector<128x1xi32>
      %bitcast_convert_type3A_811 = tpu.bitcast %slice3A_810 : vector<128x1xi32> -> vector<128x1xf32>
      %dot_general3A = arith.constant dense<0.000000e+00> : vector<128x2048xf32>
      %dot_general3A_812 = tpu.matmul %convert_element_type3A_809, %convert_element_type3A_680, %dot_general3A {dimension_numbers = #tpu.dot_dimension_numbers<[1], [0], [0], [1], [0, 0, 1, 1], [], []>, transpose_lhs_hint = false} : vector<128x1024xbf16>, vector<1024x2048xbf16>, vector<128x2048xf32> -> vector<128x2048xf32>
      %add3A_813 = vector.broadcast %get3A_692 : vector<1x2048xf32> to vector<128x2048xf32>
      %add3A_814 = arith.addf %dot_general3A_812, %add3A_813 : vector<128x2048xf32>
      %max3A = arith.constant 0.000000e+00 : f32
      %max3A_815 = vector.broadcast %max3A : f32 to vector<128x2048xf32>
      %max3A_816 = arith.maximumf %add3A_814, %max3A_815 : vector<128x2048xf32>
      %convert_element_type3A_817 = arith.truncf %max3A_816 : vector<128x2048xf32> to vector<128x2048xbf16>
      %dot_general3A_818 = arith.constant dense<0.000000e+00> : vector<128x1024xf32>
      %dot_general3A_819 = tpu.matmul %convert_element_type3A_817, %convert_element_type3A_687, %dot_general3A_818 {dimension_numbers = #tpu.dot_dimension_numbers<[1], [0], [0], [1], [0, 0, 1, 1], [], []>, transpose_lhs_hint = false} : vector<128x2048xbf16>, vector<2048x1024xbf16>, vector<128x1024xf32> -> vector<128x1024xf32>
      %add3A_820 = vector.broadcast %get3A_697 : vector<1x1024xf32> to vector<128x1024xf32>
      %add3A_821 = arith.addf %dot_general3A_819, %add3A_820 : vector<128x1024xf32>
      %mul3A_822 = vector.broadcast %bitcast_convert_type3A_811 : vector<128x1xf32> to vector<128x1024xf32>
      %mul3A_823 = arith.mulf %add3A_821, %mul3A_822 : vector<128x1024xf32>
      %mul3A_824 = arith.constant 128 : i32
      %mul3A_825 = arith.muli %while3A_798, %mul3A_824 : i32
      %iota3A = tpu.iota {dimensions = array<i32: 0>} : vector<128x1xi32>
      %add3A_826 = vector.broadcast %mul3A_825 : i32 to vector<128x1xi32>
      %add3A_827 = arith.addi %add3A_826, %iota3A : vector<128x1xi32>
      %ge3A = vector.broadcast %get3A_699 : i32 to vector<128x1xi32>
      %ge3A_828 = arith.cmpi sge, %add3A_827, %ge3A : vector<128x1xi32>
      %lt3A = vector.broadcast %get3A_701 : i32 to vector<128x1xi32>
      %lt3A_829 = arith.cmpi slt, %add3A_827, %lt3A : vector<128x1xi32>
      %and3A_830 = arith.andi %ge3A_828, %lt3A_829 : vector<128x1xi1>
      %mul3A_831 = arith.constant 128 : i32
      %mul3A_832 = arith.muli %while3A_798, %mul3A_831 : i32
      %get3A_833 = arith.index_cast %mul3A_832 : i32 to index
      %get3A_834 = arith.constant 0 : index
      %get3A_835 = vector.load %arg6[%get3A_833, %get3A_834] : memref<2048x1024xf32, #tpu.memory_space<vmem>>, vector<128x1024xf32>
      %broadcast_in_dim3A = vector.shape_cast %and3A_830 : vector<128x1xi1> to vector<128x1xi1>
      %broadcast_in_dim3A_836 = vector.broadcast %broadcast_in_dim3A : vector<128x1xi1> to vector<128x1024xi1>
      %select_n3A_837 = arith.select %broadcast_in_dim3A_836, %mul3A_823, %get3A_835 : vector<128x1024xi1>, vector<128x1024xf32>
      %mul3A_838 = arith.constant 128 : i32
      %mul3A_839 = arith.muli %while3A_798, %mul3A_838 : i32
      %swap3A = arith.index_cast %mul3A_839 : i32 to index
      %swap3A_840 = arith.constant 0 : index
      %swap3A_841 = vector.load %arg6[%swap3A, %swap3A_840] : memref<2048x1024xf32, #tpu.memory_space<vmem>>, vector<128x1024xf32>
      tpu.vector_store %arg6[%swap3A, %swap3A_840], %select_n3A_837 {strides = array<i32>} : memref<2048x1024xf32, #tpu.memory_space<vmem>>, vector<128x1024xf32>,
      %while3A_842 = arith.constant 0 : i32
      scf.yield %while3A_842 : i32
    }
    %dma_wait3A_723 = arith.constant 1 : i32
    %dma_wait3A_724 = arith.constant 1 : i32
    %dma_wait3A_725 = tpu.memref_slice %arg9[%dma_wait3A_724] : memref<2x!tpu.dma_semaphore, #tpu.memory_space<semaphore_mem>> -> memref<1x!tpu.dma_semaphore, #tpu.memory_space<semaphore_mem>>
    %dma_wait3A_726 = tpu.memref_squeeze %dma_wait3A_725 : memref<1x!tpu.dma_semaphore, #tpu.memory_space<semaphore_mem>> -> memref<!tpu.dma_semaphore, #tpu.memory_space<semaphore_mem>>
    %dma_wait3A_727 = arith.constant 0 : i32
    %dma_wait3A_728 = arith.constant 0 : i32
    %dma_wait3A_729 = arith.constant 0 : i32
    %dma_wait3A_730 = tpu.memref_slice %arg7[%dma_wait3A_723, %dma_wait3A_727, %dma_wait3A_728, %dma_wait3A_729] : memref<2x1x1024x2048xf32, #tpu.memory_space<vmem>> -> memref<1x1x1024x2048xf32, #tpu.memory_space<vmem>>
    %dma_wait3A_731 = tpu.memref_squeeze %dma_wait3A_730 : memref<1x1x1024x2048xf32, #tpu.memory_space<vmem>> -> memref<1x1024x2048xf32, #tpu.memory_space<vmem>>
    %dma_wait3A_732 = arith.constant 7 : i32
    %dma_wait3A_733 = arith.constant 0 : i32
    %dma_wait3A_734 = arith.constant 0 : i32
    %dma_wait3A_735 = tpu.memref_slice %arg4[%dma_wait3A_732, %dma_wait3A_733, %dma_wait3A_734] : memref<8x1024x2048xf32, #tpu.memory_space<any>> -> memref<1x1024x2048xf32, #tpu.memory_space<any>>
    tpu.wait_dma2 semaphore(%dma_wait3A_726 : memref<!tpu.dma_semaphore, #tpu.memory_space<semaphore_mem>>) src(%dma_wait3A_735 : memref<1x1024x2048xf32, #tpu.memory_space<any>>) dst(%dma_wait3A_731 : memref<1x1024x2048xf32, #tpu.memory_space<vmem>>)
    %dma_wait3A_736 = arith.constant 1 : i32
    %dma_wait3A_737 = arith.constant 1 : i32
    %dma_wait3A_738 = tpu.memref_slice %arg10[%dma_wait3A_737] : memref<2x!tpu.dma_semaphore, #tpu.memory_space<semaphore_mem>> -> memref<1x!tpu.dma_semaphore, #tpu.memory_space<semaphore_mem>>
    %dma_wait3A_739 = tpu.memref_squeeze %dma_wait3A_738 : memref<1x!tpu.dma_semaphore, #tpu.memory_space<semaphore_mem>> -> memref<!tpu.dma_semaphore, #tpu.memory_space<semaphore_mem>>
    %dma_wait3A_740 = arith.constant 0 : i32
    %dma_wait3A_741 = arith.constant 0 : i32
    %dma_wait3A_742 = arith.constant 0 : i32
    %dma_wait3A_743 = tpu.memref_slice %arg8[%dma_wait3A_736, %dma_wait3A_740, %dma_wait3A_741, %dma_wait3A_742] : memref<2x1x2048x1024xf32, #tpu.memory_space<vmem>> -> memref<1x1x2048x1024xf32, #tpu.memory_space<vmem>>
    %dma_wait3A_744 = tpu.memref_squeeze %dma_wait3A_743 : memref<1x1x2048x1024xf32, #tpu.memory_space<vmem>> -> memref<1x2048x1024xf32, #tpu.memory_space<vmem>>
    %dma_wait3A_745 = arith.constant 7 : i32
    %dma_wait3A_746 = arith.constant 0 : i32
    %dma_wait3A_747 = arith.constant 0 : i32
    %dma_wait3A_748 = tpu.memref_slice %arg5[%dma_wait3A_745, %dma_wait3A_746, %dma_wait3A_747] : memref<8x2048x1024xf32, #tpu.memory_space<any>> -> memref<1x2048x1024xf32, #tpu.memory_space<any>>
    tpu.wait_dma2 semaphore(%dma_wait3A_739 : memref<!tpu.dma_semaphore, #tpu.memory_space<semaphore_mem>>) src(%dma_wait3A_748 : memref<1x2048x1024xf32, #tpu.memory_space<any>>) dst(%dma_wait3A_744 : memref<1x2048x1024xf32, #tpu.memory_space<vmem>>)
    %get3A_749 = arith.constant 1 : index
    %get3A_750 = arith.constant 0 : index
    %get3A_751 = arith.constant 0 : index
    %get3A_752 = arith.constant 0 : index
    %get3A_753 = vector.load %arg7[%get3A_749, %get3A_750, %get3A_751, %get3A_752] : memref<2x1x1024x2048xf32, #tpu.memory_space<vmem>>, vector<1x1x1024x2048xf32>
    %get3A_754 = vector.shape_cast %get3A_753 : vector<1x1x1024x2048xf32> to vector<1024x2048xf32>
    %convert_element_type3A_755 = arith.truncf %get3A_754 : vector<1024x2048xf32> to vector<1024x2048xbf16>
    %get3A_756 = arith.constant 1 : index
    %get3A_757 = arith.constant 0 : index
    %get3A_758 = arith.constant 0 : index
    %get3A_759 = arith.constant 0 : index
    %get3A_760 = vector.load %arg8[%get3A_756, %get3A_757, %get3A_758, %get3A_759] : memref<2x1x2048x1024xf32, #tpu.memory_space<vmem>>, vector<1x1x2048x1024xf32>
    %get3A_761 = vector.shape_cast %get3A_760 : vector<1x1x2048x1024xf32> to vector<2048x1024xf32>
    %convert_element_type3A_762 = arith.truncf %get3A_761 : vector<2048x1024xf32> to vector<2048x1024xbf16>
    %get3A_763 = arith.constant 7 : index
    %get3A_764 = arith.constant 0 : index
    %get3A_765 = arith.constant 0 : index
    %get3A_766 = vector.load %arg2[%get3A_763, %get3A_764, %get3A_765] : memref<8x1x2048xf32, #tpu.memory_space<vmem>>, vector<1x1x2048xf32>
    %get3A_767 = vector.shape_cast %get3A_766 : vector<1x1x2048xf32> to vector<1x2048xf32>
    %get3A_768 = arith.constant 7 : index
    %get3A_769 = arith.constant 0 : index
    %get3A_770 = arith.constant 0 : index
    %get3A_771 = vector.load %arg3[%get3A_768, %get3A_769, %get3A_770] : memref<8x1x1024xf32, #tpu.memory_space<vmem>>, vector<1x1x1024xf32>
    %get3A_772 = vector.shape_cast %get3A_771 : vector<1x1x1024xf32> to vector<1x1024xf32>
    %get3A_773 = arith.constant 263 : index
    %get3A_774 = memref.load %arg0[%get3A_773] : memref<1024xi32, #tpu.memory_space<smem>>
    %get3A_775 = arith.constant 391 : index
    %get3A_776 = memref.load %arg0[%get3A_775] : memref<1024xi32, #tpu.memory_space<smem>>
    %div3A_777 = arith.constant 128 : i32
    %div3A_778 = arith.divsi %get3A_774, %div3A_777 : i32
    %gt3A_779 = arith.cmpi sgt, %get3A_776, %get3A_774 : i32
    %sub3A_780 = arith.constant 1 : i32
    %sub3A_781 = arith.subi %get3A_776, %sub3A_780 : i32
    %div3A_782 = arith.constant 128 : i32
    %div3A_783 = arith.divsi %sub3A_781, %div3A_782 : i32
    %add3A_784 = arith.constant 1 : i32
    %add3A_785 = arith.addi %div3A_783, %add3A_784 : i32
    %select_n3A_786 = arith.select %gt3A_779, %add3A_785, %div3A_778 : i32
    %while3A_787 = arith.constant 0 : i32
    %while3A_788 = arith.subi %select_n3A_786, %div3A_778 : i32
    %while3A_789 = arith.addi %div3A_778, %while3A_788 : i32
    %while3A_790 = arith.constant 1 : i32
    %while3A_791 = arith.divsi %while3A_788, %while3A_790 : i32
    %while3A_792 = arith.muli %while3A_791, %while3A_790 : i32
    %while3A_793 = arith.addi %div3A_778, %while3A_792 : i32
    %while3A_794 = arith.constant 1 : i32
    %while3A_795 = scf.for %while3A_798 = %div3A_778 to %while3A_793 step %while3A_794 iter_args(%while3A_799 = %while3A_787) -> (i32)  : i32 {
      %mul3A = arith.constant 128 : i32
      %mul3A_800 = arith.muli %while3A_798, %mul3A : i32
      %get3A_801 = arith.index_cast %mul3A_800 : i32 to index
      %get3A_802 = arith.constant 0 : index
      %get3A_803 = vector.load %arg1[%get3A_801, %get3A_802] : memref<2048x640xi32, #tpu.memory_space<vmem>>, vector<128x640xi32>
      %slice3A = vector.extract_strided_slice %get3A_803 {offsets = [0, 0], sizes = [128, 512], strides = [1, 1]} : vector<128x640xi32> to vector<128x512xi32>
      %shift_left3A = arith.constant 16 : i32
      %shift_left3A_804 = vector.broadcast %shift_left3A : i32 to vector<128x512xi32>
      %shift_left3A_805 = arith.shli %slice3A, %shift_left3A_804 : vector<128x512xi32>
      %bitcast_convert_type3A = tpu.bitcast %shift_left3A_805 : vector<128x512xi32> -> vector<128x512xf32>
      %and3A = arith.constant -65536 : i32
      %and3A_806 = vector.broadcast %and3A : i32 to vector<128x512xi32>
      %and3A_807 = arith.andi %slice3A, %and3A_806 : vector<128x512xi32>
      %bitcast_convert_type3A_808 = tpu.bitcast %and3A_807 : vector<128x512xi32> -> vector<128x512xf32>
      %concatenate3A = tpu.concatenate %bitcast_convert_type3A, %bitcast_convert_type3A_808 in 1 : vector<128x512xf32>, vector<128x512xf32> -> vector<128x1024xf32>
      %convert_element_type3A_809 = arith.truncf %concatenate3A : vector<128x1024xf32> to vector<128x1024xbf16>
      %slice3A_810 = vector.extract_strided_slice %get3A_803 {offsets = [0, 512], sizes = [128, 1], strides = [1, 1]} : vector<128x640xi32> to vector<128x1xi32>
      %bitcast_convert_type3A_811 = tpu.bitcast %slice3A_810 : vector<128x1xi32> -> vector<128x1xf32>
      %dot_general3A = arith.constant dense<0.000000e+00> : vector<128x2048xf32>
      %dot_general3A_812 = tpu.matmul %convert_element_type3A_809, %convert_element_type3A_755, %dot_general3A {dimension_numbers = #tpu.dot_dimension_numbers<[1], [0], [0], [1], [0, 0, 1, 1], [], []>, transpose_lhs_hint = false} : vector<128x1024xbf16>, vector<1024x2048xbf16>, vector<128x2048xf32> -> vector<128x2048xf32>
      %add3A_813 = vector.broadcast %get3A_767 : vector<1x2048xf32> to vector<128x2048xf32>
      %add3A_814 = arith.addf %dot_general3A_812, %add3A_813 : vector<128x2048xf32>
      %max3A = arith.constant 0.000000e+00 : f32
      %max3A_815 = vector.broadcast %max3A : f32 to vector<128x2048xf32>
      %max3A_816 = arith.maximumf %add3A_814, %max3A_815 : vector<128x2048xf32>
      %convert_element_type3A_817 = arith.truncf %max3A_816 : vector<128x2048xf32> to vector<128x2048xbf16>
      %dot_general3A_818 = arith.constant dense<0.000000e+00> : vector<128x1024xf32>
      %dot_general3A_819 = tpu.matmul %convert_element_type3A_817, %convert_element_type3A_762, %dot_general3A_818 {dimension_numbers = #tpu.dot_dimension_numbers<[1], [0], [0], [1], [0, 0, 1, 1], [], []>, transpose_lhs_hint = false} : vector<128x2048xbf16>, vector<2048x1024xbf16>, vector<128x1024xf32> -> vector<128x1024xf32>
      %add3A_820 = vector.broadcast %get3A_772 : vector<1x1024xf32> to vector<128x1024xf32>
      %add3A_821 = arith.addf %dot_general3A_819, %add3A_820 : vector<128x1024xf32>
      %mul3A_822 = vector.broadcast %bitcast_convert_type3A_811 : vector<128x1xf32> to vector<128x1024xf32>
      %mul3A_823 = arith.mulf %add3A_821, %mul3A_822 : vector<128x1024xf32>
      %mul3A_824 = arith.constant 128 : i32
      %mul3A_825 = arith.muli %while3A_798, %mul3A_824 : i32
      %iota3A = tpu.iota {dimensions = array<i32: 0>} : vector<128x1xi32>
      %add3A_826 = vector.broadcast %mul3A_825 : i32 to vector<128x1xi32>
      %add3A_827 = arith.addi %add3A_826, %iota3A : vector<128x1xi32>
      %ge3A = vector.broadcast %get3A_774 : i32 to vector<128x1xi32>
      %ge3A_828 = arith.cmpi sge, %add3A_827, %ge3A : vector<128x1xi32>
      %lt3A = vector.broadcast %get3A_776 : i32 to vector<128x1xi32>
      %lt3A_829 = arith.cmpi slt, %add3A_827, %lt3A : vector<128x1xi32>
      %and3A_830 = arith.andi %ge3A_828, %lt3A_829 : vector<128x1xi1>
      %mul3A_831 = arith.constant 128 : i32
      %mul3A_832 = arith.muli %while3A_798, %mul3A_831 : i32
      %get3A_833 = arith.index_cast %mul3A_832 : i32 to index
      %get3A_834 = arith.constant 0 : index
      %get3A_835 = vector.load %arg6[%get3A_833, %get3A_834] : memref<2048x1024xf32, #tpu.memory_space<vmem>>, vector<128x1024xf32>
      %broadcast_in_dim3A = vector.shape_cast %and3A_830 : vector<128x1xi1> to vector<128x1xi1>
      %broadcast_in_dim3A_836 = vector.broadcast %broadcast_in_dim3A : vector<128x1xi1> to vector<128x1024xi1>
      %select_n3A_837 = arith.select %broadcast_in_dim3A_836, %mul3A_823, %get3A_835 : vector<128x1024xi1>, vector<128x1024xf32>
      %mul3A_838 = arith.constant 128 : i32
      %mul3A_839 = arith.muli %while3A_798, %mul3A_838 : i32
      %swap3A = arith.index_cast %mul3A_839 : i32 to index
      %swap3A_840 = arith.constant 0 : index
      %swap3A_841 = vector.load %arg6[%swap3A, %swap3A_840] : memref<2048x1024xf32, #tpu.memory_space<vmem>>, vector<128x1024xf32>
      tpu.vector_store %arg6[%swap3A, %swap3A_840], %select_n3A_837 {strides = array<i32>} : memref<2048x1024xf32, #tpu.memory_space<vmem>>, vector<128x1024xf32>,
      %while3A_842 = arith.constant 0 : i32
      scf.yield %while3A_842 : i32
    }
    %while3A_796 = arith.constant 1 : i32
    %while3A_797 = scf.for %while3A_798 = %while3A_793 to %while3A_789 step %while3A_796 iter_args(%while3A_799 = %while3A_795) -> (i32)  : i32 {
      %mul3A = arith.constant 128 : i32
      %mul3A_800 = arith.muli %while3A_798, %mul3A : i32
      %get3A_801 = arith.index_cast %mul3A_800 : i32 to index
      %get3A_802 = arith.constant 0 : index
      %get3A_803 = vector.load %arg1[%get3A_801, %get3A_802] : memref<2048x640xi32, #tpu.memory_space<vmem>>, vector<128x640xi32>
      %slice3A = vector.extract_strided_slice %get3A_803 {offsets = [0, 0], sizes = [128, 512], strides = [1, 1]} : vector<128x640xi32> to vector<128x512xi32>
      %shift_left3A = arith.constant 16 : i32
      %shift_left3A_804 = vector.broadcast %shift_left3A : i32 to vector<128x512xi32>
      %shift_left3A_805 = arith.shli %slice3A, %shift_left3A_804 : vector<128x512xi32>
      %bitcast_convert_type3A = tpu.bitcast %shift_left3A_805 : vector<128x512xi32> -> vector<128x512xf32>
      %and3A = arith.constant -65536 : i32
      %and3A_806 = vector.broadcast %and3A : i32 to vector<128x512xi32>
      %and3A_807 = arith.andi %slice3A, %and3A_806 : vector<128x512xi32>
      %bitcast_convert_type3A_808 = tpu.bitcast %and3A_807 : vector<128x512xi32> -> vector<128x512xf32>
      %concatenate3A = tpu.concatenate %bitcast_convert_type3A, %bitcast_convert_type3A_808 in 1 : vector<128x512xf32>, vector<128x512xf32> -> vector<128x1024xf32>
      %convert_element_type3A_809 = arith.truncf %concatenate3A : vector<128x1024xf32> to vector<128x1024xbf16>
      %slice3A_810 = vector.extract_strided_slice %get3A_803 {offsets = [0, 512], sizes = [128, 1], strides = [1, 1]} : vector<128x640xi32> to vector<128x1xi32>
      %bitcast_convert_type3A_811 = tpu.bitcast %slice3A_810 : vector<128x1xi32> -> vector<128x1xf32>
      %dot_general3A = arith.constant dense<0.000000e+00> : vector<128x2048xf32>
      %dot_general3A_812 = tpu.matmul %convert_element_type3A_809, %convert_element_type3A_755, %dot_general3A {dimension_numbers = #tpu.dot_dimension_numbers<[1], [0], [0], [1], [0, 0, 1, 1], [], []>, transpose_lhs_hint = false} : vector<128x1024xbf16>, vector<1024x2048xbf16>, vector<128x2048xf32> -> vector<128x2048xf32>
      %add3A_813 = vector.broadcast %get3A_767 : vector<1x2048xf32> to vector<128x2048xf32>
      %add3A_814 = arith.addf %dot_general3A_812, %add3A_813 : vector<128x2048xf32>
      %max3A = arith.constant 0.000000e+00 : f32
      %max3A_815 = vector.broadcast %max3A : f32 to vector<128x2048xf32>
      %max3A_816 = arith.maximumf %add3A_814, %max3A_815 : vector<128x2048xf32>
      %convert_element_type3A_817 = arith.truncf %max3A_816 : vector<128x2048xf32> to vector<128x2048xbf16>
      %dot_general3A_818 = arith.constant dense<0.000000e+00> : vector<128x1024xf32>
      %dot_general3A_819 = tpu.matmul %convert_element_type3A_817, %convert_element_type3A_762, %dot_general3A_818 {dimension_numbers = #tpu.dot_dimension_numbers<[1], [0], [0], [1], [0, 0, 1, 1], [], []>, transpose_lhs_hint = false} : vector<128x2048xbf16>, vector<2048x1024xbf16>, vector<128x1024xf32> -> vector<128x1024xf32>
      %add3A_820 = vector.broadcast %get3A_772 : vector<1x1024xf32> to vector<128x1024xf32>
      %add3A_821 = arith.addf %dot_general3A_819, %add3A_820 : vector<128x1024xf32>
      %mul3A_822 = vector.broadcast %bitcast_convert_type3A_811 : vector<128x1xf32> to vector<128x1024xf32>
      %mul3A_823 = arith.mulf %add3A_821, %mul3A_822 : vector<128x1024xf32>
      %mul3A_824 = arith.constant 128 : i32
      %mul3A_825 = arith.muli %while3A_798, %mul3A_824 : i32
      %iota3A = tpu.iota {dimensions = array<i32: 0>} : vector<128x1xi32>
      %add3A_826 = vector.broadcast %mul3A_825 : i32 to vector<128x1xi32>
      %add3A_827 = arith.addi %add3A_826, %iota3A : vector<128x1xi32>
      %ge3A = vector.broadcast %get3A_774 : i32 to vector<128x1xi32>
      %ge3A_828 = arith.cmpi sge, %add3A_827, %ge3A : vector<128x1xi32>
      %lt3A = vector.broadcast %get3A_776 : i32 to vector<128x1xi32>
      %lt3A_829 = arith.cmpi slt, %add3A_827, %lt3A : vector<128x1xi32>
      %and3A_830 = arith.andi %ge3A_828, %lt3A_829 : vector<128x1xi1>
      %mul3A_831 = arith.constant 128 : i32
      %mul3A_832 = arith.muli %while3A_798, %mul3A_831 : i32
      %get3A_833 = arith.index_cast %mul3A_832 : i32 to index
      %get3A_834 = arith.constant 0 : index
      %get3A_835 = vector.load %arg6[%get3A_833, %get3A_834] : memref<2048x1024xf32, #tpu.memory_space<vmem>>, vector<128x1024xf32>
      %broadcast_in_dim3A = vector.shape_cast %and3A_830 : vector<128x1xi1> to vector<128x1xi1>
      %broadcast_in_dim3A_836 = vector.broadcast %broadcast_in_dim3A : vector<128x1xi1> to vector<128x1024xi1>
      %select_n3A_837 = arith.select %broadcast_in_dim3A_836, %mul3A_823, %get3A_835 : vector<128x1024xi1>, vector<128x1024xf32>
      %mul3A_838 = arith.constant 128 : i32
      %mul3A_839 = arith.muli %while3A_798, %mul3A_838 : i32
      %swap3A = arith.index_cast %mul3A_839 : i32 to index
      %swap3A_840 = arith.constant 0 : index
      %swap3A_841 = vector.load %arg6[%swap3A, %swap3A_840] : memref<2048x1024xf32, #tpu.memory_space<vmem>>, vector<128x1024xf32>
      tpu.vector_store %arg6[%swap3A, %swap3A_840], %select_n3A_837 {strides = array<i32>} : memref<2048x1024xf32, #tpu.memory_space<vmem>>, vector<128x1024xf32>,
      %while3A_842 = arith.constant 0 : i32
      scf.yield %while3A_842 : i32
    }
    return
  }
}

</mosaic_0001>

<sc_bundles>
// kernel: kernel.6.cloned.1.call-start
scs
__scs_entry_jumppad:
0x0: {  	(pc) =	sbr.rel $0x88, $3  }
0x1: {  	(tag) =	ssettag $0x0;
	lr =	simm.s32 $0x1  }
0x2: {  	[smem:$0x3F98] =	sst lr;
	_ =	strace $0xD0000000  }
0x3: {  	_ = 	snop  }
0x4: {  	_ = 	snop  }
0x5: {  	_ = 	snop  }
0x6: {  	_ = 	snop  }
0x7: {  	_ = 	snop  }
__scs_overlays_trampoline_lowered:
0x8: {  	[smem:$0x3FA7] =	sst s0  }
0x9: {  	[smem:$0x3FA8] =	sst s1  }
0xa: {  	[smem:$0x3FA9] =	sst s2  }
0xb: {  	[smem:$0x3FAA] =	sst s3  }
0xc: {  	[smem:$0x3FAB] =	sst s4  }
0xd: {  	[smem:$0x3FAC] =	sst s5  }
0xe: {  	[smem:$0x3FAD] =	sst s6  }
0xf: {  	[smem:$0x3FAE] =	sst s7  }
0x10: {  	[smem:$0x3FAF] =	sst s8  }
0x11: {  	[smem:$0x3FB0] =	sst s9;
	s0 =	simm.s32 @!p0 $0x0  }
0x12: {  	s1 =	sld [smem:$0x3F96];
	s0 =	simm.s32 @p0 $0x1  }
0x13: {  	[smem:$0x3FB1] =	sst s0;
	s0 =	simm.s32 @!p1 $0x0  }
0x14: {  	s2 =	sld [smem:$0x3F95];
	s0 =	simm.s32 @p1 $0x1  }
0x15: {  	[smem:$0x3FB2] =	sst s0;
	s0 =	simm.s32 @!p2 $0x0  }
0x16: {  	s3 =	sld [smem:$0x3FDB];
	s0 =	simm.s32 @p2 $0x1  }
0x17: {  	s4 =	simm.s32 $0x1BF5;
	[smem:$0x3FB4] =	sst s0  }
0x18: {  	s0 =	sld [smem:$0x3F97];
	_ =	swait.ge [sflag:s4], $0x0  }
0x19: {  	s7 =	sld [smem:$0x3F98]  }
0x1a: {  	s8 =	sadd.s32 $0xFFFFE003, lr  }
0x1b: {  	s9 =	sadd.s32 $0xFFFFFEF7, lr;
	s5 =	simm.s32 $0xFFFFFFFF;
	p2 =	slt.u32 s8, $0xFFFFF086  }
0x1c: {  	p1 =	slt.u32 s9, $0xF7A;
	s5 =	simm.s32 @!p2 $0x0  }
0x1d: {  	s5 =	simm.s32 @p1 $0x1;
	p0 =	seq.s32 s7, s2  }
0x1e: {  	s7 =	smul.u32 @!p0 $0xF7A, s2;
	p2 =	seq.s32 @!p0 s5, $0x0  }
0x1f: {  	s9 =	smul.u32 $0xF7A, s1;
	s8 =	simm.s32 @!p0 $0x1BF5;
	p2 =	por !p2, p0  }
0x20: {  	[sflag:s8] =	ssyncset.s32 @!p0 $0xFFFFF086;
	s6 =	sadd.s32 @!p0 s3, s7;
	s7 =	simm.s32 @!p0 $0x108  }
0x21: {  	s3 =	sadd.s32 s3, s9;
	s6 =	sadd.s32 @!p0 $0x88, s6;
	s7 =	simm.s32 @p2 $0x1082  }
0x22: {  	[simem:s7], [sflag:s8] =	dma.local @!p0 [hbm:s6], $0xF7A  }
0x23: {  	s9 =	sor.u32 $0xD0000000, s2;
	s6 =	simm.s32 $0x108;
	_ =	swait.ge @!p0 [sflag:s8], $0x0  }
0x24: {  	s3 =	sadd.s32 $0x88, s3;
	s6 =	simm.s32 @!p1 $0x1082;
	[sflag:s4] =	ssyncset.s32 $0xFFFFF086  }
0x25: {  	[simem:s6], [sflag:s4] =	dma.local [hbm:s3], $0xF7A  }
0x26: {  	[smem:$0x3F98] =	sst s1;
	(tag) =	ssettag s2;
	_ =	strace s9  }
0x27: {  	s1 =	sld [smem:$0x3FA8]  }
0x28: {  	s2 =	sld [smem:$0x3FA9]  }
0x29: {  	s4 =	sld [smem:$0x3FAB]  }
0x2a: {  	p0 =	seq.s32 s5, $0x0;
	s5 =	sld [smem:$0x3FAC]  }
0x2b: {  	s6 =	sld [smem:$0x3FAD]  }
0x2c: {  	s7 =	sld [smem:$0x3FAE]  }
0x2d: {  	s3 =	simm.s32 $0x108;
	s8 =	sld [smem:$0x3FAF]  }
0x2e: {  	s3 =	simm.s32 @!p0 $0x1082;
	s9 =	sld [smem:$0x3FB0]  }
0x2f: {  	lr =	sadd.s32 s0, s3;
	s0 =	sld [smem:$0x3FA7]  }
0x30: {  	s3 =	sld [smem:$0x3FAA]  }
0x31: {  	[smem:$0x3FB3] =	sst s10  }
0x32: {  	s10 =	sld [smem:$0x3FB1];
	_ =	sdelay $0x3  }
0x33: {  	p0 =	seq.s32 s10, $0x1;
	s10 =	sld [smem:$0x3FB3];
	_ =	sdelay $0x3  }
0x34: {  	[smem:$0x3FB3] =	sst s10  }
0x35: {  	s10 =	sld [smem:$0x3FB2];
	_ =	sdelay $0x3  }
0x36: {  	p1 =	seq.s32 s10, $0x1;
	s10 =	sld [smem:$0x3FB3];
	_ =	sdelay $0x3  }
0x37: {  	[smem:$0x3FB3] =	sst s10  }
0x38: {  	s10 =	sld [smem:$0x3FB4]  }
0x39: {  	_ = 	snop;
	(pc) =	sbr.ind lr, $3  }
0x3a: {  	_ = 	snop  }
0x3b: {  	_ = 	snop  }
0x3c: {  	p2 =	seq.s32 s10, $0x1;
	s10 =	sld [smem:$0x3FB3]  }
0x3d: {  	_ =	shalt  }
0x3e: {  	_ =	shalt  }
0x3f: {  	_ =	shalt  }
0x40: {  	_ =	shalt  }
0x41: {  	_ =	shalt  }
0x42: {  	_ =	shalt  }
0x43: {  	_ =	shalt  }
0x44: {  	_ =	shalt  }
0x45: {  	_ =	shalt  }
0x46: {  	_ =	shalt  }
0x47: {  	_ =	shalt  }
0x48: {  	_ =	shalt  }
0x49: {  	_ =	shalt  }
0x4a: {  	_ =	shalt  }
0x4b: {  	_ =	shalt  }
0x4c: {  	_ =	shalt  }
0x4d: {  	_ =	shalt  }
0x4e: {  	_ =	shalt  }
0x4f: {  	_ =	shalt  }
0x50: {  	_ =	shalt  }
0x51: {  	_ =	shalt  }
0x52: {  	_ =	shalt  }
0x53: {  	_ =	shalt  }
0x54: {  	_ =	shalt  }
0x55: {  	_ =	shalt  }
0x56: {  	_ =	shalt  }
0x57: {  	_ =	shalt  }
0x58: {  	_ =	shalt  }
0x59: {  	_ =	shalt  }
0x5a: {  	_ =	shalt  }
0x5b: {  	_ =	shalt  }
0x5c: {  	_ =	shalt  }
0x5d: {  	_ =	shalt  }
0x5e: {  	_ =	shalt  }
0x5f: {  	_ =	shalt  }
0x60: {  	_ =	shalt  }
0x61: {  	_ =	shalt  }
0x62: {  	_ =	shalt  }
0x63: {  	_ =	shalt  }
0x64: {  	_ =	shalt  }
0x65: {  	_ =	shalt  }
0x66: {  	_ =	shalt  }
0x67: {  	_ =	shalt  }
0x68: {  	_ =	shalt  }
0x69: {  	_ =	shalt  }
0x6a: {  	_ =	shalt  }
0x6b: {  	_ =	shalt  }
0x6c: {  	_ =	shalt  }
0x6d: {  	_ =	shalt  }
0x6e: {  	_ =	shalt  }
0x6f: {  	_ =	shalt  }
0x70: {  	_ =	shalt  }
0x71: {  	_ =	shalt  }
0x72: {  	_ =	shalt  }
0x73: {  	_ =	shalt  }
0x74: {  	_ =	shalt  }
0x75: {  	_ =	shalt  }
0x76: {  	_ =	shalt  }
0x77: {  	_ =	shalt  }
0x78: {  	_ =	shalt  }
0x79: {  	_ =	shalt  }
0x7a: {  	_ =	shalt  }
0x7b: {  	_ =	shalt  }
0x7c: {  	_ =	shalt  }
0x7d: {  	_ =	shalt  }
0x7e: {  	_ =	shalt  }
0x7f: {  	_ =	shalt  }
0x80: {  	_ =	shalt  }
0x81: {  	_ =	shalt  }
0x82: {  	_ =	shalt  }
0x83: {  	_ =	shalt  }
0x84: {  	_ =	shalt  }
0x85: {  	_ =	shalt  }
0x86: {  	_ =	shalt  }
0x87: {  	_ =	shalt  }
.Lfunc_end0:
.L_simem_size_0:
called_computation_lowered:
.L_overlay_start_0:
0x88: {  	s2 =	sld [smem:$0x3FD9]  }
0x89: {  	s3 =	sld [smem:$0x3FFE];
	_ =	sdelay $0x1  }
0x8a: {  	s1 =	srdreg.scid  }
0x8b: {  	s0 =	sand.u32 $0x1, s1  }
0x8c: {  	s17 =	sshll.u32 s0, $0xA;
	s2 =	sadd.s32 s3, s2  }
0x8d: {  	s2 =	sadd.s32 s2, s17  }
0x8e: {  	[smem:$0x3FBF] =	sst s2  }
0x8f: {  	_ = 	snop  }
0x90: {  	s2 =	sld [smem:$0x3FD0];
	(tm) =	ssettm $0x1  }
0x91: {  	s18 =	sld [smem:$0x3FFB];
	_ =	sdelay $0x3  }
0x92: {  	_ =	strace s18  }
0x93: {  	s3 =	sld [smem:$0x3FFC];
	_ =	sdelay $0x3  }
0x94: {  	_ =	strace s3  }
0x95: {  	s3 =	sld [smem:$0x3FFD];
	_ =	sdelay $0x3  }
0x96: {  	_ =	strace s3  }
0x97: {  	_ =	strace $0x8FFFFFFF  }
0x98: {  	s19 =	sld [smem:$0x3FDB];
	_ =	sdelay $0x1  }
0x99: {  	s4 =	simm.s32 $_scs_section_size  }
0x9a: {  	s5 =	simm.s32 $_size__tile_overlayer_lowered;
	s6 =	simm.s32 $_tile_overlayer_lowered  }
0x9b: {  	s22 =	simm.s32 $0x1BFF;
	s21 =	sshll.u32 s6, $0x1;
	s3 =	sadd.s32 s4, s19  }
0x9c: {  	s7 =	simm.s32 $0x0;
	s20 =	sshll.u32 s5, $0x1;
	s5 =	sadd.s32 s21, s3  }
0x9d: {  	[timem:s7], [sflag:s22] =	dma.local [hbm:s5], s20  }
0x9e: {  	_ =	swait.ge [sflag:s22], s20  }
0x9f: {  	s4 =	ssub.s32 $0x0, s20;
	[sflag:s22] =	ssyncset.done $0x0  }
0xa0: {  	[sflag:s22] =	ssyncadd.s32 s4;
	_ =	sdelay $0x1  }
0xa1: {  	s23 =	simm.s32 $0x1B8B  }
0xa2: {  	_ =	swait.ge [sflag:s23], $0x1  }
0xa3: {  	[sflag:s23] =	ssyncset.done $0x0  }
0xa4: {  	s25 =	simm.s32 $0x1B8E;
	s24 =	sld [smem:$0x3FFE];
	[sflag:s23] =	ssyncadd.s32 $0xFFFFFFFF  }
0xa5: {  	s26 =	simm.s32 $execute0_lowered;
	[smem:$0x3FD2] =	sst s25  }
0xa6: {  	s5 =	sshll.u32 s26, $0x1;
	_ =	strace $0x80000046;
	[dreg:$0x1] =	wrdreg $0xFFFFFFFF  }
0xa7: {  	s28 =	simm.s32 $_size_execute0_lowered;
	s3 =	sadd.s32 s3, s5;
	[dreg:$0x0] =	wrdreg $0x0  }
0xa8: {  	s5 =	sshll.u32 s28, $0x1;
	[dreg:$0x2] =	wrdreg s3  }
0xa9: {  	[dreg:$0x3] =	wrdreg s5  }
0xaa: {  	[dreg:$0x4] =	wrdreg $0xC0  }
0xab: {  	_ =	task [dreg:s7], $0x5FFFF  }
0xac: {  	[dreg:$0x1] =	wrdreg $0xFFFFFFFF  }
0xad: {  	[dreg:$0x0] =	wrdreg $0x60  }
0xae: {  	[dreg:$0x2] =	wrdreg s24  }
0xaf: {  	[dreg:$0x3] =	wrdreg s2  }
0xb0: {  	[dreg:$0x4] =	wrdreg $0x9  }
0xb1: {  	_ =	task.clear_ibuf [dreg:s7], $0x5FFFF;
	_ =	strace $0x90000046  }
0xb2: {  	s29 =	simm.s32 $0x9;
	_ =	strace $0x80000048  }
0xb3: {  	_ =	swait.ge [sflag:s29], $0x1  }
0xb4: {  	[sflag:s29] =	ssyncadd.s32 $0xFFFFFFFF  }
0xb5: {  	_ =	strace $0x90000048  }
0xb6: {  	_ =	sfence  }
0xb7: {  	s30 =	sld [smem:$0x0];
	_ =	sdelay $0x2  }
0xb8: {  	s31 =	sshll.u32 s1, $0xD;
	s1 =	sshrl.u32 s1, $0x2  }
0xb9: {  	s3 =	sand.u32 $0x4000, s31;
	s1 =	sadd.s32 s1, s30  }
0xba: {  	s0 =	sor.u32 s3, s0;
	s1 =	sshll.u32 s1, $0x11  }
0xbb: {  	s0 =	sor.u32 s1, s0  }
0xbc: {  	s0 =	sadd.s32 $0x8F2B, s0  }
0xbd: {  	[sflag:s0] =	ssyncadd.remote.s32 $0x1  }
0xbe: {  	_ =	sfence.sel $0xFFFF  }
0xbf: {  	[dreg:$0x0] =	wrdreg $0xFFFFFFFF;
	(pc) =	sbr.abs _section_cstart, $3  }
0xc0: {  	[dreg:$0x1] =	wrdreg $0xFFFFFFFF  }
0xc1: {  	_ =	task.clear_ibuf [dreg:s7], $0x2FFFF;
	_ =	strace $0x9FFFFFFF  }
0xc2: {  	(tm) =	ssettm $0x7FFFFFFF  }
0xc3: {  	_ =	shalt  }
tec
execute0_lowered:
.L_overlay_start_1:
0x0: {  	(tag) =	ssettag $0x1  }
0x1: {  	s1 =	srdreg.scid  }
0x2: {  	s5 =	rddreg [dreg:$0x0];
	s0 =	stileid.u32  }
0x3: {  	s3 =	rddreg [dreg:$0x1];
	s2 =	simm.s32 $0x0;
	s8 =	simm.s32 $0x80  }
0x4: {  	s26 =	simm.s32 $0x880;
	s9 =	simm.s32 $0x1080;
	s10 =	simm.s32 $0x1480  }
0x5: {  	s11 =	simm.s32 $0x1C80;
	s12 =	simm.s32 $0x2480;
	s13 =	simm.s32 $0x2880  }
0x6: {  	s14 =	simm.s32 $0x3080;
	s15 =	simm.s32 $0x3880;
	s16 =	simm.s32 $0x3C80  }
0x7: {  	s17 =	simm.s32 $0x4480;
	s18 =	simm.s32 $0x4C80;
	s19 =	simm.s32 $0x5080  }
0x8: {  	s20 =	simm.s32 $0x5880;
	s21 =	simm.s32 $0x6080;
	s22 =	simm.s32 $0x6480  }
0x9: {  	s23 =	simm.s32 $0x6C80;
	s24 =	simm.s32 $0x7480;
	s25 =	simm.s32 $0x7880  }
0xa: {  	s28 =	simm.s32 $0x8880;
	s29 =	simm.s32 $0x8C80;
	s30 =	simm.s32 $0x9480  }
0xb: {  	s31 =	simm.s32 $0x9C80;
	s1 =	sand.u32 $0x1, s1;
	[smem:$0x7FF] =	sst s2  }
0xc: {  	s4 =	sshll.u32 s0, $0x4;
	s6 =	sshll.u32 s1, $0x3;
	_ =	strace $0x80000047  }
0xd: {  	s1 =	ssub.s32 $0x2, s1;
	[dreg:$0x5] =	wrdreg s26;
	s4 =	sor.u32 s6, s4  }
0xe: {  	s7 =	sshrl.u32 s1, $0x1;
	s6 =	sadd.s32 s4, s5;
	s4 =	smul.u32 $0x280, s4  }
0xf: {  	s26 =	simm.s32 $0x8080;
	s1 =	ssub.s32 s1, s7;
	s6 =	sadd.s32 $0x1C00, s6  }
0x10: {  	v2 =	vlaneseq.u32;
	s7 =	simm.s32 $0x2;
	[dreg:$0x3] =	wrdreg s6;
	s4 =	sadd.s32 s3, s4  }
0x11: {  	vm0 =	vmmov $0xffff;
	vm1 =	vmmov $0xff;
	v1 =	vshrl.u32 v2, $0x3;
	s3 =	sadd.s32 $0x2000, s5;
	s6 =	smax.u32 s1, $0x1;
	s1 =	simm.s32 $0x1  }
0x12: {  	v0 =	vand.u32 $0x7, v2;
	v2 =	vor.u32 $0x8, v2;
	v1 =	vmul.u32 $0x8, v1;
	[dreg:$0x4] =	wrdreg s4;
	s4 =	sadd.s32 $0x2100, s5;
	s5 =	sadd.s32 $0x2200, s5  }
.LBB2_1:
0x13: {  	s0 =	rddreg [dreg:$0x3]  }
0x14: {  	[tilespmem:s2], [sflag:$0x2] =	stream.linear.gather [hbm4b:s0+s2], $0x40, $0x38;
	[tilespmem:$0xA080] =	vst v63  }
0x15: {  	_ =	swait.ge [sflag:s7], $0x40  }
0x16: {  	[sflag:s7] =	ssyncset.done $0x0  }
0x17: {  	s0 =	rddreg [dreg:$0x4];
	[sflag:s7] =	ssyncadd.s32 $0xFFFFFFC0  }
0x18: {  	[tilespmem:s8], [sflag:$0x2] =	stream.linear.gather [hbm4b:s0+s2], $0xA000, $0x38;
	[tilespmem:$0xA080] =	vst v63  }
0x19: {  	_ =	swait.ge [sflag:s7], $0xA000  }
0x1a: {  	[sflag:s7] =	ssyncset.done $0x0  }
0x1b: {  	[sflag:s7] =	ssyncadd.s32 $0xFFFF6000  }
0x1c: {  	v3 =	vld [tilespmem:$0x0];
	_ =	sdelay $0x4  }
0x1d: {  	v4 =	vshrl.u32 v3, $0x3  }
0x1e: {  	v4 =	vmul.u32 $0x28, v4  }
0x1f: {  	v3 =	vand.u32 $0x7, v3  }
0x20: {  	v3 =	vor.u32 v3, v4  }
0x21: {  	v4 =	vperm.xlane v3, v0;
	_ =	sdelay $0x1  }
0x22: {  	v4 =	vadd.s32 v1, v4;
	_ =	sdelay $0x3  }
0x23: {  	v3 =	vperm.xlane v3, v2  }
0x24: {  	[hbm4b:s3+s2] =	stream.indirect_vreg.scatter [tilespmem:s8], [sflag:$0x1], $0x80, v4, vm0, $0xb8;
	[tilespmem:$0xA080] =	vst v63  }
0x25: {  	s0 =	rddreg [dreg:$0x5];
	v3 =	vadd.s32 v1, v3  }
0x26: {  	[hbm4b:s4+s2] =	stream.indirect_vreg.scatter [tilespmem:s0], [sflag:$0x1], $0x80, v4, vm0, $0xb8;
	[tilespmem:$0xA080] =	vst v63  }
0x27: {  	_ = 	snop  }
0x28: {  	[hbm4b:s5+s2] =	stream.indirect_vreg.scatter [tilespmem:s9], [sflag:$0x1], $0x80, v4, vm1, $0xb8;
	[tilespmem:$0xA080] =	vst v63  }
0x29: {  	_ = 	snop  }
0x2a: {  	[hbm4b:s3+s2] =	stream.indirect_vreg.scatter [tilespmem:s10], [sflag:$0x1], $0x80, v3, vm0, $0xb8;
	[tilespmem:$0xA080] =	vst v63  }
0x2b: {  	_ = 	snop  }
0x2c: {  	[hbm4b:s4+s2] =	stream.indirect_vreg.scatter [tilespmem:s11], [sflag:$0x1], $0x80, v3, vm0, $0xb8;
	[tilespmem:$0xA080] =	vst v63  }
0x2d: {  	_ = 	snop  }
0x2e: {  	[hbm4b:s5+s2] =	stream.indirect_vreg.scatter [tilespmem:s12], [sflag:$0x1], $0x80, v3, vm1, $0xb8;
	[tilespmem:$0xA080] =	vst v63  }
0x2f: {  	v3 =	vld [tilespmem:$0x10];
	_ =	sdelay $0x4  }
0x30: {  	v61 =	vshrl.u32 v3, $0x3  }
0x31: {  	v4 =	vmul.u32 $0x28, v61  }
0x32: {  	v3 =	vand.u32 $0x7, v3  }
0x33: {  	v3 =	vor.u32 v3, v4  }
0x34: {  	v4 =	vperm.xlane v3, v0;
	_ =	sdelay $0x1  }
0x35: {  	v4 =	vadd.s32 v1, v4;
	_ =	sdelay $0x3  }
0x36: {  	v3 =	vperm.xlane v3, v2  }
0x37: {  	[hbm4b:s3+s2] =	stream.indirect_vreg.scatter [tilespmem:s13], [sflag:$0x1], $0x80, v4, vm0, $0xb8;
	[tilespmem:$0xA080] =	vst v63  }
0x38: {  	v3 =	vadd.s32 v1, v3  }
0x39: {  	[hbm4b:s4+s2] =	stream.indirect_vreg.scatter [tilespmem:s14], [sflag:$0x1], $0x80, v4, vm0, $0xb8;
	[tilespmem:$0xA080] =	vst v63  }
0x3a: {  	_ = 	snop  }
0x3b: {  	[hbm4b:s5+s2] =	stream.indirect_vreg.scatter [tilespmem:s15], [sflag:$0x1], $0x80, v4, vm1, $0xb8;
	[tilespmem:$0xA080] =	vst v63  }
0x3c: {  	_ = 	snop  }
0x3d: {  	[hbm4b:s3+s2] =	stream.indirect_vreg.scatter [tilespmem:s16], [sflag:$0x1], $0x80, v3, vm0, $0xb8;
	[tilespmem:$0xA080] =	vst v63  }
0x3e: {  	_ = 	snop  }
0x3f: {  	[hbm4b:s4+s2] =	stream.indirect_vreg.scatter [tilespmem:s17], [sflag:$0x1], $0x80, v3, vm0, $0xb8;
	[tilespmem:$0xA080] =	vst v63  }
0x40: {  	_ = 	snop  }
0x41: {  	[hbm4b:s5+s2] =	stream.indirect_vreg.scatter [tilespmem:s18], [sflag:$0x1], $0x80, v3, vm1, $0xb8;
	[tilespmem:$0xA080] =	vst v63  }
0x42: {  	v3 =	vld [tilespmem:$0x20];
	_ =	sdelay $0x4  }
0x43: {  	v62 =	vshrl.u32 v3, $0x3  }
0x44: {  	v4 =	vmul.u32 $0x28, v62  }
0x45: {  	v3 =	vand.u32 $0x7, v3  }
0x46: {  	v3 =	vor.u32 v3, v4  }
0x47: {  	v4 =	vperm.xlane v3, v0;
	_ =	sdelay $0x1  }
0x48: {  	v4 =	vadd.s32 v1, v4;
	_ =	sdelay $0x3  }
0x49: {  	v3 =	vperm.xlane v3, v2  }
0x4a: {  	[hbm4b:s3+s2] =	stream.indirect_vreg.scatter [tilespmem:s19], [sflag:$0x1], $0x80, v4, vm0, $0xb8;
	[tilespmem:$0xA080] =	vst v63  }
0x4b: {  	v3 =	vadd.s32 v1, v3  }
0x4c: {  	[hbm4b:s4+s2] =	stream.indirect_vreg.scatter [tilespmem:s20], [sflag:$0x1], $0x80, v4, vm0, $0xb8;
	[tilespmem:$0xA080] =	vst v63  }
0x4d: {  	_ = 	snop  }
0x4e: {  	[hbm4b:s5+s2] =	stream.indirect_vreg.scatter [tilespmem:s21], [sflag:$0x1], $0x80, v4, vm1, $0xb8;
	[tilespmem:$0xA080] =	vst v63  }
0x4f: {  	_ = 	snop  }
0x50: {  	[hbm4b:s3+s2] =	stream.indirect_vreg.scatter [tilespmem:s22], [sflag:$0x1], $0x80, v3, vm0, $0xb8;
	[tilespmem:$0xA080] =	vst v63  }
0x51: {  	_ = 	snop  }
0x52: {  	[hbm4b:s4+s2] =	stream.indirect_vreg.scatter [tilespmem:s23], [sflag:$0x1], $0x80, v3, vm0, $0xb8;
	[tilespmem:$0xA080] =	vst v63  }
0x53: {  	_ = 	snop  }
0x54: {  	[hbm4b:s5+s2] =	stream.indirect_vreg.scatter [tilespmem:s24], [sflag:$0x1], $0x80, v3, vm1, $0xb8;
	[tilespmem:$0xA080] =	vst v63  }
0x55: {  	v3 =	vld [tilespmem:$0x30];
	_ =	sdelay $0x4  }
0x56: {  	v63 =	vshrl.u32 v3, $0x3  }
0x57: {  	v4 =	vmul.u32 $0x28, v63  }
0x58: {  	v3 =	vand.u32 $0x7, v3  }
0x59: {  	v3 =	vor.u32 v3, v4  }
0x5a: {  	v4 =	vperm.xlane v3, v0;
	_ =	sdelay $0x1  }
0x5b: {  	v4 =	vadd.s32 v1, v4;
	_ =	sdelay $0x3  }
0x5c: {  	v3 =	vperm.xlane v3, v2  }
0x5d: {  	[hbm4b:s3+s2] =	stream.indirect_vreg.scatter [tilespmem:s25], [sflag:$0x1], $0x80, v4, vm0, $0xb8;
	[tilespmem:$0xA080] =	vst v63  }
0x5e: {  	v3 =	vadd.s32 v1, v3  }
0x5f: {  	[hbm4b:s4+s2] =	stream.indirect_vreg.scatter [tilespmem:s26], [sflag:$0x1], $0x80, v4, vm0, $0xb8;
	[tilespmem:$0xA080] =	vst v63  }
0x60: {  	_ = 	snop  }
0x61: {  	[hbm4b:s5+s2] =	stream.indirect_vreg.scatter [tilespmem:s28], [sflag:$0x1], $0x80, v4, vm1, $0xb8;
	[tilespmem:$0xA080] =	vst v63  }
0x62: {  	_ = 	snop  }
0x63: {  	[hbm4b:s3+s2] =	stream.indirect_vreg.scatter [tilespmem:s29], [sflag:$0x1], $0x80, v3, vm0, $0xb8;
	[tilespmem:$0xA080] =	vst v63  }
0x64: {  	p0 =	sne.s32 s6, $0x1  }
0x65: {  	[hbm4b:s4+s2] =	stream.indirect_vreg.scatter [tilespmem:s30], [sflag:$0x1], $0x80, v3, vm0, $0xb8;
	[tilespmem:$0xA080] =	vst v63  }
.Ltmp0:
0x66: {  	_ = 	snop;
	(pc) =	sbr.rel @p0 .LBB2_1-.Ltmp0, $4  }
0x67: {  	[hbm4b:s5+s2] =	stream.indirect_vreg.scatter [tilespmem:s31], [sflag:$0x1], $0x80, v3, vm1, $0xb8;
	[tilespmem:$0xA080] =	vst v63  }
0x68: {  	_ =	swait.ge [sflag:s1], $0xA000  }
0x69: {  	[sflag:s1] =	ssyncset.done $0x0  }
0x6a: {  	s6 =	sadd.s32 $0xFFFFFFFF, s6;
	[sflag:s1] =	ssyncadd.s32 $0xFFFF6000  }
0x6b: {  	_ =	sfence.sel $0x180000  }
0x6c: {  	[bflag:$0x0] =	sbarrier.arrive $0xFFFF  }
0x6d: {  	_ =	strace $0x90000047  }
0x6e: {  	s0 =	stileid.u32;
	[bflag:$0x2] =	sbarrier.arrive $0xFFFF  }
0x6f: {  	p0 =	sne.s32 s0, $0x0;
	s0 =	rddreg [dreg:$0x2]  }
0x70: {  	s0 =	sadd.s32 @!p0 $0x100000, s0  }
0x71: {  	[sflag:s0] =	ssyncadd.tile.s32 @!p0 $0x1;
	_ =	shalt  }
.Lfunc_end2:
_tile_overlayer_lowered:
.L_overlay_start_2:
0x72: {  	(tag) =	ssettag $0x2  }
0x73: {  	s0 =	rddreg [dreg:$0x0];
	s2 =	stileid.u32  }
0x74: {  	s1 =	rddreg [dreg:$0x1];
	p0 =	sne.s32 s2, $0x0  }
0x75: {  	s3 =	rddreg [dreg:$0x2];
	[bflag:$0x3] =	sbarrier.arrive $0xFFFF;
	s2 =	simm.s32 @!p0 $0x1C02  }
0x76: {  	[timem:s3], [sflag:s2] =	dma.local @!p0 [hbm:s0], s1  }
0x77: {  	s0 =	simm.s32 @!p0 $0x2  }
0x78: {  	_ =	swait.ge @!p0 [sflag:s0], s1  }
0x79: {  	s1 =	ssub.s32 @!p0 $0x0, s1;
	[sflag:s0] =	ssyncset.done @!p0 $0x0  }
0x7a: {  	[sflag:s0] =	ssyncadd.s32 @!p0 s1  }
0x7b: {  	[bflag:$0x3] =	sbarrier.arrive $0xFFFF  }
0x7c: {  	_ =	shalt  }

// kernel: kernel.9.cloned.1.call-start
scs
__scs_entry_jumppad:
0x0: {  	(pc) =	sbr.rel $0x88, $3  }
0x1: {  	(tag) =	ssettag $0x0;
	lr =	simm.s32 $0x1  }
0x2: {  	[smem:$0x3F98] =	sst lr;
	_ =	strace $0xD0000000  }
0x3: {  	_ = 	snop  }
0x4: {  	_ = 	snop  }
0x5: {  	_ = 	snop  }
0x6: {  	_ = 	snop  }
0x7: {  	_ = 	snop  }
__scs_overlays_trampoline_lowered:
0x8: {  	[smem:$0x3FA7] =	sst s0  }
0x9: {  	[smem:$0x3FA8] =	sst s1  }
0xa: {  	[smem:$0x3FA9] =	sst s2  }
0xb: {  	[smem:$0x3FAA] =	sst s3  }
0xc: {  	[smem:$0x3FAB] =	sst s4  }
0xd: {  	[smem:$0x3FAC] =	sst s5  }
0xe: {  	[smem:$0x3FAD] =	sst s6  }
0xf: {  	[smem:$0x3FAE] =	sst s7  }
0x10: {  	[smem:$0x3FAF] =	sst s8  }
0x11: {  	[smem:$0x3FB0] =	sst s9;
	s0 =	simm.s32 @!p0 $0x0  }
0x12: {  	s1 =	sld [smem:$0x3F96];
	s0 =	simm.s32 @p0 $0x1  }
0x13: {  	[smem:$0x3FB1] =	sst s0;
	s0 =	simm.s32 @!p1 $0x0  }
0x14: {  	s2 =	sld [smem:$0x3F95];
	s0 =	simm.s32 @p1 $0x1  }
0x15: {  	[smem:$0x3FB2] =	sst s0;
	s0 =	simm.s32 @!p2 $0x0  }
0x16: {  	s3 =	sld [smem:$0x3FDB];
	s0 =	simm.s32 @p2 $0x1  }
0x17: {  	s4 =	simm.s32 $0x1BF5;
	[smem:$0x3FB4] =	sst s0  }
0x18: {  	s0 =	sld [smem:$0x3F97];
	_ =	swait.ge [sflag:s4], $0x0  }
0x19: {  	s7 =	sld [smem:$0x3F98]  }
0x1a: {  	s8 =	sadd.s32 $0xFFFFE003, lr  }
0x1b: {  	s9 =	sadd.s32 $0xFFFFFEF7, lr;
	s5 =	simm.s32 $0xFFFFFFFF;
	p2 =	slt.u32 s8, $0xFFFFF086  }
0x1c: {  	p1 =	slt.u32 s9, $0xF7A;
	s5 =	simm.s32 @!p2 $0x0  }
0x1d: {  	s5 =	simm.s32 @p1 $0x1;
	p0 =	seq.s32 s7, s2  }
0x1e: {  	s7 =	smul.u32 @!p0 $0xF7A, s2;
	p2 =	seq.s32 @!p0 s5, $0x0  }
0x1f: {  	s9 =	smul.u32 $0xF7A, s1;
	s8 =	simm.s32 @!p0 $0x1BF5;
	p2 =	por !p2, p0  }
0x20: {  	[sflag:s8] =	ssyncset.s32 @!p0 $0xFFFFF086;
	s6 =	sadd.s32 @!p0 s3, s7;
	s7 =	simm.s32 @!p0 $0x108  }
0x21: {  	s3 =	sadd.s32 s3, s9;
	s6 =	sadd.s32 @!p0 $0x88, s6;
	s7 =	simm.s32 @p2 $0x1082  }
0x22: {  	[simem:s7], [sflag:s8] =	dma.local @!p0 [hbm:s6], $0xF7A  }
0x23: {  	s9 =	sor.u32 $0xD0000000, s2;
	s6 =	simm.s32 $0x108;
	_ =	swait.ge @!p0 [sflag:s8], $0x0  }
0x24: {  	s3 =	sadd.s32 $0x88, s3;
	s6 =	simm.s32 @!p1 $0x1082;
	[sflag:s4] =	ssyncset.s32 $0xFFFFF086  }
0x25: {  	[simem:s6], [sflag:s4] =	dma.local [hbm:s3], $0xF7A  }
0x26: {  	[smem:$0x3F98] =	sst s1;
	(tag) =	ssettag s2;
	_ =	strace s9  }
0x27: {  	s1 =	sld [smem:$0x3FA8]  }
0x28: {  	s2 =	sld [smem:$0x3FA9]  }
0x29: {  	s4 =	sld [smem:$0x3FAB]  }
0x2a: {  	p0 =	seq.s32 s5, $0x0;
	s5 =	sld [smem:$0x3FAC]  }
0x2b: {  	s6 =	sld [smem:$0x3FAD]  }
0x2c: {  	s7 =	sld [smem:$0x3FAE]  }
0x2d: {  	s3 =	simm.s32 $0x108;
	s8 =	sld [smem:$0x3FAF]  }
0x2e: {  	s3 =	simm.s32 @!p0 $0x1082;
	s9 =	sld [smem:$0x3FB0]  }
0x2f: {  	lr =	sadd.s32 s0, s3;
	s0 =	sld [smem:$0x3FA7]  }
0x30: {  	s3 =	sld [smem:$0x3FAA]  }
0x31: {  	[smem:$0x3FB3] =	sst s10  }
0x32: {  	s10 =	sld [smem:$0x3FB1];
	_ =	sdelay $0x3  }
0x33: {  	p0 =	seq.s32 s10, $0x1;
	s10 =	sld [smem:$0x3FB3];
	_ =	sdelay $0x3  }
0x34: {  	[smem:$0x3FB3] =	sst s10  }
0x35: {  	s10 =	sld [smem:$0x3FB2];
	_ =	sdelay $0x3  }
0x36: {  	p1 =	seq.s32 s10, $0x1;
	s10 =	sld [smem:$0x3FB3];
	_ =	sdelay $0x3  }
0x37: {  	[smem:$0x3FB3] =	sst s10  }
0x38: {  	s10 =	sld [smem:$0x3FB4]  }
0x39: {  	_ = 	snop;
	(pc) =	sbr.ind lr, $3  }
0x3a: {  	_ = 	snop  }
0x3b: {  	_ = 	snop  }
0x3c: {  	p2 =	seq.s32 s10, $0x1;
	s10 =	sld [smem:$0x3FB3]  }
0x3d: {  	_ =	shalt  }
0x3e: {  	_ =	shalt  }
0x3f: {  	_ =	shalt  }
0x40: {  	_ =	shalt  }
0x41: {  	_ =	shalt  }
0x42: {  	_ =	shalt  }
0x43: {  	_ =	shalt  }
0x44: {  	_ =	shalt  }
0x45: {  	_ =	shalt  }
0x46: {  	_ =	shalt  }
0x47: {  	_ =	shalt  }
0x48: {  	_ =	shalt  }
0x49: {  	_ =	shalt  }
0x4a: {  	_ =	shalt  }
0x4b: {  	_ =	shalt  }
0x4c: {  	_ =	shalt  }
0x4d: {  	_ =	shalt  }
0x4e: {  	_ =	shalt  }
0x4f: {  	_ =	shalt  }
0x50: {  	_ =	shalt  }
0x51: {  	_ =	shalt  }
0x52: {  	_ =	shalt  }
0x53: {  	_ =	shalt  }
0x54: {  	_ =	shalt  }
0x55: {  	_ =	shalt  }
0x56: {  	_ =	shalt  }
0x57: {  	_ =	shalt  }
0x58: {  	_ =	shalt  }
0x59: {  	_ =	shalt  }
0x5a: {  	_ =	shalt  }
0x5b: {  	_ =	shalt  }
0x5c: {  	_ =	shalt  }
0x5d: {  	_ =	shalt  }
0x5e: {  	_ =	shalt  }
0x5f: {  	_ =	shalt  }
0x60: {  	_ =	shalt  }
0x61: {  	_ =	shalt  }
0x62: {  	_ =	shalt  }
0x63: {  	_ =	shalt  }
0x64: {  	_ =	shalt  }
0x65: {  	_ =	shalt  }
0x66: {  	_ =	shalt  }
0x67: {  	_ =	shalt  }
0x68: {  	_ =	shalt  }
0x69: {  	_ =	shalt  }
0x6a: {  	_ =	shalt  }
0x6b: {  	_ =	shalt  }
0x6c: {  	_ =	shalt  }
0x6d: {  	_ =	shalt  }
0x6e: {  	_ =	shalt  }
0x6f: {  	_ =	shalt  }
0x70: {  	_ =	shalt  }
0x71: {  	_ =	shalt  }
0x72: {  	_ =	shalt  }
0x73: {  	_ =	shalt  }
0x74: {  	_ =	shalt  }
0x75: {  	_ =	shalt  }
0x76: {  	_ =	shalt  }
0x77: {  	_ =	shalt  }
0x78: {  	_ =	shalt  }
0x79: {  	_ =	shalt  }
0x7a: {  	_ =	shalt  }
0x7b: {  	_ =	shalt  }
0x7c: {  	_ =	shalt  }
0x7d: {  	_ =	shalt  }
0x7e: {  	_ =	shalt  }
0x7f: {  	_ =	shalt  }
0x80: {  	_ =	shalt  }
0x81: {  	_ =	shalt  }
0x82: {  	_ =	shalt  }
0x83: {  	_ =	shalt  }
0x84: {  	_ =	shalt  }
0x85: {  	_ =	shalt  }
0x86: {  	_ =	shalt  }
0x87: {  	_ =	shalt  }
.Lfunc_end0:
.L_simem_size_0:
called_computation.1_lowered:
.L_overlay_start_0:
0x88: {  	s2 =	sld [smem:$0x3FD9]  }
0x89: {  	s3 =	sld [smem:$0x3FFE];
	_ =	sdelay $0x1  }
0x8a: {  	s1 =	srdreg.scid  }
0x8b: {  	s0 =	sand.u32 $0x1, s1  }
0x8c: {  	s17 =	sshll.u32 s0, $0xA;
	s2 =	sadd.s32 s3, s2  }
0x8d: {  	s2 =	sadd.s32 s2, s17  }
0x8e: {  	[smem:$0x3FBF] =	sst s2  }
0x8f: {  	_ = 	snop  }
0x90: {  	s2 =	sld [smem:$0x3FD0];
	(tm) =	ssettm $0x1  }
0x91: {  	s18 =	sld [smem:$0x3FFB];
	_ =	sdelay $0x3  }
0x92: {  	_ =	strace s18  }
0x93: {  	s3 =	sld [smem:$0x3FFC];
	_ =	sdelay $0x3  }
0x94: {  	_ =	strace s3  }
0x95: {  	s3 =	sld [smem:$0x3FFD];
	_ =	sdelay $0x3  }
0x96: {  	_ =	strace s3  }
0x97: {  	_ =	strace $0x8FFFFFFF  }
0x98: {  	s19 =	sld [smem:$0x3FDB];
	_ =	sdelay $0x1  }
0x99: {  	s4 =	simm.s32 $_scs_section_size  }
0x9a: {  	s5 =	simm.s32 $_size__tile_overlayer_lowered;
	s6 =	simm.s32 $_tile_overlayer_lowered  }
0x9b: {  	s22 =	simm.s32 $0x1BFF;
	s21 =	sshll.u32 s6, $0x1;
	s3 =	sadd.s32 s4, s19  }
0x9c: {  	s7 =	simm.s32 $0x0;
	s20 =	sshll.u32 s5, $0x1;
	s5 =	sadd.s32 s21, s3  }
0x9d: {  	[timem:s7], [sflag:s22] =	dma.local [hbm:s5], s20  }
0x9e: {  	_ =	swait.ge [sflag:s22], s20  }
0x9f: {  	s4 =	ssub.s32 $0x0, s20;
	[sflag:s22] =	ssyncset.done $0x0  }
0xa0: {  	[sflag:s22] =	ssyncadd.s32 s4;
	_ =	sdelay $0x1  }
0xa1: {  	s23 =	simm.s32 $0x1B8B  }
0xa2: {  	_ =	swait.ge [sflag:s23], $0x1  }
0xa3: {  	[sflag:s23] =	ssyncset.done $0x0  }
0xa4: {  	s25 =	simm.s32 $0x1B8E;
	s24 =	sld [smem:$0x3FFE];
	[sflag:s23] =	ssyncadd.s32 $0xFFFFFFFF  }
0xa5: {  	s26 =	simm.s32 $execute0_lowered;
	[smem:$0x3FD2] =	sst s25  }
0xa6: {  	s5 =	sshll.u32 s26, $0x1;
	_ =	strace $0x80000049;
	[dreg:$0x1] =	wrdreg $0xFFFFFFFF  }
0xa7: {  	s28 =	simm.s32 $_size_execute0_lowered;
	s3 =	sadd.s32 s3, s5;
	[dreg:$0x0] =	wrdreg $0x0  }
0xa8: {  	s5 =	sshll.u32 s28, $0x1;
	[dreg:$0x2] =	wrdreg s3  }
0xa9: {  	[dreg:$0x3] =	wrdreg s5  }
0xaa: {  	[dreg:$0x4] =	wrdreg $0xC0  }
0xab: {  	_ =	task [dreg:s7], $0x5FFFF  }
0xac: {  	[dreg:$0x1] =	wrdreg $0xFFFFFFFF  }
0xad: {  	[dreg:$0x0] =	wrdreg $0x60  }
0xae: {  	[dreg:$0x2] =	wrdreg s24  }
0xaf: {  	[dreg:$0x3] =	wrdreg s2  }
0xb0: {  	[dreg:$0x4] =	wrdreg $0x9  }
0xb1: {  	_ =	task.clear_ibuf [dreg:s7], $0x5FFFF;
	_ =	strace $0x90000049  }
0xb2: {  	s29 =	simm.s32 $0x9;
	_ =	strace $0x8000004B  }
0xb3: {  	_ =	swait.ge [sflag:s29], $0x1  }
0xb4: {  	[sflag:s29] =	ssyncadd.s32 $0xFFFFFFFF  }
0xb5: {  	_ =	strace $0x9000004B  }
0xb6: {  	_ =	sfence  }
0xb7: {  	s30 =	sld [smem:$0x0];
	_ =	sdelay $0x2  }
0xb8: {  	s31 =	sshll.u32 s1, $0xD;
	s1 =	sshrl.u32 s1, $0x2  }
0xb9: {  	s3 =	sand.u32 $0x4000, s31;
	s1 =	sadd.s32 s1, s30  }
0xba: {  	s0 =	sor.u32 s3, s0;
	s1 =	sshll.u32 s1, $0x11  }
0xbb: {  	s0 =	sor.u32 s1, s0  }
0xbc: {  	s0 =	sadd.s32 $0x8F2B, s0  }
0xbd: {  	[sflag:s0] =	ssyncadd.remote.s32 $0x1  }
0xbe: {  	_ =	sfence.sel $0xFFFF  }
0xbf: {  	[dreg:$0x0] =	wrdreg $0xFFFFFFFF;
	(pc) =	sbr.abs _section_cstart, $3  }
0xc0: {  	[dreg:$0x1] =	wrdreg $0xFFFFFFFF  }
0xc1: {  	_ =	task.clear_ibuf [dreg:s7], $0x2FFFF;
	_ =	strace $0x9FFFFFFF  }
0xc2: {  	(tm) =	ssettm $0x7FFFFFFF  }
0xc3: {  	_ =	shalt  }
tec
execute0_lowered:
.L_overlay_start_1:
0x0: {  	(tag) =	ssettag $0x1  }
0x1: {  	s1 =	srdreg.scid  }
0x2: {  	s0 =	stileid.u32;
	s6 =	rddreg [dreg:$0x0]  }
0x3: {  	s4 =	rddreg [dreg:$0x1];
	s18 =	simm.s32 $0x880;
	s19 =	simm.s32 $0x1080  }
0x4: {  	s20 =	simm.s32 $0x1880;
	s22 =	simm.s32 $0x2080;
	s23 =	simm.s32 $0x2880  }
0x5: {  	s7 =	simm.s32 $0x3080;
	s24 =	simm.s32 $0x3880;
	s8 =	simm.s32 $0x4080  }
0x6: {  	s25 =	simm.s32 $0x4880;
	s26 =	simm.s32 $0x5080;
	s1 =	sand.u32 $0x1, s1  }
0x7: {  	s9 =	simm.s32 $0x80;
	s2 =	sshll.u32 s0, $0x7;
	s3 =	sshll.u32 s1, $0x6  }
0x8: {  	s11 =	simm.s32 $0x6080;
	s3 =	sor.u32 s3, s2;
	s2 =	simm.s32 $0x0  }
0x9: {  	s12 =	simm.s32 $0x6880;
	s13 =	simm.s32 $0x7080;
	[smem:$0x7FF] =	sst s2  }
0xa: {  	s14 =	simm.s32 $0x7880;
	_ =	strace $0x8000004A;
	[dreg:$0x5] =	wrdreg s18  }
0xb: {  	s15 =	simm.s32 $0x8080;
	s16 =	simm.s32 $0x8880;
	[dreg:$0x6] =	wrdreg s19  }
0xc: {  	s17 =	simm.s32 $0x9080;
	s28 =	simm.s32 $0xE080;
	[dreg:$0x7] =	wrdreg s20  }
0xd: {  	s29 =	simm.s32 $0xE880;
	s30 =	simm.s32 $0xF080;
	[dreg:$0x8] =	wrdreg s22  }
0xe: {  	s31 =	simm.s32 $0xF880;
	s1 =	ssub.s32 $0x2, s1;
	[dreg:$0x9] =	wrdreg s23  }
0xf: {  	s21 =	sshrl.u32 s1, $0x1;
	s5 =	sshrl.u32 s3, $0x3;
	[dreg:$0xa] =	wrdreg s7  }
0x10: {  	s3 =	sshll.u32 s3, $0x7;
	s1 =	ssub.s32 s1, s21;
	[dreg:$0xb] =	wrdreg s24  }
0x11: {  	s21 =	simm.s32 $0xB080;
	s5 =	sadd.s32 s5, s6;
	[dreg:$0xc] =	wrdreg s8  }
0x12: {  	s3 =	sadd.s32 s4, s3;
	s4 =	sadd.s32 $0x2AD00, s6;
	[dreg:$0xd] =	wrdreg s25  }
0x13: {  	s7 =	smax.u32 s1, $0x1;
	s8 =	simm.s32 $0x2;
	[dreg:$0xe] =	wrdreg s26  }
0x14: {  	s18 =	simm.s32 $0x9880;
	s19 =	simm.s32 $0xA080;
	s20 =	simm.s32 $0xA880  }
0x15: {  	s22 =	simm.s32 $0xB880;
	s23 =	simm.s32 $0xC080;
	s24 =	simm.s32 $0xC880  }
0x16: {  	v2 =	vlaneseq.u32;
	s25 =	simm.s32 $0xD080;
	s26 =	simm.s32 $0xD880;
	s1 =	simm.s32 $0x1  }
0x17: {  	vm0 =	vmmov $0xffff;
	v1 =	vshrl.u32 v2, $0x3;
	s5 =	sadd.s32 $0x1C00, s5;
	[dreg:$0x4] =	wrdreg s3;
	s3 =	sadd.s32 $0x2AC00, s6  }
0x18: {  	v0 =	vand.u32 $0x7, v2;
	v2 =	vor.u32 $0x8, v2;
	v1 =	vmul.u32 $0x8, v1;
	[dreg:$0x3] =	wrdreg s5;
	s5 =	sadd.s32 $0x2AE00, s6;
	s6 =	sadd.s32 $0x2AF00, s6  }
.LBB2_1:
0x19: {  	s0 =	rddreg [dreg:$0x3]  }
0x1a: {  	[tilespmem:s2], [sflag:$0x2] =	stream.linear.gather [hbm4b:s0+s2], $0x40, $0x38;
	[tilespmem:$0x10080] =	vst v63  }
0x1b: {  	_ =	swait.ge [sflag:s8], $0x40  }
0x1c: {  	[sflag:s8] =	ssyncset.done $0x0  }
0x1d: {  	[sflag:s8] =	ssyncadd.s32 $0xFFFFFFC0  }
0x1e: {  	v3 =	vld [tilespmem:$0x0];
	_ =	sdelay $0x4  }
0x1f: {  	v4 =	vshll.u32 v3, $0x3  }
0x20: {  	v3 =	vand.u32 $0x7, v3;
	v4 =	vand.u32 $0xFFFFFFC0, v4  }
0x21: {  	v3 =	vor.u32 v3, v4  }
0x22: {  	v4 =	vperm.xlane v3, v0;
	_ =	sdelay $0x1  }
0x23: {  	v4 =	vadd.s32 v1, v4;
	_ =	sdelay $0x4  }
0x24: {  	[tilespmem:s9], [sflag:$0x1] =	stream.indirect_vreg.gather [hbm4b:s3+s2], $0x80, v4, vm0, $0xb8;
	[tilespmem:$0x10080] =	vst v63  }
0x25: {  	s0 =	rddreg [dreg:$0x5];
	v3 =	vperm.xlane v3, v2  }
0x26: {  	[tilespmem:s0], [sflag:$0x1] =	stream.indirect_vreg.gather [hbm4b:s4+s2], $0x80, v4, vm0, $0xb8;
	[tilespmem:$0x10080] =	vst v63  }
0x27: {  	s10 =	rddreg [dreg:$0x6];
	v3 =	vadd.s32 v1, v3  }
0x28: {  	[tilespmem:s10], [sflag:$0x1] =	stream.indirect_vreg.gather [hbm4b:s5+s2], $0x80, v4, vm0, $0xb8;
	[tilespmem:$0x10080] =	vst v63  }
0x29: {  	s0 =	rddreg [dreg:$0x7]  }
0x2a: {  	[tilespmem:s0], [sflag:$0x1] =	stream.indirect_vreg.gather [hbm4b:s6+s2], $0x80, v4, vm0, $0xb8;
	[tilespmem:$0x10080] =	vst v63  }
0x2b: {  	s10 =	rddreg [dreg:$0x8]  }
0x2c: {  	[tilespmem:s10], [sflag:$0x1] =	stream.indirect_vreg.gather [hbm4b:s3+s2], $0x80, v3, vm0, $0xb8;
	[tilespmem:$0x10080] =	vst v63  }
0x2d: {  	s0 =	rddreg [dreg:$0x9]  }
0x2e: {  	[tilespmem:s0], [sflag:$0x1] =	stream.indirect_vreg.gather [hbm4b:s4+s2], $0x80, v3, vm0, $0xb8;
	[tilespmem:$0x10080] =	vst v63  }
0x2f: {  	s10 =	rddreg [dreg:$0xa]  }
0x30: {  	[tilespmem:s10], [sflag:$0x1] =	stream.indirect_vreg.gather [hbm4b:s5+s2], $0x80, v3, vm0, $0xb8;
	[tilespmem:$0x10080] =	vst v63  }
0x31: {  	s0 =	rddreg [dreg:$0xb]  }
0x32: {  	[tilespmem:s0], [sflag:$0x1] =	stream.indirect_vreg.gather [hbm4b:s6+s2], $0x80, v3, vm0, $0xb8;
	[tilespmem:$0x10080] =	vst v63  }
0x33: {  	v3 =	vld [tilespmem:$0x10];
	_ =	sdelay $0x4  }
0x34: {  	v61 =	vshll.u32 v3, $0x3  }
0x35: {  	v3 =	vand.u32 $0x7, v3;
	v4 =	vand.u32 $0xFFFFFFC0, v61  }
0x36: {  	v3 =	vor.u32 v3, v4  }
0x37: {  	v4 =	vperm.xlane v3, v0;
	_ =	sdelay $0x1  }
0x38: {  	v4 =	vadd.s32 v1, v4;
	_ =	sdelay $0x3  }
0x39: {  	s0 =	rddreg [dreg:$0xc]  }
0x3a: {  	[tilespmem:s0], [sflag:$0x1] =	stream.indirect_vreg.gather [hbm4b:s3+s2], $0x80, v4, vm0, $0xb8;
	[tilespmem:$0x10080] =	vst v63  }
0x3b: {  	s10 =	rddreg [dreg:$0xd];
	v3 =	vperm.xlane v3, v2  }
0x3c: {  	[tilespmem:s10], [sflag:$0x1] =	stream.indirect_vreg.gather [hbm4b:s4+s2], $0x80, v4, vm0, $0xb8;
	[tilespmem:$0x10080] =	vst v63  }
0x3d: {  	v3 =	vadd.s32 v1, v3;
	s0 =	rddreg [dreg:$0xe]  }
0x3e: {  	[tilespmem:s0], [sflag:$0x1] =	stream.indirect_vreg.gather [hbm4b:s5+s2], $0x80, v4, vm0, $0xb8;
	[tilespmem:$0x10080] =	vst v63  }
0x3f: {  	s10 =	simm.s32 $0x5880  }
0x40: {  	[tilespmem:s10], [sflag:$0x1] =	stream.indirect_vreg.gather [hbm4b:s6+s2], $0x80, v4, vm0, $0xb8;
	[tilespmem:$0x10080] =	vst v63  }
0x41: {  	_ = 	snop  }
0x42: {  	[tilespmem:s11], [sflag:$0x1] =	stream.indirect_vreg.gather [hbm4b:s3+s2], $0x80, v3, vm0, $0xb8;
	[tilespmem:$0x10080] =	vst v63  }
0x43: {  	_ = 	snop  }
0x44: {  	[tilespmem:s12], [sflag:$0x1] =	stream.indirect_vreg.gather [hbm4b:s4+s2], $0x80, v3, vm0, $0xb8;
	[tilespmem:$0x10080] =	vst v63  }
0x45: {  	_ = 	snop  }
0x46: {  	[tilespmem:s13], [sflag:$0x1] =	stream.indirect_vreg.gather [hbm4b:s5+s2], $0x80, v3, vm0, $0xb8;
	[tilespmem:$0x10080] =	vst v63  }
0x47: {  	_ = 	snop  }
0x48: {  	[tilespmem:s14], [sflag:$0x1] =	stream.indirect_vreg.gather [hbm4b:s6+s2], $0x80, v3, vm0, $0xb8;
	[tilespmem:$0x10080] =	vst v63  }
0x49: {  	v3 =	vld [tilespmem:$0x20];
	_ =	sdelay $0x4  }
0x4a: {  	v62 =	vshll.u32 v3, $0x3  }
0x4b: {  	v3 =	vand.u32 $0x7, v3;
	v4 =	vand.u32 $0xFFFFFFC0, v62  }
0x4c: {  	v3 =	vor.u32 v3, v4  }
0x4d: {  	v4 =	vperm.xlane v3, v0;
	_ =	sdelay $0x1  }
0x4e: {  	v4 =	vadd.s32 v1, v4;
	_ =	sdelay $0x4  }
0x4f: {  	[tilespmem:s15], [sflag:$0x1] =	stream.indirect_vreg.gather [hbm4b:s3+s2], $0x80, v4, vm0, $0xb8;
	[tilespmem:$0x10080] =	vst v63  }
0x50: {  	v3 =	vperm.xlane v3, v2  }
0x51: {  	[tilespmem:s16], [sflag:$0x1] =	stream.indirect_vreg.gather [hbm4b:s4+s2], $0x80, v4, vm0, $0xb8;
	[tilespmem:$0x10080] =	vst v63  }
0x52: {  	v3 =	vadd.s32 v1, v3  }
0x53: {  	[tilespmem:s17], [sflag:$0x1] =	stream.indirect_vreg.gather [hbm4b:s5+s2], $0x80, v4, vm0, $0xb8;
	[tilespmem:$0x10080] =	vst v63  }
0x54: {  	_ = 	snop  }
0x55: {  	[tilespmem:s18], [sflag:$0x1] =	stream.indirect_vreg.gather [hbm4b:s6+s2], $0x80, v4, vm0, $0xb8;
	[tilespmem:$0x10080] =	vst v63  }
0x56: {  	_ = 	snop  }
0x57: {  	[tilespmem:s19], [sflag:$0x1] =	stream.indirect_vreg.gather [hbm4b:s3+s2], $0x80, v3, vm0, $0xb8;
	[tilespmem:$0x10080] =	vst v63  }
0x58: {  	_ = 	snop  }
0x59: {  	[tilespmem:s20], [sflag:$0x1] =	stream.indirect_vreg.gather [hbm4b:s4+s2], $0x80, v3, vm0, $0xb8;
	[tilespmem:$0x10080] =	vst v63  }
0x5a: {  	_ = 	snop  }
0x5b: {  	[tilespmem:s21], [sflag:$0x1] =	stream.indirect_vreg.gather [hbm4b:s5+s2], $0x80, v3, vm0, $0xb8;
	[tilespmem:$0x10080] =	vst v63  }
0x5c: {  	_ = 	snop  }
0x5d: {  	[tilespmem:s22], [sflag:$0x1] =	stream.indirect_vreg.gather [hbm4b:s6+s2], $0x80, v3, vm0, $0xb8;
	[tilespmem:$0x10080] =	vst v63  }
0x5e: {  	v3 =	vld [tilespmem:$0x30];
	_ =	sdelay $0x4  }
0x5f: {  	v63 =	vshll.u32 v3, $0x3  }
0x60: {  	v3 =	vand.u32 $0x7, v3;
	v4 =	vand.u32 $0xFFFFFFC0, v63  }
0x61: {  	v3 =	vor.u32 v3, v4  }
0x62: {  	v4 =	vperm.xlane v3, v0;
	_ =	sdelay $0x1  }
0x63: {  	v4 =	vadd.s32 v1, v4;
	_ =	sdelay $0x4  }
0x64: {  	[tilespmem:s23], [sflag:$0x1] =	stream.indirect_vreg.gather [hbm4b:s3+s2], $0x80, v4, vm0, $0xb8;
	[tilespmem:$0x10080] =	vst v63  }
0x65: {  	v3 =	vperm.xlane v3, v2  }
0x66: {  	[tilespmem:s24], [sflag:$0x1] =	stream.indirect_vreg.gather [hbm4b:s4+s2], $0x80, v4, vm0, $0xb8;
	[tilespmem:$0x10080] =	vst v63  }
0x67: {  	v3 =	vadd.s32 v1, v3  }
0x68: {  	[tilespmem:s25], [sflag:$0x1] =	stream.indirect_vreg.gather [hbm4b:s5+s2], $0x80, v4, vm0, $0xb8;
	[tilespmem:$0x10080] =	vst v63  }
0x69: {  	_ = 	snop  }
0x6a: {  	[tilespmem:s26], [sflag:$0x1] =	stream.indirect_vreg.gather [hbm4b:s6+s2], $0x80, v4, vm0, $0xb8;
	[tilespmem:$0x10080] =	vst v63  }
0x6b: {  	_ = 	snop  }
0x6c: {  	[tilespmem:s28], [sflag:$0x1] =	stream.indirect_vreg.gather [hbm4b:s3+s2], $0x80, v3, vm0, $0xb8;
	[tilespmem:$0x10080] =	vst v63  }
0x6d: {  	_ = 	snop  }
0x6e: {  	[tilespmem:s29], [sflag:$0x1] =	stream.indirect_vreg.gather [hbm4b:s4+s2], $0x80, v3, vm0, $0xb8;
	[tilespmem:$0x10080] =	vst v63  }
0x6f: {  	_ = 	snop  }
0x70: {  	[tilespmem:s30], [sflag:$0x1] =	stream.indirect_vreg.gather [hbm4b:s5+s2], $0x80, v3, vm0, $0xb8;
	[tilespmem:$0x10080] =	vst v63  }
0x71: {  	_ = 	snop  }
0x72: {  	[tilespmem:s31], [sflag:$0x1] =	stream.indirect_vreg.gather [hbm4b:s6+s2], $0x80, v3, vm0, $0xb8;
	[tilespmem:$0x10080] =	vst v63  }
0x73: {  	_ =	swait.ge [sflag:s1], $0x10000  }
0x74: {  	p0 =	sne.s32 s7, $0x1;
	[sflag:s1] =	ssyncset.done $0x0  }
.Ltmp0:
0x75: {  	s10 =	rddreg [dreg:$0x4];
	[sflag:s1] =	ssyncadd.s32 $0xFFFF0000;
	(pc) =	sbr.rel @p0 .LBB2_1-.Ltmp0, $4  }
0x76: {  	[hbm4b:s10+s2] =	stream.linear.scatter [tilespmem:s9], [sflag:$0x2], $0x10000, $0x38;
	[tilespmem:$0x10080] =	vst v63  }
0x77: {  	_ =	swait.ge [sflag:s8], $0x10000  }
0x78: {  	[sflag:s8] =	ssyncset.done $0x0  }
0x79: {  	s7 =	sadd.s32 $0xFFFFFFFF, s7;
	[sflag:s8] =	ssyncadd.s32 $0xFFFF0000  }
0x7a: {  	_ =	sfence.sel $0x180000  }
0x7b: {  	[bflag:$0x0] =	sbarrier.arrive $0xFFFF  }
0x7c: {  	_ =	strace $0x9000004A  }
0x7d: {  	s0 =	stileid.u32;
	[bflag:$0x2] =	sbarrier.arrive $0xFFFF  }
0x7e: {  	p0 =	sne.s32 s0, $0x0;
	s0 =	rddreg [dreg:$0x2]  }
0x7f: {  	s0 =	sadd.s32 @!p0 $0x100000, s0  }
0x80: {  	[sflag:s0] =	ssyncadd.tile.s32 @!p0 $0x1;
	_ =	shalt  }
.Lfunc_end2:
_tile_overlayer_lowered:
.L_overlay_start_2:
0x81: {  	(tag) =	ssettag $0x2  }
0x82: {  	s0 =	rddreg [dreg:$0x0];
	s2 =	stileid.u32  }
0x83: {  	s1 =	rddreg [dreg:$0x1];
	p0 =	sne.s32 s2, $0x0  }
0x84: {  	s3 =	rddreg [dreg:$0x2];
	[bflag:$0x3] =	sbarrier.arrive $0xFFFF;
	s2 =	simm.s32 @!p0 $0x1C02  }
0x85: {  	[timem:s3], [sflag:s2] =	dma.local @!p0 [hbm:s0], s1  }
0x86: {  	s0 =	simm.s32 @!p0 $0x2  }
0x87: {  	_ =	swait.ge @!p0 [sflag:s0], s1  }
0x88: {  	s1 =	ssub.s32 @!p0 $0x0, s1;
	[sflag:s0] =	ssyncset.done @!p0 $0x0  }
0x89: {  	[sflag:s0] =	ssyncadd.s32 @!p0 s1  }
0x8a: {  	[bflag:$0x3] =	sbarrier.arrive $0xFFFF  }
0x8b: {  	_ =	shalt  }

</sc_bundles>
